<compile_context>
chip_gen: v7x
topology: tpu7x:2x2x1
jax: 0.10.2.dev20260603
libtpu: 0.0.44.dev20260713+nightly
codegen_flags: <defaults>
</compile_context>

<pallas_src>
import functools

import jax
import jax.numpy as jnp
from jax import lax
from jax.experimental import pallas as pl
from jax.experimental.pallas import tpu as pltpu
from jax.experimental.pallas import tpu_sc as plsc

_E = 16
_K = 2
_T = 256
_MAXT = 32
_IH = 1


def _routing_body(ti_ref, pos_ref, texp_ref, trows_ref):
    p = ti_ref.shape[0]
    ev = ti_ref[:, :]
    e_iota = lax.broadcasted_iota(jnp.int32, (1, _E), 1)
    occ = (ev == e_iota).astype(jnp.int32)
    csum = occ
    sh = 1
    while sh < p:
        z = jnp.zeros((sh, _E), jnp.int32)
        csum = csum + jnp.concatenate([z, csum[: p - sh, :]], axis=0)
        sh *= 2
    counts = csum[p - 1 : p, :]
    tiles = (counts + (_T - 1)) // _T
    r_i = lax.broadcasted_iota(jnp.int32, (_E, _E), 0)
    c_i = lax.broadcasted_iota(jnp.int32, (_E, _E), 1)
    strict_lt = (r_i < c_i).astype(jnp.float32)
    toff = jax.lax.dot_general(
        tiles.astype(jnp.float32), strict_lt,
        (((1,), (0,)), ((), ())), preferred_element_type=jnp.float32,
    ).astype(jnp.int32)
    base = toff * _T
    rank = jnp.sum(occ * csum, axis=1, keepdims=True) - 1
    pos_ref[:, :] = jnp.sum(occ * base, axis=1, keepdims=True) + rank

    t_col = lax.broadcasted_iota(jnp.int32, (_MAXT, _E), 0)
    m = (t_col >= toff) & (t_col < toff + tiles)
    mi = m.astype(jnp.int32)
    texp_raw = jnp.sum(mi * e_iota, axis=1, keepdims=True)
    start = jnp.sum(mi * toff, axis=1, keepdims=True)
    cnt = jnp.sum(mi * counts, axis=1, keepdims=True)
    t1 = lax.broadcasted_iota(jnp.int32, (_MAXT, 1), 0)
    trows_ref[:, :] = jnp.clip(cnt - (t1 - start) * _T, 0, _T)
    total = jnp.sum(tiles)
    last_e = jnp.sum(jnp.where(t1 == total - 1, texp_raw, 0))
    texp_ref[:, :] = jnp.where(t1 < total, texp_raw, last_e)


def _routing(ti_flat):
    p = ti_flat.shape[0]
    return pl.pallas_call(
        _routing_body,
        grid=(1,),
        in_specs=[pl.BlockSpec((p, 1), lambda i: (0, 0))],
        out_specs=[
            pl.BlockSpec((p, 1), lambda i: (0, 0)),
            pl.BlockSpec((_MAXT, 1), lambda i: (0, 0)),
            pl.BlockSpec((_MAXT, 1), lambda i: (0, 0)),
        ],
        out_shape=[
            jax.ShapeDtypeStruct((p, 1), jnp.int32),
            jax.ShapeDtypeStruct((_MAXT, 1), jnp.int32),
            jax.ShapeDtypeStruct((_MAXT, 1), jnp.int32),
        ],
    )(ti_flat)


def _sc_dispatch(hidden, pos, n_slots):
    n, h = hidden.shape
    p = pos.shape[0]
    info = plsc.get_sparse_core_info()
    nw = info.num_cores * info.num_subcores
    per_w = p // nw
    ch = 16
    nch = per_w // ch
    mesh = plsc.VectorSubcoreMesh(core_axis_name="c", subcore_axis_name="s")

    @functools.partial(
        pl.kernel,
        mesh=mesh,
        out_type=jax.ShapeDtypeStruct((n_slots, h), jnp.float32),
        scratch_types=[
            pltpu.VMEM((ch,), jnp.int32),
            pltpu.VMEM((ch,), jnp.int32),
            pltpu.VMEM((ch,), jnp.int32),
            pltpu.VMEM((ch,), jnp.int32),
            pltpu.VMEM((ch, h), jnp.float32),
            pltpu.VMEM((ch, h), jnp.float32),
            pltpu.SemaphoreType.DMA,
            pltpu.SemaphoreType.DMA,
            pltpu.SemaphoreType.DMA,
            pltpu.SemaphoreType.DMA,
        ],
    )
    def k(hid_hbm, pos_hbm, xs_hbm,
          tokv0, tokv1, posv0, posv1, rows0, rows1, gs0, gs1, ss0, ss1):
        wid = lax.axis_index("s") * info.num_cores + lax.axis_index("c")
        base = wid * per_w
        iot = lax.iota(jnp.int32, 16)
        tokv = (tokv0, tokv1)
        posv = (posv0, posv1)
        rows = (rows0, rows1)
        gs = (gs0, gs1)
        ss = (ss0, ss1)

        def start_gather(c):
            b = c & 1
            off = base + c * ch
            for j in range(ch // 16):
                tokv[b][pl.ds(j * 16, 16)] = lax.shift_right_logical(
                    off + j * 16 + iot, 1)
            return pltpu.async_copy(hid_hbm.at[tokv[b]], rows[b], gs[b])

        hg = [None] * nch
        hs = [None] * nch
        hg[0] = start_gather(0)
        for c in range(nch):
            b = c & 1
            if c + 1 < nch:
                if c >= 1:
                    hs[c - 1].wait()
                hg[c + 1] = start_gather(c + 1)
            hg[c].wait()
            pltpu.sync_copy(pos_hbm.at[pl.ds(base + c * ch, ch)], posv[b])
            hs[c] = pltpu.async_copy(rows[b], xs_hbm.at[posv[b]], ss[b])
        if nch >= 2:
            hs[nch - 2].wait()
        hs[nch - 1].wait()

    return k(hidden, pos)


def _sc_gather(table, idx):
    v, h = table.shape
    p = idx.shape[0]
    info = plsc.get_sparse_core_info()
    nw = info.num_cores * info.num_subcores
    per_w = p // nw
    ch = 16
    nch = per_w // ch
    mesh = plsc.VectorSubcoreMesh(core_axis_name="c", subcore_axis_name="s")

    @functools.partial(
        pl.kernel,
        mesh=mesh,
        out_type=jax.ShapeDtypeStruct((p, h), jnp.float32),
        scratch_types=[
            pltpu.VMEM((ch,), jnp.int32),
            pltpu.VMEM((ch,), jnp.int32),
            pltpu.VMEM((ch, h), jnp.float32),
            pltpu.VMEM((ch, h), jnp.float32),
            pltpu.SemaphoreType.DMA,
            pltpu.SemaphoreType.DMA,
            pltpu.SemaphoreType.DMA,
            pltpu.SemaphoreType.DMA,
        ],
    )
    def k(tab_hbm, idx_hbm, out_hbm,
          idxv0, idxv1, rows0, rows1, gs0, gs1, ws0, ws1):
        wid = lax.axis_index("s") * info.num_cores + lax.axis_index("c")
        base = wid * per_w
        idxv = (idxv0, idxv1)
        rows = (rows0, rows1)
        gs = (gs0, gs1)
        ws = (ws0, ws1)

        def start_gather(c):
            b = c & 1
            pltpu.sync_copy(idx_hbm.at[pl.ds(base + c * ch, ch)], idxv[b])
            return pltpu.async_copy(tab_hbm.at[idxv[b]], rows[b], gs[b])

        hg = [None] * nch
        hw = [None] * nch
        hg[0] = start_gather(0)
        for c in range(nch):
            b = c & 1
            if c + 1 < nch:
                if c >= 1:
                    hw[c - 1].wait()
                hg[c + 1] = start_gather(c + 1)
            hg[c].wait()
            hw[c] = pltpu.async_copy(
                rows[b], out_hbm.at[pl.ds(base + c * ch, ch)], ws[b])
        if nch >= 2:
            hw[nch - 2].wait()
        hw[nch - 1].wait()

    return k(table, idx)


def _gemm_body(texp_ref, trows_ref, xs_ref, g_ref, u_ref, d_ref, o_ref):
    t = pl.program_id(0)
    ih = pl.program_id(1)

    @pl.when(trows_ref[t] > 0)
    def _go():
        x = xs_ref[...]
        dims = (((1,), (1,)), ((), ()))
        g = jax.lax.dot_general(x, g_ref[0], dims, preferred_element_type=jnp.float32)
        u = jax.lax.dot_general(x, u_ref[0], dims, preferred_element_type=jnp.float32)
        h = (g * (1.0 / (1.0 + jnp.exp(-g)))) * u
        part = jax.lax.dot_general(h, d_ref[0], dims, preferred_element_type=jnp.float32)

        @pl.when(ih == 0)
        def _w0():
            o_ref[...] = part

        @pl.when(ih > 0)
        def _w1():
            o_ref[...] += part


def _grouped_gemm(xs, texp, trows, gate, up, down):
    s, hid = xs.shape
    e, inter, _ = gate.shape
    ic = inter // _IH
    grid_spec = pltpu.PrefetchScalarGridSpec(
        num_scalar_prefetch=2,
        grid=(_MAXT, _IH),
        in_specs=[
            pl.BlockSpec((_T, hid),
                         lambda t, i, te, tr: (jnp.where(tr[t] > 0, t, _MAXT - 1), 0)),
            pl.BlockSpec((1, ic, hid), lambda t, i, te, tr: (te[t], i, 0)),
            pl.BlockSpec((1, ic, hid), lambda t, i, te, tr: (te[t], i, 0)),
            pl.BlockSpec((1, hid, ic), lambda t, i, te, tr: (te[t], 0, i)),
        ],
        out_specs=pl.BlockSpec(
            (_T, hid), lambda t, i, te, tr: (jnp.where(tr[t] > 0, t, _MAXT - 1), 0)),
    )
    return pl.pallas_call(
        _gemm_body,
        grid_spec=grid_spec,
        out_shape=jax.ShapeDtypeStruct((s, hid), jnp.float32),
        compiler_params=pltpu.CompilerParams(
            vmem_limit_bytes=100 * 1024 * 1024),
    )(texp, trows, xs, gate, up, down)


def _pairsum_body(xg_ref, tw_ref, o_ref):
    w0 = tw_ref[:, 0:1]
    w1 = tw_ref[:, 1:2]
    o_ref[...] = xg_ref[:, 0, :] * w0 + xg_ref[:, 1, :] * w1


def _pairsum(xg3, tw):
    n, k, hid = xg3.shape
    blk = 256
    return pl.pallas_call(
        _pairsum_body,
        grid=(n // blk,),
        in_specs=[
            pl.BlockSpec((blk, k, hid), lambda i: (i, 0, 0)),
            pl.BlockSpec((blk, k), lambda i: (i, 0)),
        ],
        out_specs=pl.BlockSpec((blk, hid), lambda i: (i, 0)),
        out_shape=jax.ShapeDtypeStruct((n, hid), jnp.float32),
    )(xg3, tw)


def kernel(hidden_states, topk_idx, topk_weight, gate_weight, up_weight, down_weight):
    bsz, seq_len, hidden = hidden_states.shape
    n = bsz * seq_len
    x = hidden_states.reshape(n, hidden)
    ti = topk_idx.astype(jnp.int32).reshape(n * _K, 1)
    n_slots = _MAXT * _T

    pos, texp, trows = _routing(ti)
    pos1 = pos.reshape(n * _K)
    xs = _sc_dispatch(x, pos1, n_slots)
    osorted = _grouped_gemm(xs, texp.reshape(_MAXT), trows.reshape(_MAXT),
                            gate_weight, up_weight, down_weight)
    xg = _sc_gather(osorted, pos1)
    out = _pairsum(xg.reshape(n, _K, hidden), topk_weight)
    return out.reshape(bsz, seq_len, hidden)

# --- scband reference (transcript-rebuilt; emitter-appended) ---
"""Pipeline reference for scband-bailing-moe-v2-grouped-experts-61495341744590 (READ-ONLY COPY).

The authoritative reference and input builder live on the scoring server;
editing this copy changes nothing except your own understanding.
"""

import jax, jax.numpy as jnp
import numpy as np

NUM_EXPERTS = 16
TOP_K = 2
HIDDEN = 2048
INTER = 1024
BATCH = 1
SEQ = 2048


def setup_inputs(seed: int = 0) -> dict:
    key = jax.random.key(seed)
    ks = jax.random.split(key, 6)
    hidden_states = jax.random.normal(ks[0], (BATCH, SEQ, HIDDEN), dtype=jnp.float32)
    topk_idx = jax.random.randint(ks[1], (BATCH * SEQ, TOP_K), 0, NUM_EXPERTS, dtype=jnp.int64)
    topk_weight = jax.random.uniform(ks[2], (BATCH * SEQ, TOP_K), dtype=jnp.float32)
    topk_weight = topk_weight / jnp.sum(topk_weight, axis=-1, keepdims=True)
    scale = 0.02
    gate_weight = jax.random.normal(ks[3], (NUM_EXPERTS, INTER, HIDDEN), dtype=jnp.float32) * scale
    up_weight = jax.random.normal(ks[4], (NUM_EXPERTS, INTER, HIDDEN), dtype=jnp.float32) * scale
    down_weight = jax.random.normal(ks[5], (NUM_EXPERTS, HIDDEN, INTER), dtype=jnp.float32) * scale
    return {
        "hidden_states": hidden_states,
        "topk_idx": topk_idx,
        "topk_weight": topk_weight,
        "gate_weight": gate_weight,
        "up_weight": up_weight,
        "down_weight": down_weight,
    }


def reference(hidden_states, topk_idx, topk_weight, gate_weight, up_weight, down_weight):
    bsz, seq_len, hidden = hidden_states.shape
    hidden_flat = hidden_states.reshape(-1, hidden)
    num_tokens = hidden_flat.shape[0]
    topk = topk_idx.shape[-1]
    out = jnp.zeros((num_tokens, hidden), dtype=hidden_states.dtype)
    for e in range(NUM_EXPERTS):
        h = jax.nn.silu(hidden_flat @ gate_weight[e].T) * (hidden_flat @ up_weight[e].T)
        oe = h @ down_weight[e].T
        for k in range(topk):
            we = jnp.where(topk_idx[:, k] == e, topk_weight[:, k], jnp.zeros((), dtype=topk_weight.dtype))[:, None]
            out = out + oe * we
    return out.reshape(bsz, seq_len, hidden)

if __name__ == "__main__":
    import jax
    _d = setup_inputs()
    print(jax.jit(kernel)(*tuple(_d.values())))

</pallas_src>

<mosaic_0001>
#map = affine_map<(d0, d1) -> (0, 0)>
#map1 = affine_map<(d0, d1) -> (0)>
module attributes {stable_mosaic.version = 14 : i64} {
  func.func @k(%arg0: i32, %arg1: i32, %arg2: memref<2048x2048xf32, #tpu.memory_space<hbm>>, %arg3: memref<4096xi32, #tpu.memory_space<hbm>>, %arg4: memref<8192x2048xf32, #tpu.memory_space<hbm>>, %arg5: memref<16xi32, #tpu.memory_space<vmem>>, %arg6: memref<16xi32, #tpu.memory_space<vmem>>, %arg7: memref<16xi32, #tpu.memory_space<vmem>>, %arg8: memref<16xi32, #tpu.memory_space<vmem>>, %arg9: memref<16x2048xf32, #tpu.memory_space<vmem>>, %arg10: memref<16x2048xf32, #tpu.memory_space<vmem>>, %arg11: memref<!tpu.dma_semaphore, #tpu.memory_space<semaphore_mem>>, %arg12: memref<!tpu.dma_semaphore, #tpu.memory_space<semaphore_mem>>, %arg13: memref<!tpu.dma_semaphore, #tpu.memory_space<semaphore_mem>>, %arg14: memref<!tpu.dma_semaphore, #tpu.memory_space<semaphore_mem>>) attributes {dimension_semantics = [#tpu.dimension_semantics<core_parallel>, #tpu.dimension_semantics<subcore_parallel>], iteration_bounds = array<i64: 2, 16>, scalar_prefetch = 0 : i64, scratch_operands = 10 : i64, tpu.core_type = #tpu.core_type<sc_vector_subcore>, window_params = [{transform_indices = #map}, {transform_indices = #map1}, {transform_indices = #map}]} {
    %mul3A = arith.constant 2 : i32
    %mul3A_0 = arith.muli %arg1, %mul3A : i32
    %add3A = arith.addi %mul3A_0, %arg0 : i32
    %mul3A_1 = arith.constant 128 : i32
    %mul3A_2 = arith.muli %add3A, %mul3A_1 : i32
    %iota3A = tpu.iota {dimensions = array<i32: 0>} : vector<16xi32>
    %add3A_3 = arith.constant 0 : i32
    %add3A_4 = arith.addi %mul3A_2, %add3A_3 : i32
    %add3A_5 = arith.constant 0 : i32
    %add3A_6 = arith.addi %add3A_4, %add3A_5 : i32
    %add3A_7 = vector.broadcast %add3A_6 : i32 to vector<16xi32>
    %add3A_8 = arith.addi %add3A_7, %iota3A : vector<16xi32>
    %shift_right_logical3A = arith.constant 1 : i32
    %shift_right_logical3A_9 = vector.broadcast %shift_right_logical3A : i32 to vector<16xi32>
    %shift_right_logical3A_10 = arith.shrui %add3A_8, %shift_right_logical3A_9 : vector<16xi32>
    %swap3A = arith.constant 0 : index
    %swap3A_11 = tpu.vector_load %arg5[%swap3A] {strides = array<i32>} : memref<16xi32, #tpu.memory_space<vmem>>, vector<16xi32>,
    %swap3A_12 = vector.shape_cast %swap3A_11 : vector<16xi32> to vector<16xi32>
    %swap3A_13 = vector.shape_cast %shift_right_logical3A_10 : vector<16xi32> to vector<16xi32>
    tpu.vector_store %arg5[%swap3A], %swap3A_13 {strides = array<i32>} : memref<16xi32, #tpu.memory_space<vmem>>, vector<16xi32>,
    %dma_start3A = arith.constant 0 : i32
    %dma_start3A_14 = arith.constant 0 : i32
    %dma_start3A_15 = tpu.memref_slice %arg2[%dma_start3A, %dma_start3A_14] : memref<2048x2048xf32, #tpu.memory_space<hbm>> -> memref<2048x2048xf32, #tpu.memory_space<hbm>>
    tpu.enqueue_indirect_dma source(%dma_start3A_15 : memref<2048x2048xf32, #tpu.memory_space<hbm>>) target(%arg9 : memref<16x2048xf32, #tpu.memory_space<vmem>>) offsets(%arg5 : memref<16xi32, #tpu.memory_space<vmem>>) semaphore(%arg11 : memref<!tpu.dma_semaphore, #tpu.memory_space<semaphore_mem>>)
    %add3A_16 = arith.constant 16 : i32
    %add3A_17 = arith.addi %mul3A_2, %add3A_16 : i32
    %add3A_18 = arith.constant 0 : i32
    %add3A_19 = arith.addi %add3A_17, %add3A_18 : i32
    %add3A_20 = vector.broadcast %add3A_19 : i32 to vector<16xi32>
    %add3A_21 = arith.addi %add3A_20, %iota3A : vector<16xi32>
    %shift_right_logical3A_22 = arith.constant 1 : i32
    %shift_right_logical3A_23 = vector.broadcast %shift_right_logical3A_22 : i32 to vector<16xi32>
    %shift_right_logical3A_24 = arith.shrui %add3A_21, %shift_right_logical3A_23 : vector<16xi32>
    %swap3A_25 = arith.constant 0 : index
    %swap3A_26 = tpu.vector_load %arg6[%swap3A_25] {strides = array<i32>} : memref<16xi32, #tpu.memory_space<vmem>>, vector<16xi32>,
    %swap3A_27 = vector.shape_cast %swap3A_26 : vector<16xi32> to vector<16xi32>
    %swap3A_28 = vector.shape_cast %shift_right_logical3A_24 : vector<16xi32> to vector<16xi32>
    tpu.vector_store %arg6[%swap3A_25], %swap3A_28 {strides = array<i32>} : memref<16xi32, #tpu.memory_space<vmem>>, vector<16xi32>,
    %dma_start3A_29 = arith.constant 0 : i32
    %dma_start3A_30 = arith.constant 0 : i32
    %dma_start3A_31 = tpu.memref_slice %arg2[%dma_start3A_29, %dma_start3A_30] : memref<2048x2048xf32, #tpu.memory_space<hbm>> -> memref<2048x2048xf32, #tpu.memory_space<hbm>>
    tpu.enqueue_indirect_dma source(%dma_start3A_31 : memref<2048x2048xf32, #tpu.memory_space<hbm>>) target(%arg10 : memref<16x2048xf32, #tpu.memory_space<vmem>>) offsets(%arg6 : memref<16xi32, #tpu.memory_space<vmem>>) semaphore(%arg12 : memref<!tpu.dma_semaphore, #tpu.memory_space<semaphore_mem>>)
    %dma_wait3A = arith.constant 0 : i32
    %dma_wait3A_32 = arith.constant 0 : i32
    %dma_wait3A_33 = tpu.memref_slice %arg2[%dma_wait3A, %dma_wait3A_32] : memref<2048x2048xf32, #tpu.memory_space<hbm>> -> memref<2048x2048xf32, #tpu.memory_space<hbm>>
    tpu.wait_indirect_dma semaphore(%arg11 : memref<!tpu.dma_semaphore, #tpu.memory_space<semaphore_mem>>) src(%dma_wait3A_33 : memref<2048x2048xf32, #tpu.memory_space<hbm>>) dst(%arg9 : memref<16x2048xf32, #tpu.memory_space<vmem>>)
    %add3A_34 = arith.constant 0 : i32
    %add3A_35 = arith.addi %mul3A_2, %add3A_34 : i32
    "tpu.region"() ({
      %run_scoped3A = tpu.sem_alloc : memref<!tpu.dma_semaphore, #tpu.memory_space<semaphore_mem>>
      %dma_start3A_215 = tpu.memref_slice %arg3[%add3A_35] : memref<4096xi32, #tpu.memory_space<hbm>> -> memref<16xi32, #tpu.memory_space<hbm>>
      %dma_start3A_216 = tpu.memref_slice %arg3[%add3A_35] : memref<4096xi32, #tpu.memory_space<hbm>> -> memref<16xi32, #tpu.memory_space<hbm>>
      tpu.enqueue_dma source(%dma_start3A_216 : memref<16xi32, #tpu.memory_space<hbm>>) target(%arg7 : memref<16xi32, #tpu.memory_space<vmem>>) target_semaphore(%run_scoped3A : memref<!tpu.dma_semaphore, #tpu.memory_space<semaphore_mem>>)
      %dma_wait3A_217 = tpu.memref_slice %arg3[%add3A_35] : memref<4096xi32, #tpu.memory_space<hbm>> -> memref<16xi32, #tpu.memory_space<hbm>>
      %dma_wait3A_218 = tpu.memref_slice %arg3[%add3A_35] : memref<4096xi32, #tpu.memory_space<hbm>> -> memref<16xi32, #tpu.memory_space<hbm>>
      tpu.wait_dma2 semaphore(%run_scoped3A : memref<!tpu.dma_semaphore, #tpu.memory_space<semaphore_mem>>) src(%dma_wait3A_218 : memref<16xi32, #tpu.memory_space<hbm>>) dst(%arg7 : memref<16xi32, #tpu.memory_space<vmem>>)
      tpu.yield
    }) : () -> ()
    %dma_start3A_36 = arith.constant 0 : i32
    %dma_start3A_37 = arith.constant 0 : i32
    %dma_start3A_38 = tpu.memref_slice %arg4[%dma_start3A_36, %dma_start3A_37] : memref<8192x2048xf32, #tpu.memory_space<hbm>> -> memref<8192x2048xf32, #tpu.memory_space<hbm>>
    tpu.enqueue_indirect_dma source(%arg9 : memref<16x2048xf32, #tpu.memory_space<vmem>>) target(%dma_start3A_38 : memref<8192x2048xf32, #tpu.memory_space<hbm>>) offsets(%arg7 : memref<16xi32, #tpu.memory_space<vmem>>) semaphore(%arg13 : memref<!tpu.dma_semaphore, #tpu.memory_space<semaphore_mem>>)
    %dma_wait3A_39 = arith.constant 0 : i32
    %dma_wait3A_40 = arith.constant 0 : i32
    %dma_wait3A_41 = tpu.memref_slice %arg4[%dma_wait3A_39, %dma_wait3A_40] : memref<8192x2048xf32, #tpu.memory_space<hbm>> -> memref<8192x2048xf32, #tpu.memory_space<hbm>>
    tpu.wait_indirect_dma semaphore(%arg13 : memref<!tpu.dma_semaphore, #tpu.memory_space<semaphore_mem>>) src(%arg9 : memref<16x2048xf32, #tpu.memory_space<vmem>>) dst(%dma_wait3A_41 : memref<8192x2048xf32, #tpu.memory_space<hbm>>)
    %add3A_42 = arith.constant 32 : i32
    %add3A_43 = arith.addi %mul3A_2, %add3A_42 : i32
    %add3A_44 = arith.constant 0 : i32
    %add3A_45 = arith.addi %add3A_43, %add3A_44 : i32
    %add3A_46 = vector.broadcast %add3A_45 : i32 to vector<16xi32>
    %add3A_47 = arith.addi %add3A_46, %iota3A : vector<16xi32>
    %shift_right_logical3A_48 = arith.constant 1 : i32
    %shift_right_logical3A_49 = vector.broadcast %shift_right_logical3A_48 : i32 to vector<16xi32>
    %shift_right_logical3A_50 = arith.shrui %add3A_47, %shift_right_logical3A_49 : vector<16xi32>
    %swap3A_51 = arith.constant 0 : index
    %swap3A_52 = tpu.vector_load %arg5[%swap3A_51] {strides = array<i32>} : memref<16xi32, #tpu.memory_space<vmem>>, vector<16xi32>,
    %swap3A_53 = vector.shape_cast %swap3A_52 : vector<16xi32> to vector<16xi32>
    %swap3A_54 = vector.shape_cast %shift_right_logical3A_50 : vector<16xi32> to vector<16xi32>
    tpu.vector_store %arg5[%swap3A_51], %swap3A_54 {strides = array<i32>} : memref<16xi32, #tpu.memory_space<vmem>>, vector<16xi32>,
    %dma_start3A_55 = arith.constant 0 : i32
    %dma_start3A_56 = arith.constant 0 : i32
    %dma_start3A_57 = tpu.memref_slice %arg2[%dma_start3A_55, %dma_start3A_56] : memref<2048x2048xf32, #tpu.memory_space<hbm>> -> memref<2048x2048xf32, #tpu.memory_space<hbm>>
    tpu.enqueue_indirect_dma source(%dma_start3A_57 : memref<2048x2048xf32, #tpu.memory_space<hbm>>) target(%arg9 : memref<16x2048xf32, #tpu.memory_space<vmem>>) offsets(%arg5 : memref<16xi32, #tpu.memory_space<vmem>>) semaphore(%arg11 : memref<!tpu.dma_semaphore, #tpu.memory_space<semaphore_mem>>)
    %dma_wait3A_58 = arith.constant 0 : i32
    %dma_wait3A_59 = arith.constant 0 : i32
    %dma_wait3A_60 = tpu.memref_slice %arg2[%dma_wait3A_58, %dma_wait3A_59] : memref<2048x2048xf32, #tpu.memory_space<hbm>> -> memref<2048x2048xf32, #tpu.memory_space<hbm>>
    tpu.wait_indirect_dma semaphore(%arg12 : memref<!tpu.dma_semaphore, #tpu.memory_space<semaphore_mem>>) src(%dma_wait3A_60 : memref<2048x2048xf32, #tpu.memory_space<hbm>>) dst(%arg10 : memref<16x2048xf32, #tpu.memory_space<vmem>>)
    %add3A_61 = arith.constant 16 : i32
    %add3A_62 = arith.addi %mul3A_2, %add3A_61 : i32
    "tpu.region"() ({
      %run_scoped3A = tpu.sem_alloc : memref<!tpu.dma_semaphore, #tpu.memory_space<semaphore_mem>>
      %dma_start3A_215 = tpu.memref_slice %arg3[%add3A_62] : memref<4096xi32, #tpu.memory_space<hbm>> -> memref<16xi32, #tpu.memory_space<hbm>>
      %dma_start3A_216 = tpu.memref_slice %arg3[%add3A_62] : memref<4096xi32, #tpu.memory_space<hbm>> -> memref<16xi32, #tpu.memory_space<hbm>>
      tpu.enqueue_dma source(%dma_start3A_216 : memref<16xi32, #tpu.memory_space<hbm>>) target(%arg8 : memref<16xi32, #tpu.memory_space<vmem>>) target_semaphore(%run_scoped3A : memref<!tpu.dma_semaphore, #tpu.memory_space<semaphore_mem>>)
      %dma_wait3A_217 = tpu.memref_slice %arg3[%add3A_62] : memref<4096xi32, #tpu.memory_space<hbm>> -> memref<16xi32, #tpu.memory_space<hbm>>
      %dma_wait3A_218 = tpu.memref_slice %arg3[%add3A_62] : memref<4096xi32, #tpu.memory_space<hbm>> -> memref<16xi32, #tpu.memory_space<hbm>>
      tpu.wait_dma2 semaphore(%run_scoped3A : memref<!tpu.dma_semaphore, #tpu.memory_space<semaphore_mem>>) src(%dma_wait3A_218 : memref<16xi32, #tpu.memory_space<hbm>>) dst(%arg8 : memref<16xi32, #tpu.memory_space<vmem>>)
      tpu.yield
    }) : () -> ()
    %dma_start3A_63 = arith.constant 0 : i32
    %dma_start3A_64 = arith.constant 0 : i32
    %dma_start3A_65 = tpu.memref_slice %arg4[%dma_start3A_63, %dma_start3A_64] : memref<8192x2048xf32, #tpu.memory_space<hbm>> -> memref<8192x2048xf32, #tpu.memory_space<hbm>>
    tpu.enqueue_indirect_dma source(%arg10 : memref<16x2048xf32, #tpu.memory_space<vmem>>) target(%dma_start3A_65 : memref<8192x2048xf32, #tpu.memory_space<hbm>>) offsets(%arg8 : memref<16xi32, #tpu.memory_space<vmem>>) semaphore(%arg14 : memref<!tpu.dma_semaphore, #tpu.memory_space<semaphore_mem>>)
    %dma_wait3A_66 = arith.constant 0 : i32
    %dma_wait3A_67 = arith.constant 0 : i32
    %dma_wait3A_68 = tpu.memref_slice %arg4[%dma_wait3A_66, %dma_wait3A_67] : memref<8192x2048xf32, #tpu.memory_space<hbm>> -> memref<8192x2048xf32, #tpu.memory_space<hbm>>
    tpu.wait_indirect_dma semaphore(%arg14 : memref<!tpu.dma_semaphore, #tpu.memory_space<semaphore_mem>>) src(%arg10 : memref<16x2048xf32, #tpu.memory_space<vmem>>) dst(%dma_wait3A_68 : memref<8192x2048xf32, #tpu.memory_space<hbm>>)
    %add3A_69 = arith.constant 48 : i32
    %add3A_70 = arith.addi %mul3A_2, %add3A_69 : i32
    %add3A_71 = arith.constant 0 : i32
    %add3A_72 = arith.addi %add3A_70, %add3A_71 : i32
    %add3A_73 = vector.broadcast %add3A_72 : i32 to vector<16xi32>
    %add3A_74 = arith.addi %add3A_73, %iota3A : vector<16xi32>
    %shift_right_logical3A_75 = arith.constant 1 : i32
    %shift_right_logical3A_76 = vector.broadcast %shift_right_logical3A_75 : i32 to vector<16xi32>
    %shift_right_logical3A_77 = arith.shrui %add3A_74, %shift_right_logical3A_76 : vector<16xi32>
    %swap3A_78 = arith.constant 0 : index
    %swap3A_79 = tpu.vector_load %arg6[%swap3A_78] {strides = array<i32>} : memref<16xi32, #tpu.memory_space<vmem>>, vector<16xi32>,
    %swap3A_80 = vector.shape_cast %swap3A_79 : vector<16xi32> to vector<16xi32>
    %swap3A_81 = vector.shape_cast %shift_right_logical3A_77 : vector<16xi32> to vector<16xi32>
    tpu.vector_store %arg6[%swap3A_78], %swap3A_81 {strides = array<i32>} : memref<16xi32, #tpu.memory_space<vmem>>, vector<16xi32>,
    %dma_start3A_82 = arith.constant 0 : i32
    %dma_start3A_83 = arith.constant 0 : i32
    %dma_start3A_84 = tpu.memref_slice %arg2[%dma_start3A_82, %dma_start3A_83] : memref<2048x2048xf32, #tpu.memory_space<hbm>> -> memref<2048x2048xf32, #tpu.memory_space<hbm>>
    tpu.enqueue_indirect_dma source(%dma_start3A_84 : memref<2048x2048xf32, #tpu.memory_space<hbm>>) target(%arg10 : memref<16x2048xf32, #tpu.memory_space<vmem>>) offsets(%arg6 : memref<16xi32, #tpu.memory_space<vmem>>) semaphore(%arg12 : memref<!tpu.dma_semaphore, #tpu.memory_space<semaphore_mem>>)
    %dma_wait3A_85 = arith.constant 0 : i32
    %dma_wait3A_86 = arith.constant 0 : i32
    %dma_wait3A_87 = tpu.memref_slice %arg2[%dma_wait3A_85, %dma_wait3A_86] : memref<2048x2048xf32, #tpu.memory_space<hbm>> -> memref<2048x2048xf32, #tpu.memory_space<hbm>>
    tpu.wait_indirect_dma semaphore(%arg11 : memref<!tpu.dma_semaphore, #tpu.memory_space<semaphore_mem>>) src(%dma_wait3A_87 : memref<2048x2048xf32, #tpu.memory_space<hbm>>) dst(%arg9 : memref<16x2048xf32, #tpu.memory_space<vmem>>)
    %add3A_88 = arith.constant 32 : i32
    %add3A_89 = arith.addi %mul3A_2, %add3A_88 : i32
    "tpu.region"() ({
      %run_scoped3A = tpu.sem_alloc : memref<!tpu.dma_semaphore, #tpu.memory_space<semaphore_mem>>
      %dma_start3A_215 = tpu.memref_slice %arg3[%add3A_89] : memref<4096xi32, #tpu.memory_space<hbm>> -> memref<16xi32, #tpu.memory_space<hbm>>
      %dma_start3A_216 = tpu.memref_slice %arg3[%add3A_89] : memref<4096xi32, #tpu.memory_space<hbm>> -> memref<16xi32, #tpu.memory_space<hbm>>
      tpu.enqueue_dma source(%dma_start3A_216 : memref<16xi32, #tpu.memory_space<hbm>>) target(%arg7 : memref<16xi32, #tpu.memory_space<vmem>>) target_semaphore(%run_scoped3A : memref<!tpu.dma_semaphore, #tpu.memory_space<semaphore_mem>>)
      %dma_wait3A_217 = tpu.memref_slice %arg3[%add3A_89] : memref<4096xi32, #tpu.memory_space<hbm>> -> memref<16xi32, #tpu.memory_space<hbm>>
      %dma_wait3A_218 = tpu.memref_slice %arg3[%add3A_89] : memref<4096xi32, #tpu.memory_space<hbm>> -> memref<16xi32, #tpu.memory_space<hbm>>
      tpu.wait_dma2 semaphore(%run_scoped3A : memref<!tpu.dma_semaphore, #tpu.memory_space<semaphore_mem>>) src(%dma_wait3A_218 : memref<16xi32, #tpu.memory_space<hbm>>) dst(%arg7 : memref<16xi32, #tpu.memory_space<vmem>>)
      tpu.yield
    }) : () -> ()
    %dma_start3A_90 = arith.constant 0 : i32
    %dma_start3A_91 = arith.constant 0 : i32
    %dma_start3A_92 = tpu.memref_slice %arg4[%dma_start3A_90, %dma_start3A_91] : memref<8192x2048xf32, #tpu.memory_space<hbm>> -> memref<8192x2048xf32, #tpu.memory_space<hbm>>
    tpu.enqueue_indirect_dma source(%arg9 : memref<16x2048xf32, #tpu.memory_space<vmem>>) target(%dma_start3A_92 : memref<8192x2048xf32, #tpu.memory_space<hbm>>) offsets(%arg7 : memref<16xi32, #tpu.memory_space<vmem>>) semaphore(%arg13 : memref<!tpu.dma_semaphore, #tpu.memory_space<semaphore_mem>>)
    %dma_wait3A_93 = arith.constant 0 : i32
    %dma_wait3A_94 = arith.constant 0 : i32
    %dma_wait3A_95 = tpu.memref_slice %arg4[%dma_wait3A_93, %dma_wait3A_94] : memref<8192x2048xf32, #tpu.memory_space<hbm>> -> memref<8192x2048xf32, #tpu.memory_space<hbm>>
    tpu.wait_indirect_dma semaphore(%arg13 : memref<!tpu.dma_semaphore, #tpu.memory_space<semaphore_mem>>) src(%arg9 : memref<16x2048xf32, #tpu.memory_space<vmem>>) dst(%dma_wait3A_95 : memref<8192x2048xf32, #tpu.memory_space<hbm>>)
    %add3A_96 = arith.constant 64 : i32
    %add3A_97 = arith.addi %mul3A_2, %add3A_96 : i32
    %add3A_98 = arith.constant 0 : i32
    %add3A_99 = arith.addi %add3A_97, %add3A_98 : i32
    %add3A_100 = vector.broadcast %add3A_99 : i32 to vector<16xi32>
    %add3A_101 = arith.addi %add3A_100, %iota3A : vector<16xi32>
    %shift_right_logical3A_102 = arith.constant 1 : i32
    %shift_right_logical3A_103 = vector.broadcast %shift_right_logical3A_102 : i32 to vector<16xi32>
    %shift_right_logical3A_104 = arith.shrui %add3A_101, %shift_right_logical3A_103 : vector<16xi32>
    %swap3A_105 = arith.constant 0 : index
    %swap3A_106 = tpu.vector_load %arg5[%swap3A_105] {strides = array<i32>} : memref<16xi32, #tpu.memory_space<vmem>>, vector<16xi32>,
    %swap3A_107 = vector.shape_cast %swap3A_106 : vector<16xi32> to vector<16xi32>
    %swap3A_108 = vector.shape_cast %shift_right_logical3A_104 : vector<16xi32> to vector<16xi32>
    tpu.vector_store %arg5[%swap3A_105], %swap3A_108 {strides = array<i32>} : memref<16xi32, #tpu.memory_space<vmem>>, vector<16xi32>,
    %dma_start3A_109 = arith.constant 0 : i32
    %dma_start3A_110 = arith.constant 0 : i32
    %dma_start3A_111 = tpu.memref_slice %arg2[%dma_start3A_109, %dma_start3A_110] : memref<2048x2048xf32, #tpu.memory_space<hbm>> -> memref<2048x2048xf32, #tpu.memory_space<hbm>>
    tpu.enqueue_indirect_dma source(%dma_start3A_111 : memref<2048x2048xf32, #tpu.memory_space<hbm>>) target(%arg9 : memref<16x2048xf32, #tpu.memory_space<vmem>>) offsets(%arg5 : memref<16xi32, #tpu.memory_space<vmem>>) semaphore(%arg11 : memref<!tpu.dma_semaphore, #tpu.memory_space<semaphore_mem>>)
    %dma_wait3A_112 = arith.constant 0 : i32
    %dma_wait3A_113 = arith.constant 0 : i32
    %dma_wait3A_114 = tpu.memref_slice %arg2[%dma_wait3A_112, %dma_wait3A_113] : memref<2048x2048xf32, #tpu.memory_space<hbm>> -> memref<2048x2048xf32, #tpu.memory_space<hbm>>
    tpu.wait_indirect_dma semaphore(%arg12 : memref<!tpu.dma_semaphore, #tpu.memory_space<semaphore_mem>>) src(%dma_wait3A_114 : memref<2048x2048xf32, #tpu.memory_space<hbm>>) dst(%arg10 : memref<16x2048xf32, #tpu.memory_space<vmem>>)
    %add3A_115 = arith.constant 48 : i32
    %add3A_116 = arith.addi %mul3A_2, %add3A_115 : i32
    "tpu.region"() ({
      %run_scoped3A = tpu.sem_alloc : memref<!tpu.dma_semaphore, #tpu.memory_space<semaphore_mem>>
      %dma_start3A_215 = tpu.memref_slice %arg3[%add3A_116] : memref<4096xi32, #tpu.memory_space<hbm>> -> memref<16xi32, #tpu.memory_space<hbm>>
      %dma_start3A_216 = tpu.memref_slice %arg3[%add3A_116] : memref<4096xi32, #tpu.memory_space<hbm>> -> memref<16xi32, #tpu.memory_space<hbm>>
      tpu.enqueue_dma source(%dma_start3A_216 : memref<16xi32, #tpu.memory_space<hbm>>) target(%arg8 : memref<16xi32, #tpu.memory_space<vmem>>) target_semaphore(%run_scoped3A : memref<!tpu.dma_semaphore, #tpu.memory_space<semaphore_mem>>)
      %dma_wait3A_217 = tpu.memref_slice %arg3[%add3A_116] : memref<4096xi32, #tpu.memory_space<hbm>> -> memref<16xi32, #tpu.memory_space<hbm>>
      %dma_wait3A_218 = tpu.memref_slice %arg3[%add3A_116] : memref<4096xi32, #tpu.memory_space<hbm>> -> memref<16xi32, #tpu.memory_space<hbm>>
      tpu.wait_dma2 semaphore(%run_scoped3A : memref<!tpu.dma_semaphore, #tpu.memory_space<semaphore_mem>>) src(%dma_wait3A_218 : memref<16xi32, #tpu.memory_space<hbm>>) dst(%arg8 : memref<16xi32, #tpu.memory_space<vmem>>)
      tpu.yield
    }) : () -> ()
    %dma_start3A_117 = arith.constant 0 : i32
    %dma_start3A_118 = arith.constant 0 : i32
    %dma_start3A_119 = tpu.memref_slice %arg4[%dma_start3A_117, %dma_start3A_118] : memref<8192x2048xf32, #tpu.memory_space<hbm>> -> memref<8192x2048xf32, #tpu.memory_space<hbm>>
    tpu.enqueue_indirect_dma source(%arg10 : memref<16x2048xf32, #tpu.memory_space<vmem>>) target(%dma_start3A_119 : memref<8192x2048xf32, #tpu.memory_space<hbm>>) offsets(%arg8 : memref<16xi32, #tpu.memory_space<vmem>>) semaphore(%arg14 : memref<!tpu.dma_semaphore, #tpu.memory_space<semaphore_mem>>)
    %dma_wait3A_120 = arith.constant 0 : i32
    %dma_wait3A_121 = arith.constant 0 : i32
    %dma_wait3A_122 = tpu.memref_slice %arg4[%dma_wait3A_120, %dma_wait3A_121] : memref<8192x2048xf32, #tpu.memory_space<hbm>> -> memref<8192x2048xf32, #tpu.memory_space<hbm>>
    tpu.wait_indirect_dma semaphore(%arg14 : memref<!tpu.dma_semaphore, #tpu.memory_space<semaphore_mem>>) src(%arg10 : memref<16x2048xf32, #tpu.memory_space<vmem>>) dst(%dma_wait3A_122 : memref<8192x2048xf32, #tpu.memory_space<hbm>>)
    %add3A_123 = arith.constant 80 : i32
    %add3A_124 = arith.addi %mul3A_2, %add3A_123 : i32
    %add3A_125 = arith.constant 0 : i32
    %add3A_126 = arith.addi %add3A_124, %add3A_125 : i32
    %add3A_127 = vector.broadcast %add3A_126 : i32 to vector<16xi32>
    %add3A_128 = arith.addi %add3A_127, %iota3A : vector<16xi32>
    %shift_right_logical3A_129 = arith.constant 1 : i32
    %shift_right_logical3A_130 = vector.broadcast %shift_right_logical3A_129 : i32 to vector<16xi32>
    %shift_right_logical3A_131 = arith.shrui %add3A_128, %shift_right_logical3A_130 : vector<16xi32>
    %swap3A_132 = arith.constant 0 : index
    %swap3A_133 = tpu.vector_load %arg6[%swap3A_132] {strides = array<i32>} : memref<16xi32, #tpu.memory_space<vmem>>, vector<16xi32>,
    %swap3A_134 = vector.shape_cast %swap3A_133 : vector<16xi32> to vector<16xi32>
    %swap3A_135 = vector.shape_cast %shift_right_logical3A_131 : vector<16xi32> to vector<16xi32>
    tpu.vector_store %arg6[%swap3A_132], %swap3A_135 {strides = array<i32>} : memref<16xi32, #tpu.memory_space<vmem>>, vector<16xi32>,
    %dma_start3A_136 = arith.constant 0 : i32
    %dma_start3A_137 = arith.constant 0 : i32
    %dma_start3A_138 = tpu.memref_slice %arg2[%dma_start3A_136, %dma_start3A_137] : memref<2048x2048xf32, #tpu.memory_space<hbm>> -> memref<2048x2048xf32, #tpu.memory_space<hbm>>
    tpu.enqueue_indirect_dma source(%dma_start3A_138 : memref<2048x2048xf32, #tpu.memory_space<hbm>>) target(%arg10 : memref<16x2048xf32, #tpu.memory_space<vmem>>) offsets(%arg6 : memref<16xi32, #tpu.memory_space<vmem>>) semaphore(%arg12 : memref<!tpu.dma_semaphore, #tpu.memory_space<semaphore_mem>>)
    %dma_wait3A_139 = arith.constant 0 : i32
    %dma_wait3A_140 = arith.constant 0 : i32
    %dma_wait3A_141 = tpu.memref_slice %arg2[%dma_wait3A_139, %dma_wait3A_140] : memref<2048x2048xf32, #tpu.memory_space<hbm>> -> memref<2048x2048xf32, #tpu.memory_space<hbm>>
    tpu.wait_indirect_dma semaphore(%arg11 : memref<!tpu.dma_semaphore, #tpu.memory_space<semaphore_mem>>) src(%dma_wait3A_141 : memref<2048x2048xf32, #tpu.memory_space<hbm>>) dst(%arg9 : memref<16x2048xf32, #tpu.memory_space<vmem>>)
    %add3A_142 = arith.constant 64 : i32
    %add3A_143 = arith.addi %mul3A_2, %add3A_142 : i32
    "tpu.region"() ({
      %run_scoped3A = tpu.sem_alloc : memref<!tpu.dma_semaphore, #tpu.memory_space<semaphore_mem>>
      %dma_start3A_215 = tpu.memref_slice %arg3[%add3A_143] : memref<4096xi32, #tpu.memory_space<hbm>> -> memref<16xi32, #tpu.memory_space<hbm>>
      %dma_start3A_216 = tpu.memref_slice %arg3[%add3A_143] : memref<4096xi32, #tpu.memory_space<hbm>> -> memref<16xi32, #tpu.memory_space<hbm>>
      tpu.enqueue_dma source(%dma_start3A_216 : memref<16xi32, #tpu.memory_space<hbm>>) target(%arg7 : memref<16xi32, #tpu.memory_space<vmem>>) target_semaphore(%run_scoped3A : memref<!tpu.dma_semaphore, #tpu.memory_space<semaphore_mem>>)
      %dma_wait3A_217 = tpu.memref_slice %arg3[%add3A_143] : memref<4096xi32, #tpu.memory_space<hbm>> -> memref<16xi32, #tpu.memory_space<hbm>>
      %dma_wait3A_218 = tpu.memref_slice %arg3[%add3A_143] : memref<4096xi32, #tpu.memory_space<hbm>> -> memref<16xi32, #tpu.memory_space<hbm>>
      tpu.wait_dma2 semaphore(%run_scoped3A : memref<!tpu.dma_semaphore, #tpu.memory_space<semaphore_mem>>) src(%dma_wait3A_218 : memref<16xi32, #tpu.memory_space<hbm>>) dst(%arg7 : memref<16xi32, #tpu.memory_space<vmem>>)
      tpu.yield
    }) : () -> ()
    %dma_start3A_144 = arith.constant 0 : i32
    %dma_start3A_145 = arith.constant 0 : i32
    %dma_start3A_146 = tpu.memref_slice %arg4[%dma_start3A_144, %dma_start3A_145] : memref<8192x2048xf32, #tpu.memory_space<hbm>> -> memref<8192x2048xf32, #tpu.memory_space<hbm>>
    tpu.enqueue_indirect_dma source(%arg9 : memref<16x2048xf32, #tpu.memory_space<vmem>>) target(%dma_start3A_146 : memref<8192x2048xf32, #tpu.memory_space<hbm>>) offsets(%arg7 : memref<16xi32, #tpu.memory_space<vmem>>) semaphore(%arg13 : memref<!tpu.dma_semaphore, #tpu.memory_space<semaphore_mem>>)
    %dma_wait3A_147 = arith.constant 0 : i32
    %dma_wait3A_148 = arith.constant 0 : i32
    %dma_wait3A_149 = tpu.memref_slice %arg4[%dma_wait3A_147, %dma_wait3A_148] : memref<8192x2048xf32, #tpu.memory_space<hbm>> -> memref<8192x2048xf32, #tpu.memory_space<hbm>>
    tpu.wait_indirect_dma semaphore(%arg13 : memref<!tpu.dma_semaphore, #tpu.memory_space<semaphore_mem>>) src(%arg9 : memref<16x2048xf32, #tpu.memory_space<vmem>>) dst(%dma_wait3A_149 : memref<8192x2048xf32, #tpu.memory_space<hbm>>)
    %add3A_150 = arith.constant 96 : i32
    %add3A_151 = arith.addi %mul3A_2, %add3A_150 : i32
    %add3A_152 = arith.constant 0 : i32
    %add3A_153 = arith.addi %add3A_151, %add3A_152 : i32
    %add3A_154 = vector.broadcast %add3A_153 : i32 to vector<16xi32>
    %add3A_155 = arith.addi %add3A_154, %iota3A : vector<16xi32>
    %shift_right_logical3A_156 = arith.constant 1 : i32
    %shift_right_logical3A_157 = vector.broadcast %shift_right_logical3A_156 : i32 to vector<16xi32>
    %shift_right_logical3A_158 = arith.shrui %add3A_155, %shift_right_logical3A_157 : vector<16xi32>
    %swap3A_159 = arith.constant 0 : index
    %swap3A_160 = tpu.vector_load %arg5[%swap3A_159] {strides = array<i32>} : memref<16xi32, #tpu.memory_space<vmem>>, vector<16xi32>,
    %swap3A_161 = vector.shape_cast %swap3A_160 : vector<16xi32> to vector<16xi32>
    %swap3A_162 = vector.shape_cast %shift_right_logical3A_158 : vector<16xi32> to vector<16xi32>
    tpu.vector_store %arg5[%swap3A_159], %swap3A_162 {strides = array<i32>} : memref<16xi32, #tpu.memory_space<vmem>>, vector<16xi32>,
    %dma_start3A_163 = arith.constant 0 : i32
    %dma_start3A_164 = arith.constant 0 : i32
    %dma_start3A_165 = tpu.memref_slice %arg2[%dma_start3A_163, %dma_start3A_164] : memref<2048x2048xf32, #tpu.memory_space<hbm>> -> memref<2048x2048xf32, #tpu.memory_space<hbm>>
    tpu.enqueue_indirect_dma source(%dma_start3A_165 : memref<2048x2048xf32, #tpu.memory_space<hbm>>) target(%arg9 : memref<16x2048xf32, #tpu.memory_space<vmem>>) offsets(%arg5 : memref<16xi32, #tpu.memory_space<vmem>>) semaphore(%arg11 : memref<!tpu.dma_semaphore, #tpu.memory_space<semaphore_mem>>)
    %dma_wait3A_166 = arith.constant 0 : i32
    %dma_wait3A_167 = arith.constant 0 : i32
    %dma_wait3A_168 = tpu.memref_slice %arg2[%dma_wait3A_166, %dma_wait3A_167] : memref<2048x2048xf32, #tpu.memory_space<hbm>> -> memref<2048x2048xf32, #tpu.memory_space<hbm>>
    tpu.wait_indirect_dma semaphore(%arg12 : memref<!tpu.dma_semaphore, #tpu.memory_space<semaphore_mem>>) src(%dma_wait3A_168 : memref<2048x2048xf32, #tpu.memory_space<hbm>>) dst(%arg10 : memref<16x2048xf32, #tpu.memory_space<vmem>>)
    %add3A_169 = arith.constant 80 : i32
    %add3A_170 = arith.addi %mul3A_2, %add3A_169 : i32
    "tpu.region"() ({
      %run_scoped3A = tpu.sem_alloc : memref<!tpu.dma_semaphore, #tpu.memory_space<semaphore_mem>>
      %dma_start3A_215 = tpu.memref_slice %arg3[%add3A_170] : memref<4096xi32, #tpu.memory_space<hbm>> -> memref<16xi32, #tpu.memory_space<hbm>>
      %dma_start3A_216 = tpu.memref_slice %arg3[%add3A_170] : memref<4096xi32, #tpu.memory_space<hbm>> -> memref<16xi32, #tpu.memory_space<hbm>>
      tpu.enqueue_dma source(%dma_start3A_216 : memref<16xi32, #tpu.memory_space<hbm>>) target(%arg8 : memref<16xi32, #tpu.memory_space<vmem>>) target_semaphore(%run_scoped3A : memref<!tpu.dma_semaphore, #tpu.memory_space<semaphore_mem>>)
      %dma_wait3A_217 = tpu.memref_slice %arg3[%add3A_170] : memref<4096xi32, #tpu.memory_space<hbm>> -> memref<16xi32, #tpu.memory_space<hbm>>
      %dma_wait3A_218 = tpu.memref_slice %arg3[%add3A_170] : memref<4096xi32, #tpu.memory_space<hbm>> -> memref<16xi32, #tpu.memory_space<hbm>>
      tpu.wait_dma2 semaphore(%run_scoped3A : memref<!tpu.dma_semaphore, #tpu.memory_space<semaphore_mem>>) src(%dma_wait3A_218 : memref<16xi32, #tpu.memory_space<hbm>>) dst(%arg8 : memref<16xi32, #tpu.memory_space<vmem>>)
      tpu.yield
    }) : () -> ()
    %dma_start3A_171 = arith.constant 0 : i32
    %dma_start3A_172 = arith.constant 0 : i32
    %dma_start3A_173 = tpu.memref_slice %arg4[%dma_start3A_171, %dma_start3A_172] : memref<8192x2048xf32, #tpu.memory_space<hbm>> -> memref<8192x2048xf32, #tpu.memory_space<hbm>>
    tpu.enqueue_indirect_dma source(%arg10 : memref<16x2048xf32, #tpu.memory_space<vmem>>) target(%dma_start3A_173 : memref<8192x2048xf32, #tpu.memory_space<hbm>>) offsets(%arg8 : memref<16xi32, #tpu.memory_space<vmem>>) semaphore(%arg14 : memref<!tpu.dma_semaphore, #tpu.memory_space<semaphore_mem>>)
    %dma_wait3A_174 = arith.constant 0 : i32
    %dma_wait3A_175 = arith.constant 0 : i32
    %dma_wait3A_176 = tpu.memref_slice %arg4[%dma_wait3A_174, %dma_wait3A_175] : memref<8192x2048xf32, #tpu.memory_space<hbm>> -> memref<8192x2048xf32, #tpu.memory_space<hbm>>
    tpu.wait_indirect_dma semaphore(%arg14 : memref<!tpu.dma_semaphore, #tpu.memory_space<semaphore_mem>>) src(%arg10 : memref<16x2048xf32, #tpu.memory_space<vmem>>) dst(%dma_wait3A_176 : memref<8192x2048xf32, #tpu.memory_space<hbm>>)
    %add3A_177 = arith.constant 112 : i32
    %add3A_178 = arith.addi %mul3A_2, %add3A_177 : i32
    %add3A_179 = arith.constant 0 : i32
    %add3A_180 = arith.addi %add3A_178, %add3A_179 : i32
    %add3A_181 = vector.broadcast %add3A_180 : i32 to vector<16xi32>
    %add3A_182 = arith.addi %add3A_181, %iota3A : vector<16xi32>
    %shift_right_logical3A_183 = arith.constant 1 : i32
    %shift_right_logical3A_184 = vector.broadcast %shift_right_logical3A_183 : i32 to vector<16xi32>
    %shift_right_logical3A_185 = arith.shrui %add3A_182, %shift_right_logical3A_184 : vector<16xi32>
    %swap3A_186 = arith.constant 0 : index
    %swap3A_187 = tpu.vector_load %arg6[%swap3A_186] {strides = array<i32>} : memref<16xi32, #tpu.memory_space<vmem>>, vector<16xi32>,
    %swap3A_188 = vector.shape_cast %swap3A_187 : vector<16xi32> to vector<16xi32>
    %swap3A_189 = vector.shape_cast %shift_right_logical3A_185 : vector<16xi32> to vector<16xi32>
    tpu.vector_store %arg6[%swap3A_186], %swap3A_189 {strides = array<i32>} : memref<16xi32, #tpu.memory_space<vmem>>, vector<16xi32>,
    %dma_start3A_190 = arith.constant 0 : i32
    %dma_start3A_191 = arith.constant 0 : i32
    %dma_start3A_192 = tpu.memref_slice %arg2[%dma_start3A_190, %dma_start3A_191] : memref<2048x2048xf32, #tpu.memory_space<hbm>> -> memref<2048x2048xf32, #tpu.memory_space<hbm>>
    tpu.enqueue_indirect_dma source(%dma_start3A_192 : memref<2048x2048xf32, #tpu.memory_space<hbm>>) target(%arg10 : memref<16x2048xf32, #tpu.memory_space<vmem>>) offsets(%arg6 : memref<16xi32, #tpu.memory_space<vmem>>) semaphore(%arg12 : memref<!tpu.dma_semaphore, #tpu.memory_space<semaphore_mem>>)
    %dma_wait3A_193 = arith.constant 0 : i32
    %dma_wait3A_194 = arith.constant 0 : i32
    %dma_wait3A_195 = tpu.memref_slice %arg2[%dma_wait3A_193, %dma_wait3A_194] : memref<2048x2048xf32, #tpu.memory_space<hbm>> -> memref<2048x2048xf32, #tpu.memory_space<hbm>>
    tpu.wait_indirect_dma semaphore(%arg11 : memref<!tpu.dma_semaphore, #tpu.memory_space<semaphore_mem>>) src(%dma_wait3A_195 : memref<2048x2048xf32, #tpu.memory_space<hbm>>) dst(%arg9 : memref<16x2048xf32, #tpu.memory_space<vmem>>)
    %add3A_196 = arith.constant 96 : i32
    %add3A_197 = arith.addi %mul3A_2, %add3A_196 : i32
    "tpu.region"() ({
      %run_scoped3A = tpu.sem_alloc : memref<!tpu.dma_semaphore, #tpu.memory_space<semaphore_mem>>
      %dma_start3A_215 = tpu.memref_slice %arg3[%add3A_197] : memref<4096xi32, #tpu.memory_space<hbm>> -> memref<16xi32, #tpu.memory_space<hbm>>
      %dma_start3A_216 = tpu.memref_slice %arg3[%add3A_197] : memref<4096xi32, #tpu.memory_space<hbm>> -> memref<16xi32, #tpu.memory_space<hbm>>
      tpu.enqueue_dma source(%dma_start3A_216 : memref<16xi32, #tpu.memory_space<hbm>>) target(%arg7 : memref<16xi32, #tpu.memory_space<vmem>>) target_semaphore(%run_scoped3A : memref<!tpu.dma_semaphore, #tpu.memory_space<semaphore_mem>>)
      %dma_wait3A_217 = tpu.memref_slice %arg3[%add3A_197] : memref<4096xi32, #tpu.memory_space<hbm>> -> memref<16xi32, #tpu.memory_space<hbm>>
      %dma_wait3A_218 = tpu.memref_slice %arg3[%add3A_197] : memref<4096xi32, #tpu.memory_space<hbm>> -> memref<16xi32, #tpu.memory_space<hbm>>
      tpu.wait_dma2 semaphore(%run_scoped3A : memref<!tpu.dma_semaphore, #tpu.memory_space<semaphore_mem>>) src(%dma_wait3A_218 : memref<16xi32, #tpu.memory_space<hbm>>) dst(%arg7 : memref<16xi32, #tpu.memory_space<vmem>>)
      tpu.yield
    }) : () -> ()
    %dma_start3A_198 = arith.constant 0 : i32
    %dma_start3A_199 = arith.constant 0 : i32
    %dma_start3A_200 = tpu.memref_slice %arg4[%dma_start3A_198, %dma_start3A_199] : memref<8192x2048xf32, #tpu.memory_space<hbm>> -> memref<8192x2048xf32, #tpu.memory_space<hbm>>
    tpu.enqueue_indirect_dma source(%arg9 : memref<16x2048xf32, #tpu.memory_space<vmem>>) target(%dma_start3A_200 : memref<8192x2048xf32, #tpu.memory_space<hbm>>) offsets(%arg7 : memref<16xi32, #tpu.memory_space<vmem>>) semaphore(%arg13 : memref<!tpu.dma_semaphore, #tpu.memory_space<semaphore_mem>>)
    %dma_wait3A_201 = arith.constant 0 : i32
    %dma_wait3A_202 = arith.constant 0 : i32
    %dma_wait3A_203 = tpu.memref_slice %arg2[%dma_wait3A_201, %dma_wait3A_202] : memref<2048x2048xf32, #tpu.memory_space<hbm>> -> memref<2048x2048xf32, #tpu.memory_space<hbm>>
    tpu.wait_indirect_dma semaphore(%arg12 : memref<!tpu.dma_semaphore, #tpu.memory_space<semaphore_mem>>) src(%dma_wait3A_203 : memref<2048x2048xf32, #tpu.memory_space<hbm>>) dst(%arg10 : memref<16x2048xf32, #tpu.memory_space<vmem>>)
    %add3A_204 = arith.constant 112 : i32
    %add3A_205 = arith.addi %mul3A_2, %add3A_204 : i32
    "tpu.region"() ({
      %run_scoped3A = tpu.sem_alloc : memref<!tpu.dma_semaphore, #tpu.memory_space<semaphore_mem>>
      %dma_start3A_215 = tpu.memref_slice %arg3[%add3A_205] : memref<4096xi32, #tpu.memory_space<hbm>> -> memref<16xi32, #tpu.memory_space<hbm>>
      %dma_start3A_216 = tpu.memref_slice %arg3[%add3A_205] : memref<4096xi32, #tpu.memory_space<hbm>> -> memref<16xi32, #tpu.memory_space<hbm>>
      tpu.enqueue_dma source(%dma_start3A_216 : memref<16xi32, #tpu.memory_space<hbm>>) target(%arg8 : memref<16xi32, #tpu.memory_space<vmem>>) target_semaphore(%run_scoped3A : memref<!tpu.dma_semaphore, #tpu.memory_space<semaphore_mem>>)
      %dma_wait3A_217 = tpu.memref_slice %arg3[%add3A_205] : memref<4096xi32, #tpu.memory_space<hbm>> -> memref<16xi32, #tpu.memory_space<hbm>>
      %dma_wait3A_218 = tpu.memref_slice %arg3[%add3A_205] : memref<4096xi32, #tpu.memory_space<hbm>> -> memref<16xi32, #tpu.memory_space<hbm>>
      tpu.wait_dma2 semaphore(%run_scoped3A : memref<!tpu.dma_semaphore, #tpu.memory_space<semaphore_mem>>) src(%dma_wait3A_218 : memref<16xi32, #tpu.memory_space<hbm>>) dst(%arg8 : memref<16xi32, #tpu.memory_space<vmem>>)
      tpu.yield
    }) : () -> ()
    %dma_start3A_206 = arith.constant 0 : i32
    %dma_start3A_207 = arith.constant 0 : i32
    %dma_start3A_208 = tpu.memref_slice %arg4[%dma_start3A_206, %dma_start3A_207] : memref<8192x2048xf32, #tpu.memory_space<hbm>> -> memref<8192x2048xf32, #tpu.memory_space<hbm>>
    tpu.enqueue_indirect_dma source(%arg10 : memref<16x2048xf32, #tpu.memory_space<vmem>>) target(%dma_start3A_208 : memref<8192x2048xf32, #tpu.memory_space<hbm>>) offsets(%arg8 : memref<16xi32, #tpu.memory_space<vmem>>) semaphore(%arg14 : memref<!tpu.dma_semaphore, #tpu.memory_space<semaphore_mem>>)
    %dma_wait3A_209 = arith.constant 0 : i32
    %dma_wait3A_210 = arith.constant 0 : i32
    %dma_wait3A_211 = tpu.memref_slice %arg4[%dma_wait3A_209, %dma_wait3A_210] : memref<8192x2048xf32, #tpu.memory_space<hbm>> -> memref<8192x2048xf32, #tpu.memory_space<hbm>>
    tpu.wait_indirect_dma semaphore(%arg13 : memref<!tpu.dma_semaphore, #tpu.memory_space<semaphore_mem>>) src(%arg9 : memref<16x2048xf32, #tpu.memory_space<vmem>>) dst(%dma_wait3A_211 : memref<8192x2048xf32, #tpu.memory_space<hbm>>)
    %dma_wait3A_212 = arith.constant 0 : i32
    %dma_wait3A_213 = arith.constant 0 : i32
    %dma_wait3A_214 = tpu.memref_slice %arg4[%dma_wait3A_212, %dma_wait3A_213] : memref<8192x2048xf32, #tpu.memory_space<hbm>> -> memref<8192x2048xf32, #tpu.memory_space<hbm>>
    tpu.wait_indirect_dma semaphore(%arg14 : memref<!tpu.dma_semaphore, #tpu.memory_space<semaphore_mem>>) src(%arg10 : memref<16x2048xf32, #tpu.memory_space<vmem>>) dst(%dma_wait3A_214 : memref<8192x2048xf32, #tpu.memory_space<hbm>>)
    return
  }
}

#map = affine_map<(d0, d1) -> (0, 0)>
#map1 = affine_map<(d0, d1) -> (0)>
module attributes {stable_mosaic.version = 14 : i64} {
  func.func @k(%arg0: i32, %arg1: i32, %arg2: memref<8192x2048xf32, #tpu.memory_space<hbm>>, %arg3: memref<4096xi32, #tpu.memory_space<hbm>>, %arg4: memref<4096x2048xf32, #tpu.memory_space<hbm>>, %arg5: memref<16xi32, #tpu.memory_space<vmem>>, %arg6: memref<16xi32, #tpu.memory_space<vmem>>, %arg7: memref<16x2048xf32, #tpu.memory_space<vmem>>, %arg8: memref<16x2048xf32, #tpu.memory_space<vmem>>, %arg9: memref<!tpu.dma_semaphore, #tpu.memory_space<semaphore_mem>>, %arg10: memref<!tpu.dma_semaphore, #tpu.memory_space<semaphore_mem>>, %arg11: memref<!tpu.dma_semaphore, #tpu.memory_space<semaphore_mem>>, %arg12: memref<!tpu.dma_semaphore, #tpu.memory_space<semaphore_mem>>) attributes {dimension_semantics = [#tpu.dimension_semantics<core_parallel>, #tpu.dimension_semantics<subcore_parallel>], iteration_bounds = array<i64: 2, 16>, scalar_prefetch = 0 : i64, scratch_operands = 8 : i64, tpu.core_type = #tpu.core_type<sc_vector_subcore>, window_params = [{transform_indices = #map}, {transform_indices = #map1}, {transform_indices = #map}]} {
    %mul3A = arith.constant 2 : i32
    %mul3A_0 = arith.muli %arg1, %mul3A : i32
    %add3A = arith.addi %mul3A_0, %arg0 : i32
    %mul3A_1 = arith.constant 128 : i32
    %mul3A_2 = arith.muli %add3A, %mul3A_1 : i32
    %add3A_3 = arith.constant 0 : i32
    %add3A_4 = arith.addi %mul3A_2, %add3A_3 : i32
    "tpu.region"() ({
      %run_scoped3A = tpu.sem_alloc : memref<!tpu.dma_semaphore, #tpu.memory_space<semaphore_mem>>
      %dma_start3A_145 = tpu.memref_slice %arg3[%add3A_4] : memref<4096xi32, #tpu.memory_space<hbm>> -> memref<16xi32, #tpu.memory_space<hbm>>
      %dma_start3A_146 = tpu.memref_slice %arg3[%add3A_4] : memref<4096xi32, #tpu.memory_space<hbm>> -> memref<16xi32, #tpu.memory_space<hbm>>
      tpu.enqueue_dma source(%dma_start3A_146 : memref<16xi32, #tpu.memory_space<hbm>>) target(%arg5 : memref<16xi32, #tpu.memory_space<vmem>>) target_semaphore(%run_scoped3A : memref<!tpu.dma_semaphore, #tpu.memory_space<semaphore_mem>>)
      %dma_wait3A_147 = tpu.memref_slice %arg3[%add3A_4] : memref<4096xi32, #tpu.memory_space<hbm>> -> memref<16xi32, #tpu.memory_space<hbm>>
      %dma_wait3A_148 = tpu.memref_slice %arg3[%add3A_4] : memref<4096xi32, #tpu.memory_space<hbm>> -> memref<16xi32, #tpu.memory_space<hbm>>
      tpu.wait_dma2 semaphore(%run_scoped3A : memref<!tpu.dma_semaphore, #tpu.memory_space<semaphore_mem>>) src(%dma_wait3A_148 : memref<16xi32, #tpu.memory_space<hbm>>) dst(%arg5 : memref<16xi32, #tpu.memory_space<vmem>>)
      tpu.yield
    }) : () -> ()
    %dma_start3A = arith.constant 0 : i32
    %dma_start3A_5 = arith.constant 0 : i32
    %dma_start3A_6 = tpu.memref_slice %arg2[%dma_start3A, %dma_start3A_5] : memref<8192x2048xf32, #tpu.memory_space<hbm>> -> memref<8192x2048xf32, #tpu.memory_space<hbm>>
    tpu.enqueue_indirect_dma source(%dma_start3A_6 : memref<8192x2048xf32, #tpu.memory_space<hbm>>) target(%arg7 : memref<16x2048xf32, #tpu.memory_space<vmem>>) offsets(%arg5 : memref<16xi32, #tpu.memory_space<vmem>>) semaphore(%arg9 : memref<!tpu.dma_semaphore, #tpu.memory_space<semaphore_mem>>)
    %add3A_7 = arith.constant 16 : i32
    %add3A_8 = arith.addi %mul3A_2, %add3A_7 : i32
    "tpu.region"() ({
      %run_scoped3A = tpu.sem_alloc : memref<!tpu.dma_semaphore, #tpu.memory_space<semaphore_mem>>
      %dma_start3A_145 = tpu.memref_slice %arg3[%add3A_8] : memref<4096xi32, #tpu.memory_space<hbm>> -> memref<16xi32, #tpu.memory_space<hbm>>
      %dma_start3A_146 = tpu.memref_slice %arg3[%add3A_8] : memref<4096xi32, #tpu.memory_space<hbm>> -> memref<16xi32, #tpu.memory_space<hbm>>
      tpu.enqueue_dma source(%dma_start3A_146 : memref<16xi32, #tpu.memory_space<hbm>>) target(%arg6 : memref<16xi32, #tpu.memory_space<vmem>>) target_semaphore(%run_scoped3A : memref<!tpu.dma_semaphore, #tpu.memory_space<semaphore_mem>>)
      %dma_wait3A_147 = tpu.memref_slice %arg3[%add3A_8] : memref<4096xi32, #tpu.memory_space<hbm>> -> memref<16xi32, #tpu.memory_space<hbm>>
      %dma_wait3A_148 = tpu.memref_slice %arg3[%add3A_8] : memref<4096xi32, #tpu.memory_space<hbm>> -> memref<16xi32, #tpu.memory_space<hbm>>
      tpu.wait_dma2 semaphore(%run_scoped3A : memref<!tpu.dma_semaphore, #tpu.memory_space<semaphore_mem>>) src(%dma_wait3A_148 : memref<16xi32, #tpu.memory_space<hbm>>) dst(%arg6 : memref<16xi32, #tpu.memory_space<vmem>>)
      tpu.yield
    }) : () -> ()
    %dma_start3A_9 = arith.constant 0 : i32
    %dma_start3A_10 = arith.constant 0 : i32
    %dma_start3A_11 = tpu.memref_slice %arg2[%dma_start3A_9, %dma_start3A_10] : memref<8192x2048xf32, #tpu.memory_space<hbm>> -> memref<8192x2048xf32, #tpu.memory_space<hbm>>
    tpu.enqueue_indirect_dma source(%dma_start3A_11 : memref<8192x2048xf32, #tpu.memory_space<hbm>>) target(%arg8 : memref<16x2048xf32, #tpu.memory_space<vmem>>) offsets(%arg6 : memref<16xi32, #tpu.memory_space<vmem>>) semaphore(%arg10 : memref<!tpu.dma_semaphore, #tpu.memory_space<semaphore_mem>>)
    %dma_wait3A = arith.constant 0 : i32
    %dma_wait3A_12 = arith.constant 0 : i32
    %dma_wait3A_13 = tpu.memref_slice %arg2[%dma_wait3A, %dma_wait3A_12] : memref<8192x2048xf32, #tpu.memory_space<hbm>> -> memref<8192x2048xf32, #tpu.memory_space<hbm>>
    tpu.wait_indirect_dma semaphore(%arg9 : memref<!tpu.dma_semaphore, #tpu.memory_space<semaphore_mem>>) src(%dma_wait3A_13 : memref<8192x2048xf32, #tpu.memory_space<hbm>>) dst(%arg7 : memref<16x2048xf32, #tpu.memory_space<vmem>>)
    %add3A_14 = arith.constant 0 : i32
    %add3A_15 = arith.addi %mul3A_2, %add3A_14 : i32
    %dma_start3A_16 = arith.constant 0 : i32
    %dma_start3A_17 = tpu.memref_slice %arg4[%add3A_15, %dma_start3A_16] : memref<4096x2048xf32, #tpu.memory_space<hbm>> -> memref<16x2048xf32, #tpu.memory_space<hbm>>
    %dma_start3A_18 = arith.constant 0 : i32
    %dma_start3A_19 = tpu.memref_slice %arg4[%add3A_15, %dma_start3A_18] : memref<4096x2048xf32, #tpu.memory_space<hbm>> -> memref<16x2048xf32, #tpu.memory_space<hbm>>
    tpu.enqueue_dma source(%arg7 : memref<16x2048xf32, #tpu.memory_space<vmem>>) target(%dma_start3A_19 : memref<16x2048xf32, #tpu.memory_space<hbm>>) target_semaphore(%arg11 : memref<!tpu.dma_semaphore, #tpu.memory_space<semaphore_mem>>)
    %dma_wait3A_20 = arith.constant 0 : i32
    %dma_wait3A_21 = tpu.memref_slice %arg4[%add3A_15, %dma_wait3A_20] : memref<4096x2048xf32, #tpu.memory_space<hbm>> -> memref<16x2048xf32, #tpu.memory_space<hbm>>
    %dma_wait3A_22 = arith.constant 0 : i32
    %dma_wait3A_23 = tpu.memref_slice %arg4[%add3A_15, %dma_wait3A_22] : memref<4096x2048xf32, #tpu.memory_space<hbm>> -> memref<16x2048xf32, #tpu.memory_space<hbm>>
    tpu.wait_dma2 semaphore(%arg11 : memref<!tpu.dma_semaphore, #tpu.memory_space<semaphore_mem>>) src(%arg7 : memref<16x2048xf32, #tpu.memory_space<vmem>>) dst(%dma_wait3A_23 : memref<16x2048xf32, #tpu.memory_space<hbm>>)
    %add3A_24 = arith.constant 32 : i32
    %add3A_25 = arith.addi %mul3A_2, %add3A_24 : i32
    "tpu.region"() ({
      %run_scoped3A = tpu.sem_alloc : memref<!tpu.dma_semaphore, #tpu.memory_space<semaphore_mem>>
      %dma_start3A_145 = tpu.memref_slice %arg3[%add3A_25] : memref<4096xi32, #tpu.memory_space<hbm>> -> memref<16xi32, #tpu.memory_space<hbm>>
      %dma_start3A_146 = tpu.memref_slice %arg3[%add3A_25] : memref<4096xi32, #tpu.memory_space<hbm>> -> memref<16xi32, #tpu.memory_space<hbm>>
      tpu.enqueue_dma source(%dma_start3A_146 : memref<16xi32, #tpu.memory_space<hbm>>) target(%arg5 : memref<16xi32, #tpu.memory_space<vmem>>) target_semaphore(%run_scoped3A : memref<!tpu.dma_semaphore, #tpu.memory_space<semaphore_mem>>)
      %dma_wait3A_147 = tpu.memref_slice %arg3[%add3A_25] : memref<4096xi32, #tpu.memory_space<hbm>> -> memref<16xi32, #tpu.memory_space<hbm>>
      %dma_wait3A_148 = tpu.memref_slice %arg3[%add3A_25] : memref<4096xi32, #tpu.memory_space<hbm>> -> memref<16xi32, #tpu.memory_space<hbm>>
      tpu.wait_dma2 semaphore(%run_scoped3A : memref<!tpu.dma_semaphore, #tpu.memory_space<semaphore_mem>>) src(%dma_wait3A_148 : memref<16xi32, #tpu.memory_space<hbm>>) dst(%arg5 : memref<16xi32, #tpu.memory_space<vmem>>)
      tpu.yield
    }) : () -> ()
    %dma_start3A_26 = arith.constant 0 : i32
    %dma_start3A_27 = arith.constant 0 : i32
    %dma_start3A_28 = tpu.memref_slice %arg2[%dma_start3A_26, %dma_start3A_27] : memref<8192x2048xf32, #tpu.memory_space<hbm>> -> memref<8192x2048xf32, #tpu.memory_space<hbm>>
    tpu.enqueue_indirect_dma source(%dma_start3A_28 : memref<8192x2048xf32, #tpu.memory_space<hbm>>) target(%arg7 : memref<16x2048xf32, #tpu.memory_space<vmem>>) offsets(%arg5 : memref<16xi32, #tpu.memory_space<vmem>>) semaphore(%arg9 : memref<!tpu.dma_semaphore, #tpu.memory_space<semaphore_mem>>)
    %dma_wait3A_29 = arith.constant 0 : i32
    %dma_wait3A_30 = arith.constant 0 : i32
    %dma_wait3A_31 = tpu.memref_slice %arg2[%dma_wait3A_29, %dma_wait3A_30] : memref<8192x2048xf32, #tpu.memory_space<hbm>> -> memref<8192x2048xf32, #tpu.memory_space<hbm>>
    tpu.wait_indirect_dma semaphore(%arg10 : memref<!tpu.dma_semaphore, #tpu.memory_space<semaphore_mem>>) src(%dma_wait3A_31 : memref<8192x2048xf32, #tpu.memory_space<hbm>>) dst(%arg8 : memref<16x2048xf32, #tpu.memory_space<vmem>>)
    %add3A_32 = arith.constant 16 : i32
    %add3A_33 = arith.addi %mul3A_2, %add3A_32 : i32
    %dma_start3A_34 = arith.constant 0 : i32
    %dma_start3A_35 = tpu.memref_slice %arg4[%add3A_33, %dma_start3A_34] : memref<4096x2048xf32, #tpu.memory_space<hbm>> -> memref<16x2048xf32, #tpu.memory_space<hbm>>
    %dma_start3A_36 = arith.constant 0 : i32
    %dma_start3A_37 = tpu.memref_slice %arg4[%add3A_33, %dma_start3A_36] : memref<4096x2048xf32, #tpu.memory_space<hbm>> -> memref<16x2048xf32, #tpu.memory_space<hbm>>
    tpu.enqueue_dma source(%arg8 : memref<16x2048xf32, #tpu.memory_space<vmem>>) target(%dma_start3A_37 : memref<16x2048xf32, #tpu.memory_space<hbm>>) target_semaphore(%arg12 : memref<!tpu.dma_semaphore, #tpu.memory_space<semaphore_mem>>)
    %dma_wait3A_38 = arith.constant 0 : i32
    %dma_wait3A_39 = tpu.memref_slice %arg4[%add3A_33, %dma_wait3A_38] : memref<4096x2048xf32, #tpu.memory_space<hbm>> -> memref<16x2048xf32, #tpu.memory_space<hbm>>
    %dma_wait3A_40 = arith.constant 0 : i32
    %dma_wait3A_41 = tpu.memref_slice %arg4[%add3A_33, %dma_wait3A_40] : memref<4096x2048xf32, #tpu.memory_space<hbm>> -> memref<16x2048xf32, #tpu.memory_space<hbm>>
    tpu.wait_dma2 semaphore(%arg12 : memref<!tpu.dma_semaphore, #tpu.memory_space<semaphore_mem>>) src(%arg8 : memref<16x2048xf32, #tpu.memory_space<vmem>>) dst(%dma_wait3A_41 : memref<16x2048xf32, #tpu.memory_space<hbm>>)
    %add3A_42 = arith.constant 48 : i32
    %add3A_43 = arith.addi %mul3A_2, %add3A_42 : i32
    "tpu.region"() ({
      %run_scoped3A = tpu.sem_alloc : memref<!tpu.dma_semaphore, #tpu.memory_space<semaphore_mem>>
      %dma_start3A_145 = tpu.memref_slice %arg3[%add3A_43] : memref<4096xi32, #tpu.memory_space<hbm>> -> memref<16xi32, #tpu.memory_space<hbm>>
      %dma_start3A_146 = tpu.memref_slice %arg3[%add3A_43] : memref<4096xi32, #tpu.memory_space<hbm>> -> memref<16xi32, #tpu.memory_space<hbm>>
      tpu.enqueue_dma source(%dma_start3A_146 : memref<16xi32, #tpu.memory_space<hbm>>) target(%arg6 : memref<16xi32, #tpu.memory_space<vmem>>) target_semaphore(%run_scoped3A : memref<!tpu.dma_semaphore, #tpu.memory_space<semaphore_mem>>)
      %dma_wait3A_147 = tpu.memref_slice %arg3[%add3A_43] : memref<4096xi32, #tpu.memory_space<hbm>> -> memref<16xi32, #tpu.memory_space<hbm>>
      %dma_wait3A_148 = tpu.memref_slice %arg3[%add3A_43] : memref<4096xi32, #tpu.memory_space<hbm>> -> memref<16xi32, #tpu.memory_space<hbm>>
      tpu.wait_dma2 semaphore(%run_scoped3A : memref<!tpu.dma_semaphore, #tpu.memory_space<semaphore_mem>>) src(%dma_wait3A_148 : memref<16xi32, #tpu.memory_space<hbm>>) dst(%arg6 : memref<16xi32, #tpu.memory_space<vmem>>)
      tpu.yield
    }) : () -> ()
    %dma_start3A_44 = arith.constant 0 : i32
    %dma_start3A_45 = arith.constant 0 : i32
    %dma_start3A_46 = tpu.memref_slice %arg2[%dma_start3A_44, %dma_start3A_45] : memref<8192x2048xf32, #tpu.memory_space<hbm>> -> memref<8192x2048xf32, #tpu.memory_space<hbm>>
    tpu.enqueue_indirect_dma source(%dma_start3A_46 : memref<8192x2048xf32, #tpu.memory_space<hbm>>) target(%arg8 : memref<16x2048xf32, #tpu.memory_space<vmem>>) offsets(%arg6 : memref<16xi32, #tpu.memory_space<vmem>>) semaphore(%arg10 : memref<!tpu.dma_semaphore, #tpu.memory_space<semaphore_mem>>)
    %dma_wait3A_47 = arith.constant 0 : i32
    %dma_wait3A_48 = arith.constant 0 : i32
    %dma_wait3A_49 = tpu.memref_slice %arg2[%dma_wait3A_47, %dma_wait3A_48] : memref<8192x2048xf32, #tpu.memory_space<hbm>> -> memref<8192x2048xf32, #tpu.memory_space<hbm>>
    tpu.wait_indirect_dma semaphore(%arg9 : memref<!tpu.dma_semaphore, #tpu.memory_space<semaphore_mem>>) src(%dma_wait3A_49 : memref<8192x2048xf32, #tpu.memory_space<hbm>>) dst(%arg7 : memref<16x2048xf32, #tpu.memory_space<vmem>>)
    %add3A_50 = arith.constant 32 : i32
    %add3A_51 = arith.addi %mul3A_2, %add3A_50 : i32
    %dma_start3A_52 = arith.constant 0 : i32
    %dma_start3A_53 = tpu.memref_slice %arg4[%add3A_51, %dma_start3A_52] : memref<4096x2048xf32, #tpu.memory_space<hbm>> -> memref<16x2048xf32, #tpu.memory_space<hbm>>
    %dma_start3A_54 = arith.constant 0 : i32
    %dma_start3A_55 = tpu.memref_slice %arg4[%add3A_51, %dma_start3A_54] : memref<4096x2048xf32, #tpu.memory_space<hbm>> -> memref<16x2048xf32, #tpu.memory_space<hbm>>
    tpu.enqueue_dma source(%arg7 : memref<16x2048xf32, #tpu.memory_space<vmem>>) target(%dma_start3A_55 : memref<16x2048xf32, #tpu.memory_space<hbm>>) target_semaphore(%arg11 : memref<!tpu.dma_semaphore, #tpu.memory_space<semaphore_mem>>)
    %dma_wait3A_56 = arith.constant 0 : i32
    %dma_wait3A_57 = tpu.memref_slice %arg4[%add3A_51, %dma_wait3A_56] : memref<4096x2048xf32, #tpu.memory_space<hbm>> -> memref<16x2048xf32, #tpu.memory_space<hbm>>
    %dma_wait3A_58 = arith.constant 0 : i32
    %dma_wait3A_59 = tpu.memref_slice %arg4[%add3A_51, %dma_wait3A_58] : memref<4096x2048xf32, #tpu.memory_space<hbm>> -> memref<16x2048xf32, #tpu.memory_space<hbm>>
    tpu.wait_dma2 semaphore(%arg11 : memref<!tpu.dma_semaphore, #tpu.memory_space<semaphore_mem>>) src(%arg7 : memref<16x2048xf32, #tpu.memory_space<vmem>>) dst(%dma_wait3A_59 : memref<16x2048xf32, #tpu.memory_space<hbm>>)
    %add3A_60 = arith.constant 64 : i32
    %add3A_61 = arith.addi %mul3A_2, %add3A_60 : i32
    "tpu.region"() ({
      %run_scoped3A = tpu.sem_alloc : memref<!tpu.dma_semaphore, #tpu.memory_space<semaphore_mem>>
      %dma_start3A_145 = tpu.memref_slice %arg3[%add3A_61] : memref<4096xi32, #tpu.memory_space<hbm>> -> memref<16xi32, #tpu.memory_space<hbm>>
      %dma_start3A_146 = tpu.memref_slice %arg3[%add3A_61] : memref<4096xi32, #tpu.memory_space<hbm>> -> memref<16xi32, #tpu.memory_space<hbm>>
      tpu.enqueue_dma source(%dma_start3A_146 : memref<16xi32, #tpu.memory_space<hbm>>) target(%arg5 : memref<16xi32, #tpu.memory_space<vmem>>) target_semaphore(%run_scoped3A : memref<!tpu.dma_semaphore, #tpu.memory_space<semaphore_mem>>)
      %dma_wait3A_147 = tpu.memref_slice %arg3[%add3A_61] : memref<4096xi32, #tpu.memory_space<hbm>> -> memref<16xi32, #tpu.memory_space<hbm>>
      %dma_wait3A_148 = tpu.memref_slice %arg3[%add3A_61] : memref<4096xi32, #tpu.memory_space<hbm>> -> memref<16xi32, #tpu.memory_space<hbm>>
      tpu.wait_dma2 semaphore(%run_scoped3A : memref<!tpu.dma_semaphore, #tpu.memory_space<semaphore_mem>>) src(%dma_wait3A_148 : memref<16xi32, #tpu.memory_space<hbm>>) dst(%arg5 : memref<16xi32, #tpu.memory_space<vmem>>)
      tpu.yield
    }) : () -> ()
    %dma_start3A_62 = arith.constant 0 : i32
    %dma_start3A_63 = arith.constant 0 : i32
    %dma_start3A_64 = tpu.memref_slice %arg2[%dma_start3A_62, %dma_start3A_63] : memref<8192x2048xf32, #tpu.memory_space<hbm>> -> memref<8192x2048xf32, #tpu.memory_space<hbm>>
    tpu.enqueue_indirect_dma source(%dma_start3A_64 : memref<8192x2048xf32, #tpu.memory_space<hbm>>) target(%arg7 : memref<16x2048xf32, #tpu.memory_space<vmem>>) offsets(%arg5 : memref<16xi32, #tpu.memory_space<vmem>>) semaphore(%arg9 : memref<!tpu.dma_semaphore, #tpu.memory_space<semaphore_mem>>)
    %dma_wait3A_65 = arith.constant 0 : i32
    %dma_wait3A_66 = arith.constant 0 : i32
    %dma_wait3A_67 = tpu.memref_slice %arg2[%dma_wait3A_65, %dma_wait3A_66] : memref<8192x2048xf32, #tpu.memory_space<hbm>> -> memref<8192x2048xf32, #tpu.memory_space<hbm>>
    tpu.wait_indirect_dma semaphore(%arg10 : memref<!tpu.dma_semaphore, #tpu.memory_space<semaphore_mem>>) src(%dma_wait3A_67 : memref<8192x2048xf32, #tpu.memory_space<hbm>>) dst(%arg8 : memref<16x2048xf32, #tpu.memory_space<vmem>>)
    %add3A_68 = arith.constant 48 : i32
    %add3A_69 = arith.addi %mul3A_2, %add3A_68 : i32
    %dma_start3A_70 = arith.constant 0 : i32
    %dma_start3A_71 = tpu.memref_slice %arg4[%add3A_69, %dma_start3A_70] : memref<4096x2048xf32, #tpu.memory_space<hbm>> -> memref<16x2048xf32, #tpu.memory_space<hbm>>
    %dma_start3A_72 = arith.constant 0 : i32
    %dma_start3A_73 = tpu.memref_slice %arg4[%add3A_69, %dma_start3A_72] : memref<4096x2048xf32, #tpu.memory_space<hbm>> -> memref<16x2048xf32, #tpu.memory_space<hbm>>
    tpu.enqueue_dma source(%arg8 : memref<16x2048xf32, #tpu.memory_space<vmem>>) target(%dma_start3A_73 : memref<16x2048xf32, #tpu.memory_space<hbm>>) target_semaphore(%arg12 : memref<!tpu.dma_semaphore, #tpu.memory_space<semaphore_mem>>)
    %dma_wait3A_74 = arith.constant 0 : i32
    %dma_wait3A_75 = tpu.memref_slice %arg4[%add3A_69, %dma_wait3A_74] : memref<4096x2048xf32, #tpu.memory_space<hbm>> -> memref<16x2048xf32, #tpu.memory_space<hbm>>
    %dma_wait3A_76 = arith.constant 0 : i32
    %dma_wait3A_77 = tpu.memref_slice %arg4[%add3A_69, %dma_wait3A_76] : memref<4096x2048xf32, #tpu.memory_space<hbm>> -> memref<16x2048xf32, #tpu.memory_space<hbm>>
    tpu.wait_dma2 semaphore(%arg12 : memref<!tpu.dma_semaphore, #tpu.memory_space<semaphore_mem>>) src(%arg8 : memref<16x2048xf32, #tpu.memory_space<vmem>>) dst(%dma_wait3A_77 : memref<16x2048xf32, #tpu.memory_space<hbm>>)
    %add3A_78 = arith.constant 80 : i32
    %add3A_79 = arith.addi %mul3A_2, %add3A_78 : i32
    "tpu.region"() ({
      %run_scoped3A = tpu.sem_alloc : memref<!tpu.dma_semaphore, #tpu.memory_space<semaphore_mem>>
      %dma_start3A_145 = tpu.memref_slice %arg3[%add3A_79] : memref<4096xi32, #tpu.memory_space<hbm>> -> memref<16xi32, #tpu.memory_space<hbm>>
      %dma_start3A_146 = tpu.memref_slice %arg3[%add3A_79] : memref<4096xi32, #tpu.memory_space<hbm>> -> memref<16xi32, #tpu.memory_space<hbm>>
      tpu.enqueue_dma source(%dma_start3A_146 : memref<16xi32, #tpu.memory_space<hbm>>) target(%arg6 : memref<16xi32, #tpu.memory_space<vmem>>) target_semaphore(%run_scoped3A : memref<!tpu.dma_semaphore, #tpu.memory_space<semaphore_mem>>)
      %dma_wait3A_147 = tpu.memref_slice %arg3[%add3A_79] : memref<4096xi32, #tpu.memory_space<hbm>> -> memref<16xi32, #tpu.memory_space<hbm>>
      %dma_wait3A_148 = tpu.memref_slice %arg3[%add3A_79] : memref<4096xi32, #tpu.memory_space<hbm>> -> memref<16xi32, #tpu.memory_space<hbm>>
      tpu.wait_dma2 semaphore(%run_scoped3A : memref<!tpu.dma_semaphore, #tpu.memory_space<semaphore_mem>>) src(%dma_wait3A_148 : memref<16xi32, #tpu.memory_space<hbm>>) dst(%arg6 : memref<16xi32, #tpu.memory_space<vmem>>)
      tpu.yield
    }) : () -> ()
    %dma_start3A_80 = arith.constant 0 : i32
    %dma_start3A_81 = arith.constant 0 : i32
    %dma_start3A_82 = tpu.memref_slice %arg2[%dma_start3A_80, %dma_start3A_81] : memref<8192x2048xf32, #tpu.memory_space<hbm>> -> memref<8192x2048xf32, #tpu.memory_space<hbm>>
    tpu.enqueue_indirect_dma source(%dma_start3A_82 : memref<8192x2048xf32, #tpu.memory_space<hbm>>) target(%arg8 : memref<16x2048xf32, #tpu.memory_space<vmem>>) offsets(%arg6 : memref<16xi32, #tpu.memory_space<vmem>>) semaphore(%arg10 : memref<!tpu.dma_semaphore, #tpu.memory_space<semaphore_mem>>)
    %dma_wait3A_83 = arith.constant 0 : i32
    %dma_wait3A_84 = arith.constant 0 : i32
    %dma_wait3A_85 = tpu.memref_slice %arg2[%dma_wait3A_83, %dma_wait3A_84] : memref<8192x2048xf32, #tpu.memory_space<hbm>> -> memref<8192x2048xf32, #tpu.memory_space<hbm>>
    tpu.wait_indirect_dma semaphore(%arg9 : memref<!tpu.dma_semaphore, #tpu.memory_space<semaphore_mem>>) src(%dma_wait3A_85 : memref<8192x2048xf32, #tpu.memory_space<hbm>>) dst(%arg7 : memref<16x2048xf32, #tpu.memory_space<vmem>>)
    %add3A_86 = arith.constant 64 : i32
    %add3A_87 = arith.addi %mul3A_2, %add3A_86 : i32
    %dma_start3A_88 = arith.constant 0 : i32
    %dma_start3A_89 = tpu.memref_slice %arg4[%add3A_87, %dma_start3A_88] : memref<4096x2048xf32, #tpu.memory_space<hbm>> -> memref<16x2048xf32, #tpu.memory_space<hbm>>
    %dma_start3A_90 = arith.constant 0 : i32
    %dma_start3A_91 = tpu.memref_slice %arg4[%add3A_87, %dma_start3A_90] : memref<4096x2048xf32, #tpu.memory_space<hbm>> -> memref<16x2048xf32, #tpu.memory_space<hbm>>
    tpu.enqueue_dma source(%arg7 : memref<16x2048xf32, #tpu.memory_space<vmem>>) target(%dma_start3A_91 : memref<16x2048xf32, #tpu.memory_space<hbm>>) target_semaphore(%arg11 : memref<!tpu.dma_semaphore, #tpu.memory_space<semaphore_mem>>)
    %dma_wait3A_92 = arith.constant 0 : i32
    %dma_wait3A_93 = tpu.memref_slice %arg4[%add3A_87, %dma_wait3A_92] : memref<4096x2048xf32, #tpu.memory_space<hbm>> -> memref<16x2048xf32, #tpu.memory_space<hbm>>
    %dma_wait3A_94 = arith.constant 0 : i32
    %dma_wait3A_95 = tpu.memref_slice %arg4[%add3A_87, %dma_wait3A_94] : memref<4096x2048xf32, #tpu.memory_space<hbm>> -> memref<16x2048xf32, #tpu.memory_space<hbm>>
    tpu.wait_dma2 semaphore(%arg11 : memref<!tpu.dma_semaphore, #tpu.memory_space<semaphore_mem>>) src(%arg7 : memref<16x2048xf32, #tpu.memory_space<vmem>>) dst(%dma_wait3A_95 : memref<16x2048xf32, #tpu.memory_space<hbm>>)
    %add3A_96 = arith.constant 96 : i32
    %add3A_97 = arith.addi %mul3A_2, %add3A_96 : i32
    "tpu.region"() ({
      %run_scoped3A = tpu.sem_alloc : memref<!tpu.dma_semaphore, #tpu.memory_space<semaphore_mem>>
      %dma_start3A_145 = tpu.memref_slice %arg3[%add3A_97] : memref<4096xi32, #tpu.memory_space<hbm>> -> memref<16xi32, #tpu.memory_space<hbm>>
      %dma_start3A_146 = tpu.memref_slice %arg3[%add3A_97] : memref<4096xi32, #tpu.memory_space<hbm>> -> memref<16xi32, #tpu.memory_space<hbm>>
      tpu.enqueue_dma source(%dma_start3A_146 : memref<16xi32, #tpu.memory_space<hbm>>) target(%arg5 : memref<16xi32, #tpu.memory_space<vmem>>) target_semaphore(%run_scoped3A : memref<!tpu.dma_semaphore, #tpu.memory_space<semaphore_mem>>)
      %dma_wait3A_147 = tpu.memref_slice %arg3[%add3A_97] : memref<4096xi32, #tpu.memory_space<hbm>> -> memref<16xi32, #tpu.memory_space<hbm>>
      %dma_wait3A_148 = tpu.memref_slice %arg3[%add3A_97] : memref<4096xi32, #tpu.memory_space<hbm>> -> memref<16xi32, #tpu.memory_space<hbm>>
      tpu.wait_dma2 semaphore(%run_scoped3A : memref<!tpu.dma_semaphore, #tpu.memory_space<semaphore_mem>>) src(%dma_wait3A_148 : memref<16xi32, #tpu.memory_space<hbm>>) dst(%arg5 : memref<16xi32, #tpu.memory_space<vmem>>)
      tpu.yield
    }) : () -> ()
    %dma_start3A_98 = arith.constant 0 : i32
    %dma_start3A_99 = arith.constant 0 : i32
    %dma_start3A_100 = tpu.memref_slice %arg2[%dma_start3A_98, %dma_start3A_99] : memref<8192x2048xf32, #tpu.memory_space<hbm>> -> memref<8192x2048xf32, #tpu.memory_space<hbm>>
    tpu.enqueue_indirect_dma source(%dma_start3A_100 : memref<8192x2048xf32, #tpu.memory_space<hbm>>) target(%arg7 : memref<16x2048xf32, #tpu.memory_space<vmem>>) offsets(%arg5 : memref<16xi32, #tpu.memory_space<vmem>>) semaphore(%arg9 : memref<!tpu.dma_semaphore, #tpu.memory_space<semaphore_mem>>)
    %dma_wait3A_101 = arith.constant 0 : i32
    %dma_wait3A_102 = arith.constant 0 : i32
    %dma_wait3A_103 = tpu.memref_slice %arg2[%dma_wait3A_101, %dma_wait3A_102] : memref<8192x2048xf32, #tpu.memory_space<hbm>> -> memref<8192x2048xf32, #tpu.memory_space<hbm>>
    tpu.wait_indirect_dma semaphore(%arg10 : memref<!tpu.dma_semaphore, #tpu.memory_space<semaphore_mem>>) src(%dma_wait3A_103 : memref<8192x2048xf32, #tpu.memory_space<hbm>>) dst(%arg8 : memref<16x2048xf32, #tpu.memory_space<vmem>>)
    %add3A_104 = arith.constant 80 : i32
    %add3A_105 = arith.addi %mul3A_2, %add3A_104 : i32
    %dma_start3A_106 = arith.constant 0 : i32
    %dma_start3A_107 = tpu.memref_slice %arg4[%add3A_105, %dma_start3A_106] : memref<4096x2048xf32, #tpu.memory_space<hbm>> -> memref<16x2048xf32, #tpu.memory_space<hbm>>
    %dma_start3A_108 = arith.constant 0 : i32
    %dma_start3A_109 = tpu.memref_slice %arg4[%add3A_105, %dma_start3A_108] : memref<4096x2048xf32, #tpu.memory_space<hbm>> -> memref<16x2048xf32, #tpu.memory_space<hbm>>
    tpu.enqueue_dma source(%arg8 : memref<16x2048xf32, #tpu.memory_space<vmem>>) target(%dma_start3A_109 : memref<16x2048xf32, #tpu.memory_space<hbm>>) target_semaphore(%arg12 : memref<!tpu.dma_semaphore, #tpu.memory_space<semaphore_mem>>)
    %dma_wait3A_110 = arith.constant 0 : i32
    %dma_wait3A_111 = tpu.memref_slice %arg4[%add3A_105, %dma_wait3A_110] : memref<4096x2048xf32, #tpu.memory_space<hbm>> -> memref<16x2048xf32, #tpu.memory_space<hbm>>
    %dma_wait3A_112 = arith.constant 0 : i32
    %dma_wait3A_113 = tpu.memref_slice %arg4[%add3A_105, %dma_wait3A_112] : memref<4096x2048xf32, #tpu.memory_space<hbm>> -> memref<16x2048xf32, #tpu.memory_space<hbm>>
    tpu.wait_dma2 semaphore(%arg12 : memref<!tpu.dma_semaphore, #tpu.memory_space<semaphore_mem>>) src(%arg8 : memref<16x2048xf32, #tpu.memory_space<vmem>>) dst(%dma_wait3A_113 : memref<16x2048xf32, #tpu.memory_space<hbm>>)
    %add3A_114 = arith.constant 112 : i32
    %add3A_115 = arith.addi %mul3A_2, %add3A_114 : i32
    "tpu.region"() ({
      %run_scoped3A = tpu.sem_alloc : memref<!tpu.dma_semaphore, #tpu.memory_space<semaphore_mem>>
      %dma_start3A_145 = tpu.memref_slice %arg3[%add3A_115] : memref<4096xi32, #tpu.memory_space<hbm>> -> memref<16xi32, #tpu.memory_space<hbm>>
      %dma_start3A_146 = tpu.memref_slice %arg3[%add3A_115] : memref<4096xi32, #tpu.memory_space<hbm>> -> memref<16xi32, #tpu.memory_space<hbm>>
      tpu.enqueue_dma source(%dma_start3A_146 : memref<16xi32, #tpu.memory_space<hbm>>) target(%arg6 : memref<16xi32, #tpu.memory_space<vmem>>) target_semaphore(%run_scoped3A : memref<!tpu.dma_semaphore, #tpu.memory_space<semaphore_mem>>)
      %dma_wait3A_147 = tpu.memref_slice %arg3[%add3A_115] : memref<4096xi32, #tpu.memory_space<hbm>> -> memref<16xi32, #tpu.memory_space<hbm>>
      %dma_wait3A_148 = tpu.memref_slice %arg3[%add3A_115] : memref<4096xi32, #tpu.memory_space<hbm>> -> memref<16xi32, #tpu.memory_space<hbm>>
      tpu.wait_dma2 semaphore(%run_scoped3A : memref<!tpu.dma_semaphore, #tpu.memory_space<semaphore_mem>>) src(%dma_wait3A_148 : memref<16xi32, #tpu.memory_space<hbm>>) dst(%arg6 : memref<16xi32, #tpu.memory_space<vmem>>)
      tpu.yield
    }) : () -> ()
    %dma_start3A_116 = arith.constant 0 : i32
    %dma_start3A_117 = arith.constant 0 : i32
    %dma_start3A_118 = tpu.memref_slice %arg2[%dma_start3A_116, %dma_start3A_117] : memref<8192x2048xf32, #tpu.memory_space<hbm>> -> memref<8192x2048xf32, #tpu.memory_space<hbm>>
    tpu.enqueue_indirect_dma source(%dma_start3A_118 : memref<8192x2048xf32, #tpu.memory_space<hbm>>) target(%arg8 : memref<16x2048xf32, #tpu.memory_space<vmem>>) offsets(%arg6 : memref<16xi32, #tpu.memory_space<vmem>>) semaphore(%arg10 : memref<!tpu.dma_semaphore, #tpu.memory_space<semaphore_mem>>)
    %dma_wait3A_119 = arith.constant 0 : i32
    %dma_wait3A_120 = arith.constant 0 : i32
    %dma_wait3A_121 = tpu.memref_slice %arg2[%dma_wait3A_119, %dma_wait3A_120] : memref<8192x2048xf32, #tpu.memory_space<hbm>> -> memref<8192x2048xf32, #tpu.memory_space<hbm>>
    tpu.wait_indirect_dma semaphore(%arg9 : memref<!tpu.dma_semaphore, #tpu.memory_space<semaphore_mem>>) src(%dma_wait3A_121 : memref<8192x2048xf32, #tpu.memory_space<hbm>>) dst(%arg7 : memref<16x2048xf32, #tpu.memory_space<vmem>>)
    %add3A_122 = arith.constant 96 : i32
    %add3A_123 = arith.addi %mul3A_2, %add3A_122 : i32
    %dma_start3A_124 = arith.constant 0 : i32
    %dma_start3A_125 = tpu.memref_slice %arg4[%add3A_123, %dma_start3A_124] : memref<4096x2048xf32, #tpu.memory_space<hbm>> -> memref<16x2048xf32, #tpu.memory_space<hbm>>
    %dma_start3A_126 = arith.constant 0 : i32
    %dma_start3A_127 = tpu.memref_slice %arg4[%add3A_123, %dma_start3A_126] : memref<4096x2048xf32, #tpu.memory_space<hbm>> -> memref<16x2048xf32, #tpu.memory_space<hbm>>
    tpu.enqueue_dma source(%arg7 : memref<16x2048xf32, #tpu.memory_space<vmem>>) target(%dma_start3A_127 : memref<16x2048xf32, #tpu.memory_space<hbm>>) target_semaphore(%arg11 : memref<!tpu.dma_semaphore, #tpu.memory_space<semaphore_mem>>)
    %dma_wait3A_128 = arith.constant 0 : i32
    %dma_wait3A_129 = arith.constant 0 : i32
    %dma_wait3A_130 = tpu.memref_slice %arg2[%dma_wait3A_128, %dma_wait3A_129] : memref<8192x2048xf32, #tpu.memory_space<hbm>> -> memref<8192x2048xf32, #tpu.memory_space<hbm>>
    tpu.wait_indirect_dma semaphore(%arg10 : memref<!tpu.dma_semaphore, #tpu.memory_space<semaphore_mem>>) src(%dma_wait3A_130 : memref<8192x2048xf32, #tpu.memory_space<hbm>>) dst(%arg8 : memref<16x2048xf32, #tpu.memory_space<vmem>>)
    %add3A_131 = arith.constant 112 : i32
    %add3A_132 = arith.addi %mul3A_2, %add3A_131 : i32
    %dma_start3A_133 = arith.constant 0 : i32
    %dma_start3A_134 = tpu.memref_slice %arg4[%add3A_132, %dma_start3A_133] : memref<4096x2048xf32, #tpu.memory_space<hbm>> -> memref<16x2048xf32, #tpu.memory_space<hbm>>
    %dma_start3A_135 = arith.constant 0 : i32
    %dma_start3A_136 = tpu.memref_slice %arg4[%add3A_132, %dma_start3A_135] : memref<4096x2048xf32, #tpu.memory_space<hbm>> -> memref<16x2048xf32, #tpu.memory_space<hbm>>
    tpu.enqueue_dma source(%arg8 : memref<16x2048xf32, #tpu.memory_space<vmem>>) target(%dma_start3A_136 : memref<16x2048xf32, #tpu.memory_space<hbm>>) target_semaphore(%arg12 : memref<!tpu.dma_semaphore, #tpu.memory_space<semaphore_mem>>)
    %dma_wait3A_137 = arith.constant 0 : i32
    %dma_wait3A_138 = tpu.memref_slice %arg4[%add3A_123, %dma_wait3A_137] : memref<4096x2048xf32, #tpu.memory_space<hbm>> -> memref<16x2048xf32, #tpu.memory_space<hbm>>
    %dma_wait3A_139 = arith.constant 0 : i32
    %dma_wait3A_140 = tpu.memref_slice %arg4[%add3A_123, %dma_wait3A_139] : memref<4096x2048xf32, #tpu.memory_space<hbm>> -> memref<16x2048xf32, #tpu.memory_space<hbm>>
    tpu.wait_dma2 semaphore(%arg11 : memref<!tpu.dma_semaphore, #tpu.memory_space<semaphore_mem>>) src(%arg7 : memref<16x2048xf32, #tpu.memory_space<vmem>>) dst(%dma_wait3A_140 : memref<16x2048xf32, #tpu.memory_space<hbm>>)
    %dma_wait3A_141 = arith.constant 0 : i32
    %dma_wait3A_142 = tpu.memref_slice %arg4[%add3A_132, %dma_wait3A_141] : memref<4096x2048xf32, #tpu.memory_space<hbm>> -> memref<16x2048xf32, #tpu.memory_space<hbm>>
    %dma_wait3A_143 = arith.constant 0 : i32
    %dma_wait3A_144 = tpu.memref_slice %arg4[%add3A_132, %dma_wait3A_143] : memref<4096x2048xf32, #tpu.memory_space<hbm>> -> memref<16x2048xf32, #tpu.memory_space<hbm>>
    tpu.wait_dma2 semaphore(%arg12 : memref<!tpu.dma_semaphore, #tpu.memory_space<semaphore_mem>>) src(%arg8 : memref<16x2048xf32, #tpu.memory_space<vmem>>) dst(%dma_wait3A_144 : memref<16x2048xf32, #tpu.memory_space<hbm>>)
    return
  }
}

module attributes {stable_mosaic.version = 14 : i64} {
  func.func @_routing_body(%arg0: i32, %arg1: memref<4096x1xi32, #tpu.memory_space<vmem>>, %arg2: memref<4096x1xi32, #tpu.memory_space<vmem>>, %arg3: memref<32x1xi32, #tpu.memory_space<vmem>>, %arg4: memref<32x1xi32, #tpu.memory_space<vmem>>) attributes {dimension_semantics = [#tpu.dimension_semantics<arbitrary>], iteration_bounds = array<i64: 1>, scalar_prefetch = 0 : i64, scratch_operands = 0 : i64, tpu.core_type = #tpu.core_type<tc>, window_params = [{pipeline_mode = #tpu.pipeline_mode<synchronous>, transform_indices = @transform_0, window_bounds = array<i64: 4096, 1>}, {pipeline_mode = #tpu.pipeline_mode<synchronous>, transform_indices = @transform_1, window_bounds = array<i64: 4096, 1>}, {pipeline_mode = #tpu.pipeline_mode<synchronous>, transform_indices = @transform_2, window_bounds = array<i64: 32, 1>}, {pipeline_mode = #tpu.pipeline_mode<synchronous>, transform_indices = @transform_3, window_bounds = array<i64: 32, 1>}]} {
    %get3A = arith.constant 0 : index
    %get3A_0 = arith.constant 0 : index
    %get3A_1 = vector.load %arg1[%get3A, %get3A_0] : memref<4096x1xi32, #tpu.memory_space<vmem>>, vector<4096x1xi32>
    %iota3A = tpu.iota {dimensions = array<i32: 1>} : vector<1x16xi32>
    %eq3A = vector.broadcast %get3A_1 : vector<4096x1xi32> to vector<4096x16xi32>
    %eq3A_2 = vector.broadcast %iota3A : vector<1x16xi32> to vector<4096x16xi32>
    %eq3A_3 = arith.cmpi eq, %eq3A, %eq3A_2 : vector<4096x16xi32>
    %convert_element_type3A = arith.extui %eq3A_3 : vector<4096x16xi1> to vector<4096x16xi32>
    %broadcast_in_dim3A = arith.constant 0 : i32
    %broadcast_in_dim3A_4 = vector.broadcast %broadcast_in_dim3A : i32 to vector<1x16xi32>
    %slice3A = vector.extract_strided_slice %convert_element_type3A {offsets = [0, 0], sizes = [4095, 16], strides = [1, 1]} : vector<4096x16xi32> to vector<4095x16xi32>
    %concatenate3A = tpu.concatenate %broadcast_in_dim3A_4, %slice3A in 0 : vector<1x16xi32>, vector<4095x16xi32> -> vector<4096x16xi32>
    %add3A = arith.addi %convert_element_type3A, %concatenate3A : vector<4096x16xi32>
    %broadcast_in_dim3A_5 = arith.constant 0 : i32
    %broadcast_in_dim3A_6 = vector.broadcast %broadcast_in_dim3A_5 : i32 to vector<2x16xi32>
    %slice3A_7 = vector.extract_strided_slice %add3A {offsets = [0, 0], sizes = [4094, 16], strides = [1, 1]} : vector<4096x16xi32> to vector<4094x16xi32>
    %concatenate3A_8 = tpu.concatenate %broadcast_in_dim3A_6, %slice3A_7 in 0 : vector<2x16xi32>, vector<4094x16xi32> -> vector<4096x16xi32>
    %add3A_9 = arith.addi %add3A, %concatenate3A_8 : vector<4096x16xi32>
    %broadcast_in_dim3A_10 = arith.constant 0 : i32
    %broadcast_in_dim3A_11 = vector.broadcast %broadcast_in_dim3A_10 : i32 to vector<4x16xi32>
    %slice3A_12 = vector.extract_strided_slice %add3A_9 {offsets = [0, 0], sizes = [4092, 16], strides = [1, 1]} : vector<4096x16xi32> to vector<4092x16xi32>
    %concatenate3A_13 = tpu.concatenate %broadcast_in_dim3A_11, %slice3A_12 in 0 : vector<4x16xi32>, vector<4092x16xi32> -> vector<4096x16xi32>
    %add3A_14 = arith.addi %add3A_9, %concatenate3A_13 : vector<4096x16xi32>
    %broadcast_in_dim3A_15 = arith.constant 0 : i32
    %broadcast_in_dim3A_16 = vector.broadcast %broadcast_in_dim3A_15 : i32 to vector<8x16xi32>
    %slice3A_17 = vector.extract_strided_slice %add3A_14 {offsets = [0, 0], sizes = [4088, 16], strides = [1, 1]} : vector<4096x16xi32> to vector<4088x16xi32>
    %concatenate3A_18 = tpu.concatenate %broadcast_in_dim3A_16, %slice3A_17 in 0 : vector<8x16xi32>, vector<4088x16xi32> -> vector<4096x16xi32>
    %add3A_19 = arith.addi %add3A_14, %concatenate3A_18 : vector<4096x16xi32>
    %broadcast_in_dim3A_20 = arith.constant 0 : i32
    %broadcast_in_dim3A_21 = vector.broadcast %broadcast_in_dim3A_20 : i32 to vector<16x16xi32>
    %slice3A_22 = vector.extract_strided_slice %add3A_19 {offsets = [0, 0], sizes = [4080, 16], strides = [1, 1]} : vector<4096x16xi32> to vector<4080x16xi32>
    %concatenate3A_23 = tpu.concatenate %broadcast_in_dim3A_21, %slice3A_22 in 0 : vector<16x16xi32>, vector<4080x16xi32> -> vector<4096x16xi32>
    %add3A_24 = arith.addi %add3A_19, %concatenate3A_23 : vector<4096x16xi32>
    %broadcast_in_dim3A_25 = arith.constant 0 : i32
    %broadcast_in_dim3A_26 = vector.broadcast %broadcast_in_dim3A_25 : i32 to vector<32x16xi32>
    %slice3A_27 = vector.extract_strided_slice %add3A_24 {offsets = [0, 0], sizes = [4064, 16], strides = [1, 1]} : vector<4096x16xi32> to vector<4064x16xi32>
    %concatenate3A_28 = tpu.concatenate %broadcast_in_dim3A_26, %slice3A_27 in 0 : vector<32x16xi32>, vector<4064x16xi32> -> vector<4096x16xi32>
    %add3A_29 = arith.addi %add3A_24, %concatenate3A_28 : vector<4096x16xi32>
    %broadcast_in_dim3A_30 = arith.constant 0 : i32
    %broadcast_in_dim3A_31 = vector.broadcast %broadcast_in_dim3A_30 : i32 to vector<64x16xi32>
    %slice3A_32 = vector.extract_strided_slice %add3A_29 {offsets = [0, 0], sizes = [4032, 16], strides = [1, 1]} : vector<4096x16xi32> to vector<4032x16xi32>
    %concatenate3A_33 = tpu.concatenate %broadcast_in_dim3A_31, %slice3A_32 in 0 : vector<64x16xi32>, vector<4032x16xi32> -> vector<4096x16xi32>
    %add3A_34 = arith.addi %add3A_29, %concatenate3A_33 : vector<4096x16xi32>
    %broadcast_in_dim3A_35 = arith.constant 0 : i32
    %broadcast_in_dim3A_36 = vector.broadcast %broadcast_in_dim3A_35 : i32 to vector<128x16xi32>
    %slice3A_37 = vector.extract_strided_slice %add3A_34 {offsets = [0, 0], sizes = [3968, 16], strides = [1, 1]} : vector<4096x16xi32> to vector<3968x16xi32>
    %concatenate3A_38 = tpu.concatenate %broadcast_in_dim3A_36, %slice3A_37 in 0 : vector<128x16xi32>, vector<3968x16xi32> -> vector<4096x16xi32>
    %add3A_39 = arith.addi %add3A_34, %concatenate3A_38 : vector<4096x16xi32>
    %broadcast_in_dim3A_40 = arith.constant 0 : i32
    %broadcast_in_dim3A_41 = vector.broadcast %broadcast_in_dim3A_40 : i32 to vector<256x16xi32>
    %slice3A_42 = vector.extract_strided_slice %add3A_39 {offsets = [0, 0], sizes = [3840, 16], strides = [1, 1]} : vector<4096x16xi32> to vector<3840x16xi32>
    %concatenate3A_43 = tpu.concatenate %broadcast_in_dim3A_41, %slice3A_42 in 0 : vector<256x16xi32>, vector<3840x16xi32> -> vector<4096x16xi32>
    %add3A_44 = arith.addi %add3A_39, %concatenate3A_43 : vector<4096x16xi32>
    %broadcast_in_dim3A_45 = arith.constant 0 : i32
    %broadcast_in_dim3A_46 = vector.broadcast %broadcast_in_dim3A_45 : i32 to vector<512x16xi32>
    %slice3A_47 = vector.extract_strided_slice %add3A_44 {offsets = [0, 0], sizes = [3584, 16], strides = [1, 1]} : vector<4096x16xi32> to vector<3584x16xi32>
    %concatenate3A_48 = tpu.concatenate %broadcast_in_dim3A_46, %slice3A_47 in 0 : vector<512x16xi32>, vector<3584x16xi32> -> vector<4096x16xi32>
    %add3A_49 = arith.addi %add3A_44, %concatenate3A_48 : vector<4096x16xi32>
    %broadcast_in_dim3A_50 = arith.constant 0 : i32
    %broadcast_in_dim3A_51 = vector.broadcast %broadcast_in_dim3A_50 : i32 to vector<1024x16xi32>
    %slice3A_52 = vector.extract_strided_slice %add3A_49 {offsets = [0, 0], sizes = [3072, 16], strides = [1, 1]} : vector<4096x16xi32> to vector<3072x16xi32>
    %concatenate3A_53 = tpu.concatenate %broadcast_in_dim3A_51, %slice3A_52 in 0 : vector<1024x16xi32>, vector<3072x16xi32> -> vector<4096x16xi32>
    %add3A_54 = arith.addi %add3A_49, %concatenate3A_53 : vector<4096x16xi32>
    %broadcast_in_dim3A_55 = arith.constant 0 : i32
    %broadcast_in_dim3A_56 = vector.broadcast %broadcast_in_dim3A_55 : i32 to vector<2048x16xi32>
    %slice3A_57 = vector.extract_strided_slice %add3A_54 {offsets = [0, 0], sizes = [2048, 16], strides = [1, 1]} : vector<4096x16xi32> to vector<2048x16xi32>
    %concatenate3A_58 = tpu.concatenate %broadcast_in_dim3A_56, %slice3A_57 in 0 : vector<2048x16xi32>, vector<2048x16xi32> -> vector<4096x16xi32>
    %add3A_59 = arith.addi %add3A_54, %concatenate3A_58 : vector<4096x16xi32>
    %slice3A_60 = vector.extract_strided_slice %add3A_59 {offsets = [4095, 0], sizes = [1, 16], strides = [1, 1]} : vector<4096x16xi32> to vector<1x16xi32>
    %add3A_61 = arith.constant 255 : i32
    %add3A_62 = vector.broadcast %add3A_61 : i32 to vector<1x16xi32>
    %add3A_63 = arith.addi %slice3A_60, %add3A_62 : vector<1x16xi32>
    %jit3A = arith.constant 256 : i32
    %div3A = vector.broadcast %jit3A : i32 to vector<1x16xi32>
    %div3A_64 = arith.divsi %add3A_63, %div3A : vector<1x16xi32>
    %sign3A = arith.constant 0 : i32
    %sign3A_65 = vector.broadcast %sign3A : i32 to vector<1x16xi32>
    %sign3A_66 = arith.cmpi sgt, %add3A_63, %sign3A_65 : vector<1x16xi32>
    %sign3A_67 = arith.extui %sign3A_66 : vector<1x16xi1> to vector<1x16xi32>
    %sign3A_68 = arith.constant 0 : i32
    %sign3A_69 = vector.broadcast %sign3A_68 : i32 to vector<1x16xi32>
    %sign3A_70 = arith.cmpi slt, %add3A_63, %sign3A_69 : vector<1x16xi32>
    %sign3A_71 = arith.extui %sign3A_70 : vector<1x16xi1> to vector<1x16xi32>
    %sign3A_72 = arith.subi %sign3A_67, %sign3A_71 : vector<1x16xi32>
    %sign3A_73 = arith.constant 0 : i32
    %sign3A_74 = arith.cmpi sgt, %jit3A, %sign3A_73 : i32
    %sign3A_75 = arith.extui %sign3A_74 : i1 to i32
    %sign3A_76 = arith.constant 0 : i32
    %sign3A_77 = arith.cmpi slt, %jit3A, %sign3A_76 : i32
    %sign3A_78 = arith.extui %sign3A_77 : i1 to i32
    %sign3A_79 = arith.subi %sign3A_75, %sign3A_78 : i32
    %ne3A = vector.broadcast %sign3A_79 : i32 to vector<1x16xi32>
    %ne3A_80 = arith.cmpi ne, %sign3A_72, %ne3A : vector<1x16xi32>
    %rem3A = vector.broadcast %jit3A : i32 to vector<1x16xi32>
    %rem3A_81 = arith.remsi %add3A_63, %rem3A : vector<1x16xi32>
    %ne3A_82 = arith.constant 0 : i32
    %ne3A_83 = vector.broadcast %ne3A_82 : i32 to vector<1x16xi32>
    %ne3A_84 = arith.cmpi ne, %rem3A_81, %ne3A_83 : vector<1x16xi32>
    %and3A = arith.andi %ne3A_80, %ne3A_84 : vector<1x16xi1>
    %sub3A = arith.constant 1 : i32
    %sub3A_85 = vector.broadcast %sub3A : i32 to vector<1x16xi32>
    %sub3A_86 = arith.subi %div3A_64, %sub3A_85 : vector<1x16xi32>
    %select_n3A = arith.select %and3A, %sub3A_86, %div3A_64 : vector<1x16xi1>, vector<1x16xi32>
    %iota3A_87 = tpu.iota {dimensions = array<i32: 0>} : vector<16x16xi32>
    %iota3A_88 = tpu.iota {dimensions = array<i32: 1>} : vector<16x16xi32>
    %lt3A = arith.cmpi slt, %iota3A_87, %iota3A_88 : vector<16x16xi32>
    %convert_element_type3A_89 = arith.extui %lt3A : vector<16x16xi1> to vector<16x16xi32>
    %convert_element_type3A_90 = arith.sitofp %convert_element_type3A_89 : vector<16x16xi32> to vector<16x16xf32>
    %convert_element_type3A_91 = arith.sitofp %select_n3A : vector<1x16xi32> to vector<1x16xf32>
    %dot_general3A = arith.constant dense<0.000000e+00> : vector<1x16xf32>
    %dot_general3A_92 = tpu.matmul %convert_element_type3A_91, %convert_element_type3A_90, %dot_general3A {dimension_numbers = #tpu.dot_dimension_numbers<[1], [0], [0], [1], [0, 0, 1, 1], [], []>, transpose_lhs_hint = false} : vector<1x16xf32>, vector<16x16xf32>, vector<1x16xf32> -> vector<1x16xf32>
    %convert_element_type3A_93 = arith.fptosi %dot_general3A_92 : vector<1x16xf32> to vector<1x16xi32>
    %mul3A = arith.constant 256 : i32
    %mul3A_94 = vector.broadcast %mul3A : i32 to vector<1x16xi32>
    %mul3A_95 = arith.muli %convert_element_type3A_93, %mul3A_94 : vector<1x16xi32>
    %mul3A_96 = arith.muli %convert_element_type3A, %add3A_59 : vector<4096x16xi32>
    %reduce_sum3A = arith.constant dense<0> : vector<4096xi32>
    %reduce_sum3A_97 = vector.multi_reduction <add>, %mul3A_96, %reduce_sum3A [1] : vector<4096x16xi32> to vector<4096xi32>
    %broadcast_in_dim3A_98 = vector.shape_cast %reduce_sum3A_97 : vector<4096xi32> to vector<4096x1xi32>
    %sub3A_99 = arith.constant 1 : i32
    %sub3A_100 = vector.broadcast %sub3A_99 : i32 to vector<4096x1xi32>
    %sub3A_101 = arith.subi %broadcast_in_dim3A_98, %sub3A_100 : vector<4096x1xi32>
    %mul3A_102 = vector.broadcast %mul3A_95 : vector<1x16xi32> to vector<4096x16xi32>
    %mul3A_103 = arith.muli %convert_element_type3A, %mul3A_102 : vector<4096x16xi32>
    %reduce_sum3A_104 = arith.constant dense<0> : vector<4096xi32>
    %reduce_sum3A_105 = vector.multi_reduction <add>, %mul3A_103, %reduce_sum3A_104 [1] : vector<4096x16xi32> to vector<4096xi32>
    %broadcast_in_dim3A_106 = vector.shape_cast %reduce_sum3A_105 : vector<4096xi32> to vector<4096x1xi32>
    %add3A_107 = arith.addi %broadcast_in_dim3A_106, %sub3A_101 : vector<4096x1xi32>
    %swap3A = arith.constant 0 : index
    %swap3A_108 = arith.constant 0 : index
    %swap3A_109 = vector.load %arg2[%swap3A, %swap3A_108] : memref<4096x1xi32, #tpu.memory_space<vmem>>, vector<4096x1xi32>
    tpu.vector_store %arg2[%swap3A, %swap3A_108], %add3A_107 {strides = array<i32>} : memref<4096x1xi32, #tpu.memory_space<vmem>>, vector<4096x1xi32>,
    %iota3A_110 = tpu.iota {dimensions = array<i32: 0>} : vector<32x16xi32>
    %ge3A = vector.broadcast %convert_element_type3A_93 : vector<1x16xi32> to vector<32x16xi32>
    %ge3A_111 = arith.cmpi sge, %iota3A_110, %ge3A : vector<32x16xi32>
    %add3A_112 = arith.addi %convert_element_type3A_93, %select_n3A : vector<1x16xi32>
    %lt3A_113 = vector.broadcast %add3A_112 : vector<1x16xi32> to vector<32x16xi32>
    %lt3A_114 = arith.cmpi slt, %iota3A_110, %lt3A_113 : vector<32x16xi32>
    %and3A_115 = arith.andi %ge3A_111, %lt3A_114 : vector<32x16xi1>
    %convert_element_type3A_116 = arith.extui %and3A_115 : vector<32x16xi1> to vector<32x16xi32>
    %mul3A_117 = vector.broadcast %iota3A : vector<1x16xi32> to vector<32x16xi32>
    %mul3A_118 = arith.muli %convert_element_type3A_116, %mul3A_117 : vector<32x16xi32>
    %reduce_sum3A_119 = arith.constant dense<0> : vector<32xi32>
    %reduce_sum3A_120 = vector.multi_reduction <add>, %mul3A_118, %reduce_sum3A_119 [1] : vector<32x16xi32> to vector<32xi32>
    %broadcast_in_dim3A_121 = vector.shape_cast %reduce_sum3A_120 : vector<32xi32> to vector<32x1xi32>
    %mul3A_122 = vector.broadcast %convert_element_type3A_93 : vector<1x16xi32> to vector<32x16xi32>
    %mul3A_123 = arith.muli %convert_element_type3A_116, %mul3A_122 : vector<32x16xi32>
    %reduce_sum3A_124 = arith.constant dense<0> : vector<32xi32>
    %reduce_sum3A_125 = vector.multi_reduction <add>, %mul3A_123, %reduce_sum3A_124 [1] : vector<32x16xi32> to vector<32xi32>
    %broadcast_in_dim3A_126 = vector.shape_cast %reduce_sum3A_125 : vector<32xi32> to vector<32x1xi32>
    %mul3A_127 = vector.broadcast %slice3A_60 : vector<1x16xi32> to vector<32x16xi32>
    %mul3A_128 = arith.muli %convert_element_type3A_116, %mul3A_127 : vector<32x16xi32>
    %reduce_sum3A_129 = arith.constant dense<0> : vector<32xi32>
    %reduce_sum3A_130 = vector.multi_reduction <add>, %mul3A_128, %reduce_sum3A_129 [1] : vector<32x16xi32> to vector<32xi32>
    %broadcast_in_dim3A_131 = vector.shape_cast %reduce_sum3A_130 : vector<32xi32> to vector<32x1xi32>
    %iota3A_132 = tpu.iota {dimensions = array<i32: 0>} : vector<32x1xi32>
    %sub3A_133 = arith.subi %iota3A_132, %broadcast_in_dim3A_126 : vector<32x1xi32>
    %mul3A_134 = arith.constant 256 : i32
    %mul3A_135 = vector.broadcast %mul3A_134 : i32 to vector<32x1xi32>
    %mul3A_136 = arith.muli %sub3A_133, %mul3A_135 : vector<32x1xi32>
    %sub3A_137 = arith.subi %broadcast_in_dim3A_131, %mul3A_136 : vector<32x1xi32>
    %jit3A_138 = arith.constant 0 : i32
    %jit3A_139 = arith.constant 256 : i32
    %max3A = vector.broadcast %jit3A_138 : i32 to vector<32x1xi32>
    %max3A_140 = arith.maxsi %max3A, %sub3A_137 : vector<32x1xi32>
    %min3A = vector.broadcast %jit3A_139 : i32 to vector<32x1xi32>
    %min3A_141 = arith.minsi %min3A, %max3A_140 : vector<32x1xi32>
    %swap3A_142 = arith.constant 0 : index
    %swap3A_143 = arith.constant 0 : index
    %swap3A_144 = vector.load %arg4[%swap3A_142, %swap3A_143] : memref<32x1xi32, #tpu.memory_space<vmem>>, vector<32x1xi32>
    tpu.vector_store %arg4[%swap3A_142, %swap3A_143], %min3A_141 {strides = array<i32>} : memref<32x1xi32, #tpu.memory_space<vmem>>, vector<32x1xi32>,
    %reduce_sum3A_145 = vector.shape_cast %select_n3A : vector<1x16xi32> to vector<1x1x16xi32>
    %reduce_sum3A_146 = arith.constant dense<0> : vector<1xi32>
    %reduce_sum3A_147 = vector.multi_reduction <add>, %reduce_sum3A_145, %reduce_sum3A_146 [1, 2] : vector<1x1x16xi32> to vector<1xi32>
    %reduce_sum3A_148 = vector.shape_cast %reduce_sum3A_147 : vector<1xi32> to vector<1x1x1xi32>
    %reduce_sum3A_149 = vector.extract %reduce_sum3A_148[0, 0, 0] : i32 from vector<1x1x1xi32>
    %sub3A_150 = arith.constant 1 : i32
    %sub3A_151 = arith.subi %reduce_sum3A_149, %sub3A_150 : i32
    %eq3A_152 = vector.broadcast %sub3A_151 : i32 to vector<32x1xi32>
    %eq3A_153 = arith.cmpi eq, %iota3A_132, %eq3A_152 : vector<32x1xi32>
    %jit3A_154 = arith.constant 0 : i32
    %broadcast_in_dim3A_155 = vector.broadcast %jit3A_154 : i32 to vector<32x1xi32>
    %select_n3A_156 = arith.select %eq3A_153, %broadcast_in_dim3A_121, %broadcast_in_dim3A_155 : vector<32x1xi1>, vector<32x1xi32>
    %reduce_sum3A_157 = vector.shape_cast %select_n3A_156 : vector<32x1xi32> to vector<1x32x1xi32>
    %reduce_sum3A_158 = arith.constant dense<0> : vector<1xi32>
    %reduce_sum3A_159 = vector.multi_reduction <add>, %reduce_sum3A_157, %reduce_sum3A_158 [1, 2] : vector<1x32x1xi32> to vector<1xi32>
    %reduce_sum3A_160 = vector.shape_cast %reduce_sum3A_159 : vector<1xi32> to vector<1x1x1xi32>
    %reduce_sum3A_161 = vector.extract %reduce_sum3A_160[0, 0, 0] : i32 from vector<1x1x1xi32>
    %lt3A_162 = vector.broadcast %reduce_sum3A_149 : i32 to vector<32x1xi32>
    %lt3A_163 = arith.cmpi slt, %iota3A_132, %lt3A_162 : vector<32x1xi32>
    %broadcast_in_dim3A_164 = vector.broadcast %reduce_sum3A_161 : i32 to vector<32x1xi32>
    %select_n3A_165 = arith.select %lt3A_163, %broadcast_in_dim3A_121, %broadcast_in_dim3A_164 : vector<32x1xi1>, vector<32x1xi32>
    %swap3A_166 = arith.constant 0 : index
    %swap3A_167 = arith.constant 0 : index
    %swap3A_168 = vector.load %arg3[%swap3A_166, %swap3A_167] : memref<32x1xi32, #tpu.memory_space<vmem>>, vector<32x1xi32>
    tpu.vector_store %arg3[%swap3A_166, %swap3A_167], %select_n3A_165 {strides = array<i32>} : memref<32x1xi32, #tpu.memory_space<vmem>>, vector<32x1xi32>,
    return
  }
  func.func @transform_0(%arg0: i32) -> (i32, i32) {
    %c0_i32 = arith.constant 0 : i32
    %c0_i32_0 = arith.constant 0 : i32
    %c0_i32_1 = arith.constant 0 : i32
    return %c0_i32, %c0_i32_0 : i32, i32
  }
  func.func @transform_1(%arg0: i32) -> (i32, i32) {
    %c0_i32 = arith.constant 0 : i32
    %c0_i32_0 = arith.constant 0 : i32
    %c0_i32_1 = arith.constant 0 : i32
    return %c0_i32, %c0_i32_0 : i32, i32
  }
  func.func @transform_2(%arg0: i32) -> (i32, i32) {
    %c0_i32 = arith.constant 0 : i32
    %c0_i32_0 = arith.constant 0 : i32
    %c0_i32_1 = arith.constant 0 : i32
    return %c0_i32, %c0_i32_0 : i32, i32
  }
  func.func @transform_3(%arg0: i32) -> (i32, i32) {
    %c0_i32 = arith.constant 0 : i32
    %c0_i32_0 = arith.constant 0 : i32
    %c0_i32_1 = arith.constant 0 : i32
    return %c0_i32, %c0_i32_0 : i32, i32
  }
}

module attributes {stable_mosaic.version = 14 : i64} {
  func.func @_gemm_body(%arg0: i32, %arg1: i32, %arg2: memref<32xi32, #tpu.memory_space<smem>>, %arg3: memref<32xi32, #tpu.memory_space<smem>>, %arg4: memref<256x2048xf32, #tpu.memory_space<vmem>>, %arg5: memref<1x1024x2048xf32, #tpu.memory_space<vmem>>, %arg6: memref<1x1024x2048xf32, #tpu.memory_space<vmem>>, %arg7: memref<1x2048x1024xf32, #tpu.memory_space<vmem>>, %arg8: memref<256x2048xf32, #tpu.memory_space<vmem>>) attributes {dimension_semantics = [#tpu.dimension_semantics<arbitrary>, #tpu.dimension_semantics<arbitrary>], iteration_bounds = array<i64: 32, 1>, scalar_prefetch = 2 : i64, scratch_operands = 0 : i64, tpu.core_type = #tpu.core_type<tc>, window_params = [{transform_indices = @transform_0, window_bounds = array<i64: 256, 2048>}, {transform_indices = @transform_1, window_bounds = array<i64: 1, 1024, 2048>}, {transform_indices = @transform_2, window_bounds = array<i64: 1, 1024, 2048>}, {transform_indices = @transform_3, window_bounds = array<i64: 1, 2048, 1024>}, {transform_indices = @transform_4, window_bounds = array<i64: 256, 2048>}]} {
    %get3A = arith.index_cast %arg0 : i32 to index
    %get3A_0 = memref.load %arg3[%get3A] : memref<32xi32, #tpu.memory_space<smem>>
    %gt3A = arith.constant 0 : i32
    %gt3A_1 = arith.cmpi sgt, %get3A_0, %gt3A : i32
    %convert_element_type3A = arith.extui %gt3A_1 : i1 to i32
    %cond3A = arith.constant 0 : i32
    %cond3A_2 = arith.cmpi ne, %convert_element_type3A, %cond3A : i32
    scf.if %cond3A_2 {
      %get3A_3 = arith.constant 0 : index
      %get3A_4 = arith.constant 0 : index
      %get3A_5 = vector.load %arg4[%get3A_3, %get3A_4] : memref<256x2048xf32, #tpu.memory_space<vmem>>, vector<256x2048xf32>
      %get3A_6 = arith.constant 0 : index
      %get3A_7 = arith.constant 0 : index
      %get3A_8 = arith.constant 0 : index
      %get3A_9 = vector.load %arg5[%get3A_6, %get3A_7, %get3A_8] : memref<1x1024x2048xf32, #tpu.memory_space<vmem>>, vector<1x1024x2048xf32>
      %get3A_10 = vector.shape_cast %get3A_9 : vector<1x1024x2048xf32> to vector<1024x2048xf32>
      %dot_general3A = arith.constant dense<0.000000e+00> : vector<256x1024xf32>
      %dot_general3A_11 = tpu.matmul %get3A_5, %get3A_10, %dot_general3A {dimension_numbers = #tpu.dot_dimension_numbers<[1], [1], [0], [0], [0, 0, 1, 0], [], []>, transpose_lhs_hint = false} : vector<256x2048xf32>, vector<1024x2048xf32>, vector<256x1024xf32> -> vector<256x1024xf32>
      %get3A_12 = arith.constant 0 : index
      %get3A_13 = arith.constant 0 : index
      %get3A_14 = arith.constant 0 : index
      %get3A_15 = vector.load %arg6[%get3A_12, %get3A_13, %get3A_14] : memref<1x1024x2048xf32, #tpu.memory_space<vmem>>, vector<1x1024x2048xf32>
      %get3A_16 = vector.shape_cast %get3A_15 : vector<1x1024x2048xf32> to vector<1024x2048xf32>
      %dot_general3A_17 = arith.constant dense<0.000000e+00> : vector<256x1024xf32>
      %dot_general3A_18 = tpu.matmul %get3A_5, %get3A_16, %dot_general3A_17 {dimension_numbers = #tpu.dot_dimension_numbers<[1], [1], [0], [0], [0, 0, 1, 0], [], []>, transpose_lhs_hint = false} : vector<256x2048xf32>, vector<1024x2048xf32>, vector<256x1024xf32> -> vector<256x1024xf32>
      %neg3A = arith.constant 0.000000e+00 : f32
      %neg3A_19 = vector.broadcast %neg3A : f32 to vector<256x1024xf32>
      %neg3A_20 = arith.subf %neg3A_19, %dot_general3A_11 : vector<256x1024xf32>
      %exp3A = math.exp %neg3A_20 : vector<256x1024xf32>
      %add3A = arith.constant 1.000000e+00 : f32
      %add3A_21 = vector.broadcast %add3A : f32 to vector<256x1024xf32>
      %add3A_22 = arith.addf %add3A_21, %exp3A : vector<256x1024xf32>
      %div3A = arith.constant 1.000000e+00 : f32
      %div3A_23 = vector.broadcast %div3A : f32 to vector<256x1024xf32>
      %div3A_24 = arith.divf %div3A_23, %add3A_22 : vector<256x1024xf32>
      %mul3A = arith.mulf %dot_general3A_11, %div3A_24 : vector<256x1024xf32>
      %mul3A_25 = arith.mulf %mul3A, %dot_general3A_18 : vector<256x1024xf32>
      %get3A_26 = arith.constant 0 : index
      %get3A_27 = arith.constant 0 : index
      %get3A_28 = arith.constant 0 : index
      %get3A_29 = vector.load %arg7[%get3A_26, %get3A_27, %get3A_28] : memref<1x2048x1024xf32, #tpu.memory_space<vmem>>, vector<1x2048x1024xf32>
      %get3A_30 = vector.shape_cast %get3A_29 : vector<1x2048x1024xf32> to vector<2048x1024xf32>
      %dot_general3A_31 = arith.constant dense<0.000000e+00> : vector<256x2048xf32>
      %dot_general3A_32 = tpu.matmul %mul3A_25, %get3A_30, %dot_general3A_31 {dimension_numbers = #tpu.dot_dimension_numbers<[1], [1], [0], [0], [0, 0, 1, 0], [], []>, transpose_lhs_hint = false} : vector<256x1024xf32>, vector<2048x1024xf32>, vector<256x2048xf32> -> vector<256x2048xf32>
      %eq3A = arith.constant 0 : i32
      %eq3A_33 = arith.cmpi eq, %arg1, %eq3A : i32
      %convert_element_type3A_34 = arith.extui %eq3A_33 : i1 to i32
      %cond3A_35 = arith.constant 0 : i32
      %cond3A_36 = arith.cmpi ne, %convert_element_type3A_34, %cond3A_35 : i32
      scf.if %cond3A_36 {
        %swap3A = arith.constant 0 : index
        %swap3A_42 = arith.constant 0 : index
        %swap3A_43 = vector.load %arg8[%swap3A, %swap3A_42] : memref<256x2048xf32, #tpu.memory_space<vmem>>, vector<256x2048xf32>
        tpu.vector_store %arg8[%swap3A, %swap3A_42], %dot_general3A_32 {strides = array<i32>} : memref<256x2048xf32, #tpu.memory_space<vmem>>, vector<256x2048xf32>,
      } else {
      }
      %gt3A_37 = arith.constant 0 : i32
      %gt3A_38 = arith.cmpi sgt, %arg1, %gt3A_37 : i32
      %convert_element_type3A_39 = arith.extui %gt3A_38 : i1 to i32
      %cond3A_40 = arith.constant 0 : i32
      %cond3A_41 = arith.cmpi ne, %convert_element_type3A_39, %cond3A_40 : i32
      scf.if %cond3A_41 {
        %get3A_42 = arith.constant 0 : index
        %get3A_43 = arith.constant 0 : index
        %get3A_44 = vector.load %arg8[%get3A_42, %get3A_43] : memref<256x2048xf32, #tpu.memory_space<vmem>>, vector<256x2048xf32>
        %add3A_45 = arith.addf %get3A_44, %dot_general3A_32 : vector<256x2048xf32>
        %swap3A = arith.constant 0 : index
        %swap3A_46 = arith.constant 0 : index
        %swap3A_47 = vector.load %arg8[%swap3A, %swap3A_46] : memref<256x2048xf32, #tpu.memory_space<vmem>>, vector<256x2048xf32>
        tpu.vector_store %arg8[%swap3A, %swap3A_46], %add3A_45 {strides = array<i32>} : memref<256x2048xf32, #tpu.memory_space<vmem>>, vector<256x2048xf32>,
      } else {
      }
    } else {
    }
    return
  }
  func.func @transform_0(%arg0: i32, %arg1: i32, %arg2: memref<32xi32, #tpu.memory_space<smem>>, %arg3: memref<32xi32, #tpu.memory_space<smem>>) -> (i32, i32) {
    %get3A = arith.index_cast %arg0 : i32 to index
    %get3A_0 = memref.load %arg3[%get3A] : memref<32xi32, #tpu.memory_space<smem>>
    %gt3A = arith.constant 0 : i32
    %gt3A_1 = arith.cmpi sgt, %get3A_0, %gt3A : i32
    %jit3A = arith.constant 31 : i32
    %select_n3A = arith.select %gt3A_1, %arg0, %jit3A : i32
    %c0_i32 = arith.constant 0 : i32
    %c0_i32_2 = arith.constant 0 : i32
    return %select_n3A, %c0_i32 : i32, i32
  }
  func.func @transform_1(%arg0: i32, %arg1: i32, %arg2: memref<32xi32, #tpu.memory_space<smem>>, %arg3: memref<32xi32, #tpu.memory_space<smem>>) -> (i32, i32, i32) {
    %get3A = arith.index_cast %arg0 : i32 to index
    %get3A_0 = memref.load %arg2[%get3A] : memref<32xi32, #tpu.memory_space<smem>>
    %c0_i32 = arith.constant 0 : i32
    %c0_i32_1 = arith.constant 0 : i32
    return %get3A_0, %arg1, %c0_i32 : i32, i32, i32
  }
  func.func @transform_2(%arg0: i32, %arg1: i32, %arg2: memref<32xi32, #tpu.memory_space<smem>>, %arg3: memref<32xi32, #tpu.memory_space<smem>>) -> (i32, i32, i32) {
    %get3A = arith.index_cast %arg0 : i32 to index
    %get3A_0 = memref.load %arg2[%get3A] : memref<32xi32, #tpu.memory_space<smem>>
    %c0_i32 = arith.constant 0 : i32
    %c0_i32_1 = arith.constant 0 : i32
    return %get3A_0, %arg1, %c0_i32 : i32, i32, i32
  }
  func.func @transform_3(%arg0: i32, %arg1: i32, %arg2: memref<32xi32, #tpu.memory_space<smem>>, %arg3: memref<32xi32, #tpu.memory_space<smem>>) -> (i32, i32, i32) {
    %get3A = arith.index_cast %arg0 : i32 to index
    %get3A_0 = memref.load %arg2[%get3A] : memref<32xi32, #tpu.memory_space<smem>>
    %c0_i32 = arith.constant 0 : i32
    %c0_i32_1 = arith.constant 0 : i32
    return %get3A_0, %c0_i32, %arg1 : i32, i32, i32
  }
  func.func @transform_4(%arg0: i32, %arg1: i32, %arg2: memref<32xi32, #tpu.memory_space<smem>>, %arg3: memref<32xi32, #tpu.memory_space<smem>>) -> (i32, i32) {
    %get3A = arith.index_cast %arg0 : i32 to index
    %get3A_0 = memref.load %arg3[%get3A] : memref<32xi32, #tpu.memory_space<smem>>
    %gt3A = arith.constant 0 : i32
    %gt3A_1 = arith.cmpi sgt, %get3A_0, %gt3A : i32
    %jit3A = arith.constant 31 : i32
    %select_n3A = arith.select %gt3A_1, %arg0, %jit3A : i32
    %c0_i32 = arith.constant 0 : i32
    %c0_i32_2 = arith.constant 0 : i32
    return %select_n3A, %c0_i32 : i32, i32
  }
}

module attributes {stable_mosaic.version = 14 : i64} {
  func.func @_pairsum_body(%arg0: i32, %arg1: memref<256x2x2048xf32, #tpu.memory_space<vmem>>, %arg2: memref<256x2xf32, #tpu.memory_space<vmem>>, %arg3: memref<256x2048xf32, #tpu.memory_space<vmem>>) attributes {dimension_semantics = [#tpu.dimension_semantics<arbitrary>], iteration_bounds = array<i64: 8>, scalar_prefetch = 0 : i64, scratch_operands = 0 : i64, tpu.core_type = #tpu.core_type<tc>, window_params = [{transform_indices = @transform_0, window_bounds = array<i64: 256, 2, 2048>}, {transform_indices = @transform_1, window_bounds = array<i64: 256, 2>}, {transform_indices = @transform_2, window_bounds = array<i64: 256, 2048>}]} {
    %get3A = arith.constant 0 : index
    %get3A_0 = arith.constant 0 : index
    %get3A_1 = vector.load %arg2[%get3A, %get3A_0] : memref<256x2xf32, #tpu.memory_space<vmem>>, vector<256x1xf32>
    %get3A_2 = arith.constant 0 : index
    %get3A_3 = arith.constant 1 : index
    %get3A_4 = vector.load %arg2[%get3A_2, %get3A_3] : memref<256x2xf32, #tpu.memory_space<vmem>>, vector<256x1xf32>
    %get3A_5 = arith.constant 0 : index
    %get3A_6 = arith.constant 0 : index
    %get3A_7 = arith.constant 0 : index
    %get3A_8 = vector.load %arg1[%get3A_5, %get3A_6, %get3A_7] : memref<256x2x2048xf32, #tpu.memory_space<vmem>>, vector<256x1x2048xf32>
    %get3A_9 = vector.shape_cast %get3A_8 : vector<256x1x2048xf32> to vector<256x2048xf32>
    %mul3A = vector.broadcast %get3A_1 : vector<256x1xf32> to vector<256x2048xf32>
    %mul3A_10 = arith.mulf %get3A_9, %mul3A : vector<256x2048xf32>
    %get3A_11 = arith.constant 0 : index
    %get3A_12 = arith.constant 1 : index
    %get3A_13 = arith.constant 0 : index
    %get3A_14 = vector.load %arg1[%get3A_11, %get3A_12, %get3A_13] : memref<256x2x2048xf32, #tpu.memory_space<vmem>>, vector<256x1x2048xf32>
    %get3A_15 = vector.shape_cast %get3A_14 : vector<256x1x2048xf32> to vector<256x2048xf32>
    %mul3A_16 = vector.broadcast %get3A_4 : vector<256x1xf32> to vector<256x2048xf32>
    %mul3A_17 = arith.mulf %get3A_15, %mul3A_16 : vector<256x2048xf32>
    %add3A = arith.addf %mul3A_10, %mul3A_17 : vector<256x2048xf32>
    %swap3A = arith.constant 0 : index
    %swap3A_18 = arith.constant 0 : index
    %swap3A_19 = vector.load %arg3[%swap3A, %swap3A_18] : memref<256x2048xf32, #tpu.memory_space<vmem>>, vector<256x2048xf32>
    tpu.vector_store %arg3[%swap3A, %swap3A_18], %add3A {strides = array<i32>} : memref<256x2048xf32, #tpu.memory_space<vmem>>, vector<256x2048xf32>,
    return
  }
  func.func @transform_0(%arg0: i32) -> (i32, i32, i32) {
    %c0_i32 = arith.constant 0 : i32
    %c0_i32_0 = arith.constant 0 : i32
    %c0_i32_1 = arith.constant 0 : i32
    return %arg0, %c0_i32, %c0_i32_0 : i32, i32, i32
  }
  func.func @transform_1(%arg0: i32) -> (i32, i32) {
    %c0_i32 = arith.constant 0 : i32
    %c0_i32_0 = arith.constant 0 : i32
    return %arg0, %c0_i32 : i32, i32
  }
  func.func @transform_2(%arg0: i32) -> (i32, i32) {
    %c0_i32 = arith.constant 0 : i32
    %c0_i32_0 = arith.constant 0 : i32
    return %arg0, %c0_i32 : i32, i32
  }
}

</mosaic_0001>

<sc_bundles>
// kernel: kernel.10.cloned.1.call-start
scs
__scs_entry_jumppad:
0x0: {  	(pc) =	sbr.rel $0x88, $3  }
0x1: {  	(tag) =	ssettag $0x0;
	lr =	simm.s32 $0x1  }
0x2: {  	[smem:$0x3F9B] =	sst lr;
	_ =	strace $0xD0000000  }
0x3: {  	_ = 	snop  }
0x4: {  	_ = 	snop  }
0x5: {  	_ = 	snop  }
0x6: {  	_ = 	snop  }
0x7: {  	_ = 	snop  }
__scs_overlays_trampoline_lowered:
0x8: {  	[smem:$0x3FAA] =	sst s0  }
0x9: {  	[smem:$0x3FAB] =	sst s1  }
0xa: {  	[smem:$0x3FAC] =	sst s2  }
0xb: {  	[smem:$0x3FAD] =	sst s3  }
0xc: {  	[smem:$0x3FAE] =	sst s4  }
0xd: {  	[smem:$0x3FAF] =	sst s5  }
0xe: {  	[smem:$0x3FB0] =	sst s6  }
0xf: {  	[smem:$0x3FB1] =	sst s7  }
0x10: {  	[smem:$0x3FB2] =	sst s8  }
0x11: {  	[smem:$0x3FB3] =	sst s9;
	s0 =	simm.s32 @!p0 $0x0  }
0x12: {  	s1 =	sld [smem:$0x3F99];
	s0 =	simm.s32 @p0 $0x1  }
0x13: {  	[smem:$0x3FB4] =	sst s0;
	s0 =	simm.s32 @!p1 $0x0  }
0x14: {  	s2 =	sld [smem:$0x3F98];
	s0 =	simm.s32 @p1 $0x1  }
0x15: {  	[smem:$0x3FB5] =	sst s0;
	s0 =	simm.s32 @!p2 $0x0  }
0x16: {  	s3 =	sld [smem:$0x3FDB];
	s0 =	simm.s32 @p2 $0x1  }
0x17: {  	s4 =	simm.s32 $0x1BF5;
	[smem:$0x3FB7] =	sst s0  }
0x18: {  	s0 =	sld [smem:$0x3F9A];
	_ =	swait.ge [sflag:s4], $0x0  }
0x19: {  	s7 =	sld [smem:$0x3F9B]  }
0x1a: {  	s8 =	sadd.s32 $0xFFFFE003, lr  }
0x1b: {  	s9 =	sadd.s32 $0xFFFFFEF7, lr;
	s5 =	simm.s32 $0xFFFFFFFF;
	p2 =	slt.u32 s8, $0xFFFFF086  }
0x1c: {  	p1 =	slt.u32 s9, $0xF7A;
	s5 =	simm.s32 @!p2 $0x0  }
0x1d: {  	s5 =	simm.s32 @p1 $0x1;
	p0 =	seq.s32 s7, s2  }
0x1e: {  	s7 =	smul.u32 @!p0 $0xF7A, s2;
	p2 =	seq.s32 @!p0 s5, $0x0  }
0x1f: {  	s9 =	smul.u32 $0xF7A, s1;
	s8 =	simm.s32 @!p0 $0x1BF5;
	p2 =	por !p2, p0  }
0x20: {  	[sflag:s8] =	ssyncset.s32 @!p0 $0xFFFFF086;
	s6 =	sadd.s32 @!p0 s3, s7;
	s7 =	simm.s32 @!p0 $0x108  }
0x21: {  	s3 =	sadd.s32 s3, s9;
	s6 =	sadd.s32 @!p0 $0x88, s6;
	s7 =	simm.s32 @p2 $0x1082  }
0x22: {  	[simem:s7], [sflag:s8] =	dma.local @!p0 [hbm:s6], $0xF7A  }
0x23: {  	s9 =	sor.u32 $0xD0000000, s2;
	s6 =	simm.s32 $0x108;
	_ =	swait.ge @!p0 [sflag:s8], $0x0  }
0x24: {  	s3 =	sadd.s32 $0x88, s3;
	s6 =	simm.s32 @!p1 $0x1082;
	[sflag:s4] =	ssyncset.s32 $0xFFFFF086  }
0x25: {  	[simem:s6], [sflag:s4] =	dma.local [hbm:s3], $0xF7A  }
0x26: {  	[smem:$0x3F9B] =	sst s1;
	(tag) =	ssettag s2;
	_ =	strace s9  }
0x27: {  	s1 =	sld [smem:$0x3FAB]  }
0x28: {  	s2 =	sld [smem:$0x3FAC]  }
0x29: {  	s4 =	sld [smem:$0x3FAE]  }
0x2a: {  	p0 =	seq.s32 s5, $0x0;
	s5 =	sld [smem:$0x3FAF]  }
0x2b: {  	s6 =	sld [smem:$0x3FB0]  }
0x2c: {  	s7 =	sld [smem:$0x3FB1]  }
0x2d: {  	s3 =	simm.s32 $0x108;
	s8 =	sld [smem:$0x3FB2]  }
0x2e: {  	s3 =	simm.s32 @!p0 $0x1082;
	s9 =	sld [smem:$0x3FB3]  }
0x2f: {  	lr =	sadd.s32 s0, s3;
	s0 =	sld [smem:$0x3FAA]  }
0x30: {  	s3 =	sld [smem:$0x3FAD]  }
0x31: {  	[smem:$0x3FB6] =	sst s10  }
0x32: {  	s10 =	sld [smem:$0x3FB4];
	_ =	sdelay $0x3  }
0x33: {  	p0 =	seq.s32 s10, $0x1;
	s10 =	sld [smem:$0x3FB6];
	_ =	sdelay $0x3  }
0x34: {  	[smem:$0x3FB6] =	sst s10  }
0x35: {  	s10 =	sld [smem:$0x3FB5];
	_ =	sdelay $0x3  }
0x36: {  	p1 =	seq.s32 s10, $0x1;
	s10 =	sld [smem:$0x3FB6];
	_ =	sdelay $0x3  }
0x37: {  	[smem:$0x3FB6] =	sst s10  }
0x38: {  	s10 =	sld [smem:$0x3FB7]  }
0x39: {  	_ = 	snop;
	(pc) =	sbr.ind lr, $3  }
0x3a: {  	_ = 	snop  }
0x3b: {  	_ = 	snop  }
0x3c: {  	p2 =	seq.s32 s10, $0x1;
	s10 =	sld [smem:$0x3FB6]  }
0x3d: {  	_ =	shalt  }
0x3e: {  	_ =	shalt  }
0x3f: {  	_ =	shalt  }
0x40: {  	_ =	shalt  }
0x41: {  	_ =	shalt  }
0x42: {  	_ =	shalt  }
0x43: {  	_ =	shalt  }
0x44: {  	_ =	shalt  }
0x45: {  	_ =	shalt  }
0x46: {  	_ =	shalt  }
0x47: {  	_ =	shalt  }
0x48: {  	_ =	shalt  }
0x49: {  	_ =	shalt  }
0x4a: {  	_ =	shalt  }
0x4b: {  	_ =	shalt  }
0x4c: {  	_ =	shalt  }
0x4d: {  	_ =	shalt  }
0x4e: {  	_ =	shalt  }
0x4f: {  	_ =	shalt  }
0x50: {  	_ =	shalt  }
0x51: {  	_ =	shalt  }
0x52: {  	_ =	shalt  }
0x53: {  	_ =	shalt  }
0x54: {  	_ =	shalt  }
0x55: {  	_ =	shalt  }
0x56: {  	_ =	shalt  }
0x57: {  	_ =	shalt  }
0x58: {  	_ =	shalt  }
0x59: {  	_ =	shalt  }
0x5a: {  	_ =	shalt  }
0x5b: {  	_ =	shalt  }
0x5c: {  	_ =	shalt  }
0x5d: {  	_ =	shalt  }
0x5e: {  	_ =	shalt  }
0x5f: {  	_ =	shalt  }
0x60: {  	_ =	shalt  }
0x61: {  	_ =	shalt  }
0x62: {  	_ =	shalt  }
0x63: {  	_ =	shalt  }
0x64: {  	_ =	shalt  }
0x65: {  	_ =	shalt  }
0x66: {  	_ =	shalt  }
0x67: {  	_ =	shalt  }
0x68: {  	_ =	shalt  }
0x69: {  	_ =	shalt  }
0x6a: {  	_ =	shalt  }
0x6b: {  	_ =	shalt  }
0x6c: {  	_ =	shalt  }
0x6d: {  	_ =	shalt  }
0x6e: {  	_ =	shalt  }
0x6f: {  	_ =	shalt  }
0x70: {  	_ =	shalt  }
0x71: {  	_ =	shalt  }
0x72: {  	_ =	shalt  }
0x73: {  	_ =	shalt  }
0x74: {  	_ =	shalt  }
0x75: {  	_ =	shalt  }
0x76: {  	_ =	shalt  }
0x77: {  	_ =	shalt  }
0x78: {  	_ =	shalt  }
0x79: {  	_ =	shalt  }
0x7a: {  	_ =	shalt  }
0x7b: {  	_ =	shalt  }
0x7c: {  	_ =	shalt  }
0x7d: {  	_ =	shalt  }
0x7e: {  	_ =	shalt  }
0x7f: {  	_ =	shalt  }
0x80: {  	_ =	shalt  }
0x81: {  	_ =	shalt  }
0x82: {  	_ =	shalt  }
0x83: {  	_ =	shalt  }
0x84: {  	_ =	shalt  }
0x85: {  	_ =	shalt  }
0x86: {  	_ =	shalt  }
0x87: {  	_ =	shalt  }
.Lfunc_end0:
.L_simem_size_0:
called_computation.1_lowered:
.L_overlay_start_0:
0x88: {  	s2 =	sld [smem:$0x3FD9]  }
0x89: {  	s3 =	sld [smem:$0x3FFE];
	_ =	sdelay $0x1  }
0x8a: {  	s1 =	srdreg.scid  }
0x8b: {  	s0 =	sand.u32 $0x1, s1  }
0x8c: {  	s17 =	sshll.u32 s0, $0xA;
	s2 =	sadd.s32 s3, s2  }
0x8d: {  	s2 =	sadd.s32 s2, s17  }
0x8e: {  	[smem:$0x3FC2] =	sst s2  }
0x8f: {  	_ = 	snop  }
0x90: {  	s2 =	sld [smem:$0x3FD0];
	(tm) =	ssettm $0x1  }
0x91: {  	s18 =	sld [smem:$0x3FFB];
	_ =	sdelay $0x3  }
0x92: {  	_ =	strace s18  }
0x93: {  	s3 =	sld [smem:$0x3FFC];
	_ =	sdelay $0x3  }
0x94: {  	_ =	strace s3  }
0x95: {  	s3 =	sld [smem:$0x3FFD];
	_ =	sdelay $0x3  }
0x96: {  	_ =	strace s3  }
0x97: {  	_ =	strace $0x8FFFFFFF  }
0x98: {  	s19 =	sld [smem:$0x3FDB];
	_ =	sdelay $0x1  }
0x99: {  	s4 =	simm.s32 $_scs_section_size  }
0x9a: {  	s5 =	simm.s32 $_size__tile_overlayer_lowered;
	s6 =	simm.s32 $_tile_overlayer_lowered  }
0x9b: {  	s22 =	simm.s32 $0x1BFF;
	s21 =	sshll.u32 s6, $0x1;
	s3 =	sadd.s32 s4, s19  }
0x9c: {  	s7 =	simm.s32 $0x0;
	s20 =	sshll.u32 s5, $0x1;
	s5 =	sadd.s32 s21, s3  }
0x9d: {  	[timem:s7], [sflag:s22] =	dma.local [hbm:s5], s20  }
0x9e: {  	_ =	swait.ge [sflag:s22], s20  }
0x9f: {  	s4 =	ssub.s32 $0x0, s20;
	[sflag:s22] =	ssyncset.done $0x0  }
0xa0: {  	[sflag:s22] =	ssyncadd.s32 s4;
	_ =	sdelay $0x1  }
0xa1: {  	s23 =	simm.s32 $0x1B8B  }
0xa2: {  	_ =	swait.ge [sflag:s23], $0x1  }
0xa3: {  	[sflag:s23] =	ssyncset.done $0x0  }
0xa4: {  	s25 =	simm.s32 $0x1B8E;
	s24 =	sld [smem:$0x3FFE];
	[sflag:s23] =	ssyncadd.s32 $0xFFFFFFFF  }
0xa5: {  	s26 =	simm.s32 $execute0_lowered;
	[smem:$0x3FD2] =	sst s25  }
0xa6: {  	s5 =	sshll.u32 s26, $0x1;
	_ =	strace $0x80000049;
	[dreg:$0x1] =	wrdreg $0xFFFFFFFF  }
0xa7: {  	s28 =	simm.s32 $_size_execute0_lowered;
	s3 =	sadd.s32 s3, s5;
	[dreg:$0x0] =	wrdreg $0x0  }
0xa8: {  	s5 =	sshll.u32 s28, $0x1;
	[dreg:$0x2] =	wrdreg s3  }
0xa9: {  	[dreg:$0x3] =	wrdreg s5  }
0xaa: {  	[dreg:$0x4] =	wrdreg $0xC0  }
0xab: {  	_ =	task [dreg:s7], $0x5FFFF  }
0xac: {  	[dreg:$0x1] =	wrdreg $0xFFFFFFFF  }
0xad: {  	[dreg:$0x0] =	wrdreg $0x60  }
0xae: {  	[dreg:$0x2] =	wrdreg s24  }
0xaf: {  	[dreg:$0x3] =	wrdreg s2  }
0xb0: {  	[dreg:$0x4] =	wrdreg $0x9  }
0xb1: {  	_ =	task.clear_ibuf [dreg:s7], $0x5FFFF;
	_ =	strace $0x90000049  }
0xb2: {  	s29 =	simm.s32 $0x9;
	_ =	strace $0x8000004B  }
0xb3: {  	_ =	swait.ge [sflag:s29], $0x1  }
0xb4: {  	[sflag:s29] =	ssyncadd.s32 $0xFFFFFFFF  }
0xb5: {  	_ =	strace $0x9000004B  }
0xb6: {  	_ =	sfence  }
0xb7: {  	s30 =	sld [smem:$0x0];
	_ =	sdelay $0x2  }
0xb8: {  	s31 =	sshll.u32 s1, $0xD;
	s1 =	sshrl.u32 s1, $0x2  }
0xb9: {  	s3 =	sand.u32 $0x4000, s31;
	s1 =	sadd.s32 s1, s30  }
0xba: {  	s0 =	sor.u32 s3, s0;
	s1 =	sshll.u32 s1, $0x11  }
0xbb: {  	s0 =	sor.u32 s1, s0  }
0xbc: {  	s0 =	sadd.s32 $0x8F2B, s0  }
0xbd: {  	[sflag:s0] =	ssyncadd.remote.s32 $0x1  }
0xbe: {  	_ =	sfence.sel $0xFFFF  }
0xbf: {  	[dreg:$0x0] =	wrdreg $0xFFFFFFFF;
	(pc) =	sbr.abs _section_cstart, $3  }
0xc0: {  	[dreg:$0x1] =	wrdreg $0xFFFFFFFF  }
0xc1: {  	_ =	task.clear_ibuf [dreg:s7], $0x2FFFF;
	_ =	strace $0x9FFFFFFF  }
0xc2: {  	(tm) =	ssettm $0x7FFFFFFF  }
0xc3: {  	_ =	shalt  }
tec
execute0_lowered:
.L_overlay_start_1:
0x0: {  	(tag) =	ssettag $0x1  }
0x1: {  	s0 =	rddreg [dreg:$0x0]  }
0x2: {  	s1 =	rddreg [dreg:$0x1]  }
0x3: {  	s3 =	srdreg.scid;
	s2 =	simm.s32 $0x0;
	s5 =	stileid.u32  }
0x4: {  	s29 =	simm.s32 $0x3;
	s30 =	simm.s32 $0x2;
	s4 =	sand.u32 $0x1, s3  }
0x5: {  	[smem:$0x7FF] =	sst s2;
	s28 =	sshll.u32 s5, $0x8;
	s31 =	sshll.u32 s4, $0x7  }
0x6: {  	s3 =	sadd.s32 $0x200400, s0;
	s4 =	ssub.s32 $0x2, s4;
	s8 =	sor.u32 s31, s28  }
0x7: {  	_ =	strace $0x8000004A;
	s6 =	sshrl.u32 s4, $0x1;
	s5 =	sshrl.u32 s8, $0x3  }
0x8: {  	s7 =	sor.u32 $0x10, s8;
	s11 =	ssub.s32 s4, s6;
	s4 =	sadd.s32 $0x200500, s0  }
0x9: {  	s9 =	sshll.u32 s8, $0x8;
	s16 =	sor.u32 $0x40, s8;
	s21 =	sor.u32 $0x60, s8  }
0xa: {  	s5 =	sadd.s32 s1, s5;
	s6 =	sshrl.u32 s7, $0x3;
	s7 =	sshll.u32 s7, $0x8  }
0xb: {  	s17 =	sshrl.u32 s16, $0x3;
	s22 =	sshrl.u32 s21, $0x3;
	s25 =	sshll.u32 s21, $0x8  }
0xc: {  	s11 =	smax.u32 s11, $0x1;
	[dreg:$0x3] =	wrdreg s5;
	s5 =	sadd.s32 s1, s6  }
0xd: {  	s6 =	sadd.s32 s0, s9;
	s9 =	sor.u32 $0x20, s8;
	[dreg:$0x4] =	wrdreg s5  }
0xe: {  	s12 =	sadd.s32 s0, s7;
	s26 =	sadd.s32 s0, s25;
	[dreg:$0x5] =	wrdreg s6  }
0xf: {  	s5 =	sadd.s32 $0x200600, s0;
	s10 =	sshrl.u32 s9, $0x3;
	[dreg:$0x7] =	wrdreg s12  }
0x10: {  	s15 =	sshll.u32 s9, $0x8;
	s12 =	sor.u32 $0x50, s8;
	s9 =	sshll.u32 s16, $0x8  }
0x11: {  	[dreg:$0x11] =	wrdreg s26;
	s6 =	sadd.s32 s1, s10;
	s10 =	sor.u32 $0x30, s8  }
0x12: {  	s7 =	sadd.s32 s0, s15;
	s19 =	sshrl.u32 s12, $0x3;
	s9 =	sadd.s32 s0, s9  }
0x13: {  	s12 =	sshll.u32 s12, $0x8;
	s8 =	sor.u32 $0x70, s8;
	[dreg:$0x6] =	wrdreg s6  }
0x14: {  	s13 =	sshrl.u32 s10, $0x3;
	s6 =	sadd.s32 $0x200700, s0;
	[dreg:$0x9] =	wrdreg s7  }
0x15: {  	s7 =	sadd.s32 s1, s17;
	s10 =	sshll.u32 s10, $0x8;
	[dreg:$0xd] =	wrdreg s9  }
0x16: {  	s20 =	sadd.s32 s1, s19;
	s9 =	sadd.s32 s1, s22;
	[dreg:$0xa] =	wrdreg s7  }
0x17: {  	s23 =	sadd.s32 s0, s12;
	s24 =	sshrl.u32 s8, $0x3;
	[dreg:$0xc] =	wrdreg s20  }
0x18: {  	s28 =	sshll.u32 s8, $0x8;
	s8 =	sadd.s32 $0x200900, s0;
	[dreg:$0xe] =	wrdreg s9  }
0x19: {  	s12 =	simm.s32 $0x5;
	s14 =	sadd.s32 s1, s13;
	[dreg:$0xf] =	wrdreg s23  }
0x1a: {  	s17 =	simm.s32 $0x1;
	s18 =	sadd.s32 s0, s10;
	[dreg:$0x8] =	wrdreg s14  }
0x1b: {  	v2 =	vlaneseq.u32;
	s7 =	sadd.s32 $0x200800, s0;
	s1 =	sadd.s32 s1, s24;
	[dreg:$0xb] =	wrdreg s18  }
0x1c: {  	vm0 =	vmmov $0xffff;
	v1 =	vshrl.u32 v2, $0x3;
	s31 =	sadd.s32 s0, s28;
	s9 =	sadd.s32 $0x200A00, s0;
	[dreg:$0x10] =	wrdreg s1  }
0x1d: {  	v0 =	vand.u32 $0x7, v2;
	v2 =	vor.u32 $0x8, v2;
	v1 =	vmul.u32 $0x8, v1;
	s10 =	sadd.s32 $0x200B00, s0;
	s0 =	simm.s32 $0x4;
	[dreg:$0x12] =	wrdreg s31  }
.LBB2_1:
0x1e: {  	s1 =	rddreg [dreg:$0x3]  }
0x1f: {  	[tilespmem:s2], [sflag:$0x5] =	stream.linear.gather [hbm4b:s1+s2], $0x10, $0x38;
	[tilespmem:$0x10100] =	vst v63  }
0x20: {  	_ =	swait.ge [sflag:s12], $0x10  }
0x21: {  	[sflag:s12] =	ssyncset.done $0x0  }
0x22: {  	[sflag:s12] =	ssyncadd.s32 $0xFFFFFFF0  }
0x23: {  	v3 =	vld [tilespmem:$0x0];
	_ =	sdelay $0x4  }
0x24: {  	v4 =	vshll.u32 v3, $0x4  }
0x25: {  	v3 =	vand.u32 $0x7, v3;
	v4 =	vand.u32 $0xFFFFFF80, v4  }
0x26: {  	v3 =	vor.u32 v3, v4  }
0x27: {  	v4 =	vperm.xlane v3, v0;
	_ =	sdelay $0x1  }
0x28: {  	v4 =	vadd.s32 v1, v4;
	_ =	sdelay $0x3  }
0x29: {  	s20 =	simm.s32 $0x100  }
0x2a: {  	[tilespmem:s20], [sflag:$0x1] =	stream.indirect_vreg.gather [hbm4b:s3+s2], $0x80, v4, vm0, $0xb8;
	[tilespmem:$0x10100] =	vst v63  }
0x2b: {  	s21 =	simm.s32 $0x900  }
0x2c: {  	[tilespmem:s21], [sflag:$0x1] =	stream.indirect_vreg.gather [hbm4b:s4+s2], $0x80, v4, vm0, $0xb8;
	[tilespmem:$0x10100] =	vst v63  }
0x2d: {  	s22 =	simm.s32 $0x1100  }
0x2e: {  	[tilespmem:s22], [sflag:$0x1] =	stream.indirect_vreg.gather [hbm4b:s5+s2], $0x80, v4, vm0, $0xb8;
	[tilespmem:$0x10100] =	vst v63  }
0x2f: {  	s23 =	simm.s32 $0x1900  }
0x30: {  	[tilespmem:s23], [sflag:$0x1] =	stream.indirect_vreg.gather [hbm4b:s6+s2], $0x80, v4, vm0, $0xb8;
	[tilespmem:$0x10100] =	vst v63  }
0x31: {  	s24 =	simm.s32 $0x2100  }
0x32: {  	[tilespmem:s24], [sflag:$0x1] =	stream.indirect_vreg.gather [hbm4b:s7+s2], $0x80, v4, vm0, $0xb8;
	[tilespmem:$0x10100] =	vst v63  }
0x33: {  	s25 =	simm.s32 $0x2900;
	v3 =	vperm.xlane v3, v2  }
0x34: {  	[tilespmem:s25], [sflag:$0x1] =	stream.indirect_vreg.gather [hbm4b:s8+s2], $0x80, v4, vm0, $0xb8;
	[tilespmem:$0x10100] =	vst v63  }
0x35: {  	s26 =	simm.s32 $0x3100;
	v3 =	vadd.s32 v1, v3  }
0x36: {  	[tilespmem:s26], [sflag:$0x1] =	stream.indirect_vreg.gather [hbm4b:s9+s2], $0x80, v4, vm0, $0xb8;
	[tilespmem:$0x10100] =	vst v63  }
0x37: {  	s28 =	simm.s32 $0x3900  }
0x38: {  	[tilespmem:s28], [sflag:$0x1] =	stream.indirect_vreg.gather [hbm4b:s10+s2], $0x80, v4, vm0, $0xb8;
	[tilespmem:$0x10100] =	vst v63  }
0x39: {  	s31 =	simm.s32 $0x4100  }
0x3a: {  	[tilespmem:s31], [sflag:$0x1] =	stream.indirect_vreg.gather [hbm4b:s3+s2], $0x80, v3, vm0, $0xb8;
	[tilespmem:$0x10100] =	vst v63  }
0x3b: {  	s13 =	simm.s32 $0x4900  }
0x3c: {  	[tilespmem:s13], [sflag:$0x1] =	stream.indirect_vreg.gather [hbm4b:s4+s2], $0x80, v3, vm0, $0xb8;
	[tilespmem:$0x10100] =	vst v63  }
0x3d: {  	s14 =	simm.s32 $0x5100  }
0x3e: {  	[tilespmem:s14], [sflag:$0x1] =	stream.indirect_vreg.gather [hbm4b:s5+s2], $0x80, v3, vm0, $0xb8;
	[tilespmem:$0x10100] =	vst v63  }
0x3f: {  	s15 =	simm.s32 $0x5900  }
0x40: {  	[tilespmem:s15], [sflag:$0x1] =	stream.indirect_vreg.gather [hbm4b:s6+s2], $0x80, v3, vm0, $0xb8;
	[tilespmem:$0x10100] =	vst v63  }
0x41: {  	s18 =	simm.s32 $0x6100  }
0x42: {  	[tilespmem:s18], [sflag:$0x1] =	stream.indirect_vreg.gather [hbm4b:s7+s2], $0x80, v3, vm0, $0xb8;
	[tilespmem:$0x10100] =	vst v63  }
0x43: {  	s19 =	simm.s32 $0x6900  }
0x44: {  	[tilespmem:s19], [sflag:$0x1] =	stream.indirect_vreg.gather [hbm4b:s8+s2], $0x80, v3, vm0, $0xb8;
	[tilespmem:$0x10100] =	vst v63  }
0x45: {  	s20 =	simm.s32 $0x7100  }
0x46: {  	[tilespmem:s20], [sflag:$0x1] =	stream.indirect_vreg.gather [hbm4b:s9+s2], $0x80, v3, vm0, $0xb8;
	[tilespmem:$0x10100] =	vst v63  }
0x47: {  	s13 =	simm.s32 $0x7900  }
0x48: {  	[tilespmem:s13], [sflag:$0x1] =	stream.indirect_vreg.gather [hbm4b:s10+s2], $0x80, v3, vm0, $0xb8;
	[tilespmem:$0x10100] =	vst v63  }
0x49: {  	s21 =	rddreg [dreg:$0x4];
	s15 =	simm.s32 $0x80  }
0x4a: {  	[tilespmem:s15], [sflag:$0x5] =	stream.linear.gather [hbm4b:s21+s2], $0x10, $0x38;
	[tilespmem:$0x10100] =	vst v63  }
0x4b: {  	_ =	swait.ge [sflag:s12], $0x10  }
0x4c: {  	[sflag:s12] =	ssyncset.done $0x0  }
0x4d: {  	[sflag:s12] =	ssyncadd.s32 $0xFFFFFFF0  }
0x4e: {  	v3 =	vld [tilespmem:$0x80];
	_ =	sdelay $0x4  }
0x4f: {  	v57 =	vshll.u32 v3, $0x4  }
0x50: {  	v3 =	vand.u32 $0x7, v3;
	v4 =	vand.u32 $0xFFFFFF80, v57  }
0x51: {  	v3 =	vor.u32 v3, v4  }
0x52: {  	v4 =	vperm.xlane v3, v0;
	_ =	sdelay $0x1  }
0x53: {  	v4 =	vadd.s32 v1, v4;
	_ =	sdelay $0x3  }
0x54: {  	s13 =	simm.s32 $0x8100  }
0x55: {  	[tilespmem:s13], [sflag:$0x2] =	stream.indirect_vreg.gather [hbm4b:s3+s2], $0x80, v4, vm0, $0xb8;
	[tilespmem:$0x10100] =	vst v63  }
0x56: {  	s22 =	simm.s32 $0x8900  }
0x57: {  	[tilespmem:s22], [sflag:$0x2] =	stream.indirect_vreg.gather [hbm4b:s4+s2], $0x80, v4, vm0, $0xb8;
	[tilespmem:$0x10100] =	vst v63  }
0x58: {  	s23 =	simm.s32 $0x9100  }
0x59: {  	[tilespmem:s23], [sflag:$0x2] =	stream.indirect_vreg.gather [hbm4b:s5+s2], $0x80, v4, vm0, $0xb8;
	[tilespmem:$0x10100] =	vst v63  }
0x5a: {  	s24 =	simm.s32 $0x9900  }
0x5b: {  	[tilespmem:s24], [sflag:$0x2] =	stream.indirect_vreg.gather [hbm4b:s6+s2], $0x80, v4, vm0, $0xb8;
	[tilespmem:$0x10100] =	vst v63  }
0x5c: {  	s25 =	simm.s32 $0xA100  }
0x5d: {  	[tilespmem:s25], [sflag:$0x2] =	stream.indirect_vreg.gather [hbm4b:s7+s2], $0x80, v4, vm0, $0xb8;
	[tilespmem:$0x10100] =	vst v63  }
0x5e: {  	s26 =	simm.s32 $0xA900;
	v3 =	vperm.xlane v3, v2  }
0x5f: {  	[tilespmem:s26], [sflag:$0x2] =	stream.indirect_vreg.gather [hbm4b:s8+s2], $0x80, v4, vm0, $0xb8;
	[tilespmem:$0x10100] =	vst v63  }
0x60: {  	s28 =	simm.s32 $0xB100;
	v3 =	vadd.s32 v1, v3  }
0x61: {  	[tilespmem:s28], [sflag:$0x2] =	stream.indirect_vreg.gather [hbm4b:s9+s2], $0x80, v4, vm0, $0xb8;
	[tilespmem:$0x10100] =	vst v63  }
0x62: {  	s31 =	simm.s32 $0xB900  }
0x63: {  	[tilespmem:s31], [sflag:$0x2] =	stream.indirect_vreg.gather [hbm4b:s10+s2], $0x80, v4, vm0, $0xb8;
	[tilespmem:$0x10100] =	vst v63  }
0x64: {  	s14 =	simm.s32 $0xC100  }
0x65: {  	[tilespmem:s14], [sflag:$0x2] =	stream.indirect_vreg.gather [hbm4b:s3+s2], $0x80, v3, vm0, $0xb8;
	[tilespmem:$0x10100] =	vst v63  }
0x66: {  	s15 =	simm.s32 $0xC900  }
0x67: {  	[tilespmem:s15], [sflag:$0x2] =	stream.indirect_vreg.gather [hbm4b:s4+s2], $0x80, v3, vm0, $0xb8;
	[tilespmem:$0x10100] =	vst v63  }
0x68: {  	s18 =	simm.s32 $0xD100  }
0x69: {  	[tilespmem:s18], [sflag:$0x2] =	stream.indirect_vreg.gather [hbm4b:s5+s2], $0x80, v3, vm0, $0xb8;
	[tilespmem:$0x10100] =	vst v63  }
0x6a: {  	s19 =	simm.s32 $0xD900  }
0x6b: {  	[tilespmem:s19], [sflag:$0x2] =	stream.indirect_vreg.gather [hbm4b:s6+s2], $0x80, v3, vm0, $0xb8;
	[tilespmem:$0x10100] =	vst v63  }
0x6c: {  	s20 =	simm.s32 $0xE100  }
0x6d: {  	[tilespmem:s20], [sflag:$0x2] =	stream.indirect_vreg.gather [hbm4b:s7+s2], $0x80, v3, vm0, $0xb8;
	[tilespmem:$0x10100] =	vst v63  }
0x6e: {  	s21 =	simm.s32 $0xE900  }
0x6f: {  	[tilespmem:s21], [sflag:$0x2] =	stream.indirect_vreg.gather [hbm4b:s8+s2], $0x80, v3, vm0, $0xb8;
	[tilespmem:$0x10100] =	vst v63  }
0x70: {  	s22 =	simm.s32 $0xF100  }
0x71: {  	[tilespmem:s22], [sflag:$0x2] =	stream.indirect_vreg.gather [hbm4b:s9+s2], $0x80, v3, vm0, $0xb8;
	[tilespmem:$0x10100] =	vst v63  }
0x72: {  	s23 =	simm.s32 $0xF900  }
0x73: {  	[tilespmem:s23], [sflag:$0x2] =	stream.indirect_vreg.gather [hbm4b:s10+s2], $0x80, v3, vm0, $0xb8;
	[tilespmem:$0x10100] =	vst v63  }
0x74: {  	_ =	swait.ge [sflag:s17], $0x8000  }
0x75: {  	[sflag:s17] =	ssyncset.done $0x0  }
0x76: {  	s14 =	simm.s32 $0x100;
	s24 =	rddreg [dreg:$0x5];
	[sflag:s17] =	ssyncadd.s32 $0xFFFF8000  }
0x77: {  	[hbm4b:s24+s2] =	stream.linear.scatter [tilespmem:s14], [sflag:$0x3], $0x8000, $0x38;
	[tilespmem:$0x10100] =	vst v63  }
0x78: {  	_ =	swait.ge [sflag:s29], $0x8000  }
0x79: {  	[sflag:s29] =	ssyncset.done $0x0  }
0x7a: {  	s25 =	rddreg [dreg:$0x6];
	[sflag:s29] =	ssyncadd.s32 $0xFFFF8000  }
0x7b: {  	[tilespmem:s2], [sflag:$0x5] =	stream.linear.gather [hbm4b:s25+s2], $0x10, $0x38;
	[tilespmem:$0x10100] =	vst v63  }
0x7c: {  	_ =	swait.ge [sflag:s12], $0x10  }
0x7d: {  	[sflag:s12] =	ssyncset.done $0x0  }
0x7e: {  	[sflag:s12] =	ssyncadd.s32 $0xFFFFFFF0  }
0x7f: {  	v3 =	vld [tilespmem:$0x0];
	_ =	sdelay $0x4  }
0x80: {  	v58 =	vshll.u32 v3, $0x4  }
0x81: {  	v3 =	vand.u32 $0x7, v3;
	v4 =	vand.u32 $0xFFFFFF80, v58  }
0x82: {  	v3 =	vor.u32 v3, v4  }
0x83: {  	v4 =	vperm.xlane v3, v0;
	_ =	sdelay $0x1  }
0x84: {  	v4 =	vadd.s32 v1, v4;
	_ =	sdelay $0x4  }
0x85: {  	[tilespmem:s14], [sflag:$0x1] =	stream.indirect_vreg.gather [hbm4b:s3+s2], $0x80, v4, vm0, $0xb8;
	[tilespmem:$0x10100] =	vst v63  }
0x86: {  	s31 =	simm.s32 $0x900  }
0x87: {  	[tilespmem:s31], [sflag:$0x1] =	stream.indirect_vreg.gather [hbm4b:s4+s2], $0x80, v4, vm0, $0xb8;
	[tilespmem:$0x10100] =	vst v63  }
0x88: {  	s14 =	simm.s32 $0x1100  }
0x89: {  	[tilespmem:s14], [sflag:$0x1] =	stream.indirect_vreg.gather [hbm4b:s5+s2], $0x80, v4, vm0, $0xb8;
	[tilespmem:$0x10100] =	vst v63  }
0x8a: {  	s15 =	simm.s32 $0x1900  }
0x8b: {  	[tilespmem:s15], [sflag:$0x1] =	stream.indirect_vreg.gather [hbm4b:s6+s2], $0x80, v4, vm0, $0xb8;
	[tilespmem:$0x10100] =	vst v63  }
0x8c: {  	s16 =	simm.s32 $0x2100  }
0x8d: {  	[tilespmem:s16], [sflag:$0x1] =	stream.indirect_vreg.gather [hbm4b:s7+s2], $0x80, v4, vm0, $0xb8;
	[tilespmem:$0x10100] =	vst v63  }
0x8e: {  	v3 =	vperm.xlane v3, v2;
	s16 =	simm.s32 $0x2900  }
0x8f: {  	[tilespmem:s16], [sflag:$0x1] =	stream.indirect_vreg.gather [hbm4b:s8+s2], $0x80, v4, vm0, $0xb8;
	[tilespmem:$0x10100] =	vst v63  }
0x90: {  	s18 =	simm.s32 $0x3100;
	v3 =	vadd.s32 v1, v3  }
0x91: {  	[tilespmem:s18], [sflag:$0x1] =	stream.indirect_vreg.gather [hbm4b:s9+s2], $0x80, v4, vm0, $0xb8;
	[tilespmem:$0x10100] =	vst v63  }
0x92: {  	s19 =	simm.s32 $0x3900  }
0x93: {  	[tilespmem:s19], [sflag:$0x1] =	stream.indirect_vreg.gather [hbm4b:s10+s2], $0x80, v4, vm0, $0xb8;
	[tilespmem:$0x10100] =	vst v63  }
0x94: {  	s20 =	simm.s32 $0x4100  }
0x95: {  	[tilespmem:s20], [sflag:$0x1] =	stream.indirect_vreg.gather [hbm4b:s3+s2], $0x80, v3, vm0, $0xb8;
	[tilespmem:$0x10100] =	vst v63  }
0x96: {  	s21 =	simm.s32 $0x4900  }
0x97: {  	[tilespmem:s21], [sflag:$0x1] =	stream.indirect_vreg.gather [hbm4b:s4+s2], $0x80, v3, vm0, $0xb8;
	[tilespmem:$0x10100] =	vst v63  }
0x98: {  	s22 =	simm.s32 $0x5100  }
0x99: {  	[tilespmem:s22], [sflag:$0x1] =	stream.indirect_vreg.gather [hbm4b:s5+s2], $0x80, v3, vm0, $0xb8;
	[tilespmem:$0x10100] =	vst v63  }
0x9a: {  	s23 =	simm.s32 $0x5900  }
0x9b: {  	[tilespmem:s23], [sflag:$0x1] =	stream.indirect_vreg.gather [hbm4b:s6+s2], $0x80, v3, vm0, $0xb8;
	[tilespmem:$0x10100] =	vst v63  }
0x9c: {  	s24 =	simm.s32 $0x6100  }
0x9d: {  	[tilespmem:s24], [sflag:$0x1] =	stream.indirect_vreg.gather [hbm4b:s7+s2], $0x80, v3, vm0, $0xb8;
	[tilespmem:$0x10100] =	vst v63  }
0x9e: {  	s25 =	simm.s32 $0x6900  }
0x9f: {  	[tilespmem:s25], [sflag:$0x1] =	stream.indirect_vreg.gather [hbm4b:s8+s2], $0x80, v3, vm0, $0xb8;
	[tilespmem:$0x10100] =	vst v63  }
0xa0: {  	s26 =	simm.s32 $0x7100  }
0xa1: {  	[tilespmem:s26], [sflag:$0x1] =	stream.indirect_vreg.gather [hbm4b:s9+s2], $0x80, v3, vm0, $0xb8;
	[tilespmem:$0x10100] =	vst v63  }
0xa2: {  	s26 =	simm.s32 $0x7900  }
0xa3: {  	[tilespmem:s26], [sflag:$0x1] =	stream.indirect_vreg.gather [hbm4b:s10+s2], $0x80, v3, vm0, $0xb8;
	[tilespmem:$0x10100] =	vst v63  }
0xa4: {  	_ =	swait.ge [sflag:s30], $0x8000  }
0xa5: {  	[sflag:s30] =	ssyncset.done $0x0  }
0xa6: {  	s28 =	rddreg [dreg:$0x7];
	[sflag:s30] =	ssyncadd.s32 $0xFFFF8000  }
0xa7: {  	[hbm4b:s28+s2] =	stream.linear.scatter [tilespmem:s13], [sflag:$0x4], $0x8000, $0x38;
	[tilespmem:$0x10100] =	vst v63  }
0xa8: {  	_ =	swait.ge [sflag:s0], $0x8000  }
0xa9: {  	[sflag:s0] =	ssyncset.done $0x0  }
0xaa: {  	s28 =	simm.s32 $0x80;
	s1 =	rddreg [dreg:$0x8];
	[sflag:s0] =	ssyncadd.s32 $0xFFFF8000  }
0xab: {  	[tilespmem:s28], [sflag:$0x5] =	stream.linear.gather [hbm4b:s1+s2], $0x10, $0x38;
	[tilespmem:$0x10100] =	vst v63  }
0xac: {  	_ =	swait.ge [sflag:s12], $0x10  }
0xad: {  	[sflag:s12] =	ssyncset.done $0x0  }
0xae: {  	[sflag:s12] =	ssyncadd.s32 $0xFFFFFFF0  }
0xaf: {  	v3 =	vld [tilespmem:$0x80];
	_ =	sdelay $0x4  }
0xb0: {  	v59 =	vshll.u32 v3, $0x4  }
0xb1: {  	v3 =	vand.u32 $0x7, v3;
	v4 =	vand.u32 $0xFFFFFF80, v59  }
0xb2: {  	v3 =	vor.u32 v3, v4  }
0xb3: {  	v4 =	vperm.xlane v3, v0;
	_ =	sdelay $0x1  }
0xb4: {  	v4 =	vadd.s32 v1, v4;
	_ =	sdelay $0x4  }
0xb5: {  	[tilespmem:s13], [sflag:$0x2] =	stream.indirect_vreg.gather [hbm4b:s3+s2], $0x80, v4, vm0, $0xb8;
	[tilespmem:$0x10100] =	vst v63  }
0xb6: {  	s28 =	simm.s32 $0x8900  }
0xb7: {  	[tilespmem:s28], [sflag:$0x2] =	stream.indirect_vreg.gather [hbm4b:s4+s2], $0x80, v4, vm0, $0xb8;
	[tilespmem:$0x10100] =	vst v63  }
0xb8: {  	s28 =	simm.s32 $0x9100  }
0xb9: {  	[tilespmem:s28], [sflag:$0x2] =	stream.indirect_vreg.gather [hbm4b:s5+s2], $0x80, v4, vm0, $0xb8;
	[tilespmem:$0x10100] =	vst v63  }
0xba: {  	s28 =	simm.s32 $0x9900  }
0xbb: {  	[tilespmem:s28], [sflag:$0x2] =	stream.indirect_vreg.gather [hbm4b:s6+s2], $0x80, v4, vm0, $0xb8;
	[tilespmem:$0x10100] =	vst v63  }
0xbc: {  	s28 =	simm.s32 $0xA100  }
0xbd: {  	[tilespmem:s28], [sflag:$0x2] =	stream.indirect_vreg.gather [hbm4b:s7+s2], $0x80, v4, vm0, $0xb8;
	[tilespmem:$0x10100] =	vst v63  }
0xbe: {  	v3 =	vperm.xlane v3, v2;
	s28 =	simm.s32 $0xA900  }
0xbf: {  	[tilespmem:s28], [sflag:$0x2] =	stream.indirect_vreg.gather [hbm4b:s8+s2], $0x80, v4, vm0, $0xb8;
	[tilespmem:$0x10100] =	vst v63  }
0xc0: {  	v3 =	vadd.s32 v1, v3;
	s28 =	simm.s32 $0xB100  }
0xc1: {  	[tilespmem:s28], [sflag:$0x2] =	stream.indirect_vreg.gather [hbm4b:s9+s2], $0x80, v4, vm0, $0xb8;
	[tilespmem:$0x10100] =	vst v63  }
0xc2: {  	s28 =	simm.s32 $0xB900  }
0xc3: {  	[tilespmem:s28], [sflag:$0x2] =	stream.indirect_vreg.gather [hbm4b:s10+s2], $0x80, v4, vm0, $0xb8;
	[tilespmem:$0x10100] =	vst v63  }
0xc4: {  	s28 =	simm.s32 $0xC100  }
0xc5: {  	[tilespmem:s28], [sflag:$0x2] =	stream.indirect_vreg.gather [hbm4b:s3+s2], $0x80, v3, vm0, $0xb8;
	[tilespmem:$0x10100] =	vst v63  }
0xc6: {  	s28 =	simm.s32 $0xC900  }
0xc7: {  	[tilespmem:s28], [sflag:$0x2] =	stream.indirect_vreg.gather [hbm4b:s4+s2], $0x80, v3, vm0, $0xb8;
	[tilespmem:$0x10100] =	vst v63  }
0xc8: {  	s28 =	simm.s32 $0xD100  }
0xc9: {  	[tilespmem:s28], [sflag:$0x2] =	stream.indirect_vreg.gather [hbm4b:s5+s2], $0x80, v3, vm0, $0xb8;
	[tilespmem:$0x10100] =	vst v63  }
0xca: {  	s28 =	simm.s32 $0xD900  }
0xcb: {  	[tilespmem:s28], [sflag:$0x2] =	stream.indirect_vreg.gather [hbm4b:s6+s2], $0x80, v3, vm0, $0xb8;
	[tilespmem:$0x10100] =	vst v63  }
0xcc: {  	s28 =	simm.s32 $0xE100  }
0xcd: {  	[tilespmem:s28], [sflag:$0x2] =	stream.indirect_vreg.gather [hbm4b:s7+s2], $0x80, v3, vm0, $0xb8;
	[tilespmem:$0x10100] =	vst v63  }
0xce: {  	s28 =	simm.s32 $0xE900  }
0xcf: {  	[tilespmem:s28], [sflag:$0x2] =	stream.indirect_vreg.gather [hbm4b:s8+s2], $0x80, v3, vm0, $0xb8;
	[tilespmem:$0x10100] =	vst v63  }
0xd0: {  	s28 =	simm.s32 $0xF100  }
0xd1: {  	[tilespmem:s28], [sflag:$0x2] =	stream.indirect_vreg.gather [hbm4b:s9+s2], $0x80, v3, vm0, $0xb8;
	[tilespmem:$0x10100] =	vst v63  }
0xd2: {  	s28 =	simm.s32 $0xF900  }
0xd3: {  	[tilespmem:s28], [sflag:$0x2] =	stream.indirect_vreg.gather [hbm4b:s10+s2], $0x80, v3, vm0, $0xb8;
	[tilespmem:$0x10100] =	vst v63  }
0xd4: {  	_ =	swait.ge [sflag:s17], $0x8000  }
0xd5: {  	[sflag:s17] =	ssyncset.done $0x0  }
0xd6: {  	s28 =	simm.s32 $0x100;
	s1 =	rddreg [dreg:$0x9];
	[sflag:s17] =	ssyncadd.s32 $0xFFFF8000  }
0xd7: {  	[hbm4b:s1+s2] =	stream.linear.scatter [tilespmem:s28], [sflag:$0x3], $0x8000, $0x38;
	[tilespmem:$0x10100] =	vst v63  }
0xd8: {  	_ =	swait.ge [sflag:s29], $0x8000  }
0xd9: {  	[sflag:s29] =	ssyncset.done $0x0  }
0xda: {  	s1 =	rddreg [dreg:$0xa];
	[sflag:s29] =	ssyncadd.s32 $0xFFFF8000  }
0xdb: {  	[tilespmem:s2], [sflag:$0x5] =	stream.linear.gather [hbm4b:s1+s2], $0x10, $0x38;
	[tilespmem:$0x10100] =	vst v63  }
0xdc: {  	_ =	swait.ge [sflag:s12], $0x10  }
0xdd: {  	[sflag:s12] =	ssyncset.done $0x0  }
0xde: {  	[sflag:s12] =	ssyncadd.s32 $0xFFFFFFF0  }
0xdf: {  	v3 =	vld [tilespmem:$0x0];
	_ =	sdelay $0x4  }
0xe0: {  	v60 =	vshll.u32 v3, $0x4  }
0xe1: {  	v3 =	vand.u32 $0x7, v3;
	v4 =	vand.u32 $0xFFFFFF80, v60  }
0xe2: {  	v3 =	vor.u32 v3, v4  }
0xe3: {  	v4 =	vperm.xlane v3, v0;
	_ =	sdelay $0x1  }
0xe4: {  	v4 =	vadd.s32 v1, v4;
	_ =	sdelay $0x4  }
0xe5: {  	[tilespmem:s28], [sflag:$0x1] =	stream.indirect_vreg.gather [hbm4b:s3+s2], $0x80, v4, vm0, $0xb8;
	[tilespmem:$0x10100] =	vst v63  }
0xe6: {  	_ = 	snop  }
0xe7: {  	[tilespmem:s31], [sflag:$0x1] =	stream.indirect_vreg.gather [hbm4b:s4+s2], $0x80, v4, vm0, $0xb8;
	[tilespmem:$0x10100] =	vst v63  }
0xe8: {  	_ = 	snop  }
0xe9: {  	[tilespmem:s14], [sflag:$0x1] =	stream.indirect_vreg.gather [hbm4b:s5+s2], $0x80, v4, vm0, $0xb8;
	[tilespmem:$0x10100] =	vst v63  }
0xea: {  	_ = 	snop  }
0xeb: {  	[tilespmem:s15], [sflag:$0x1] =	stream.indirect_vreg.gather [hbm4b:s6+s2], $0x80, v4, vm0, $0xb8;
	[tilespmem:$0x10100] =	vst v63  }
0xec: {  	s15 =	simm.s32 $0x2100  }
0xed: {  	[tilespmem:s15], [sflag:$0x1] =	stream.indirect_vreg.gather [hbm4b:s7+s2], $0x80, v4, vm0, $0xb8;
	[tilespmem:$0x10100] =	vst v63  }
0xee: {  	v3 =	vperm.xlane v3, v2  }
0xef: {  	[tilespmem:s16], [sflag:$0x1] =	stream.indirect_vreg.gather [hbm4b:s8+s2], $0x80, v4, vm0, $0xb8;
	[tilespmem:$0x10100] =	vst v63  }
0xf0: {  	v3 =	vadd.s32 v1, v3  }
0xf1: {  	[tilespmem:s18], [sflag:$0x1] =	stream.indirect_vreg.gather [hbm4b:s9+s2], $0x80, v4, vm0, $0xb8;
	[tilespmem:$0x10100] =	vst v63  }
0xf2: {  	_ = 	snop  }
0xf3: {  	[tilespmem:s19], [sflag:$0x1] =	stream.indirect_vreg.gather [hbm4b:s10+s2], $0x80, v4, vm0, $0xb8;
	[tilespmem:$0x10100] =	vst v63  }
0xf4: {  	_ = 	snop  }
0xf5: {  	[tilespmem:s20], [sflag:$0x1] =	stream.indirect_vreg.gather [hbm4b:s3+s2], $0x80, v3, vm0, $0xb8;
	[tilespmem:$0x10100] =	vst v63  }
0xf6: {  	_ = 	snop  }
0xf7: {  	[tilespmem:s21], [sflag:$0x1] =	stream.indirect_vreg.gather [hbm4b:s4+s2], $0x80, v3, vm0, $0xb8;
	[tilespmem:$0x10100] =	vst v63  }
0xf8: {  	_ = 	snop  }
0xf9: {  	[tilespmem:s22], [sflag:$0x1] =	stream.indirect_vreg.gather [hbm4b:s5+s2], $0x80, v3, vm0, $0xb8;
	[tilespmem:$0x10100] =	vst v63  }
0xfa: {  	_ = 	snop  }
0xfb: {  	[tilespmem:s23], [sflag:$0x1] =	stream.indirect_vreg.gather [hbm4b:s6+s2], $0x80, v3, vm0, $0xb8;
	[tilespmem:$0x10100] =	vst v63  }
0xfc: {  	_ = 	snop  }
0xfd: {  	[tilespmem:s24], [sflag:$0x1] =	stream.indirect_vreg.gather [hbm4b:s7+s2], $0x80, v3, vm0, $0xb8;
	[tilespmem:$0x10100] =	vst v63  }
0xfe: {  	_ = 	snop  }
0xff: {  	[tilespmem:s25], [sflag:$0x1] =	stream.indirect_vreg.gather [hbm4b:s8+s2], $0x80, v3, vm0, $0xb8;
	[tilespmem:$0x10100] =	vst v63  }
0x100: {  	s22 =	simm.s32 $0x7100  }
0x101: {  	[tilespmem:s22], [sflag:$0x1] =	stream.indirect_vreg.gather [hbm4b:s9+s2], $0x80, v3, vm0, $0xb8;
	[tilespmem:$0x10100] =	vst v63  }
0x102: {  	_ = 	snop  }
0x103: {  	[tilespmem:s26], [sflag:$0x1] =	stream.indirect_vreg.gather [hbm4b:s10+s2], $0x80, v3, vm0, $0xb8;
	[tilespmem:$0x10100] =	vst v63  }
0x104: {  	_ =	swait.ge [sflag:s30], $0x8000  }
0x105: {  	[sflag:s30] =	ssyncset.done $0x0  }
0x106: {  	s23 =	rddreg [dreg:$0xb];
	[sflag:s30] =	ssyncadd.s32 $0xFFFF8000  }
0x107: {  	[hbm4b:s23+s2] =	stream.linear.scatter [tilespmem:s13], [sflag:$0x4], $0x8000, $0x38;
	[tilespmem:$0x10100] =	vst v63  }
0x108: {  	_ =	swait.ge [sflag:s0], $0x8000  }
0x109: {  	[sflag:s0] =	ssyncset.done $0x0  }
0x10a: {  	s28 =	simm.s32 $0x80;
	s24 =	rddreg [dreg:$0xc];
	[sflag:s0] =	ssyncadd.s32 $0xFFFF8000  }
0x10b: {  	[tilespmem:s28], [sflag:$0x5] =	stream.linear.gather [hbm4b:s24+s2], $0x10, $0x38;
	[tilespmem:$0x10100] =	vst v63  }
0x10c: {  	_ =	swait.ge [sflag:s12], $0x10  }
0x10d: {  	[sflag:s12] =	ssyncset.done $0x0  }
0x10e: {  	[sflag:s12] =	ssyncadd.s32 $0xFFFFFFF0  }
0x10f: {  	v3 =	vld [tilespmem:$0x80];
	_ =	sdelay $0x4  }
0x110: {  	v61 =	vshll.u32 v3, $0x4  }
0x111: {  	v3 =	vand.u32 $0x7, v3;
	v4 =	vand.u32 $0xFFFFFF80, v61  }
0x112: {  	v3 =	vor.u32 v3, v4  }
0x113: {  	v4 =	vperm.xlane v3, v0;
	_ =	sdelay $0x1  }
0x114: {  	v4 =	vadd.s32 v1, v4;
	_ =	sdelay $0x4  }
0x115: {  	[tilespmem:s13], [sflag:$0x2] =	stream.indirect_vreg.gather [hbm4b:s3+s2], $0x80, v4, vm0, $0xb8;
	[tilespmem:$0x10100] =	vst v63  }
0x116: {  	s26 =	simm.s32 $0x8900  }
0x117: {  	[tilespmem:s26], [sflag:$0x2] =	stream.indirect_vreg.gather [hbm4b:s4+s2], $0x80, v4, vm0, $0xb8;
	[tilespmem:$0x10100] =	vst v63  }
0x118: {  	s14 =	simm.s32 $0x9100  }
0x119: {  	[tilespmem:s14], [sflag:$0x2] =	stream.indirect_vreg.gather [hbm4b:s5+s2], $0x80, v4, vm0, $0xb8;
	[tilespmem:$0x10100] =	vst v63  }
0x11a: {  	s15 =	simm.s32 $0x9900  }
0x11b: {  	[tilespmem:s15], [sflag:$0x2] =	stream.indirect_vreg.gather [hbm4b:s6+s2], $0x80, v4, vm0, $0xb8;
	[tilespmem:$0x10100] =	vst v63  }
0x11c: {  	s25 =	simm.s32 $0xA100  }
0x11d: {  	[tilespmem:s25], [sflag:$0x2] =	stream.indirect_vreg.gather [hbm4b:s7+s2], $0x80, v4, vm0, $0xb8;
	[tilespmem:$0x10100] =	vst v63  }
0x11e: {  	s31 =	simm.s32 $0xA900;
	v3 =	vperm.xlane v3, v2  }
0x11f: {  	[tilespmem:s31], [sflag:$0x2] =	stream.indirect_vreg.gather [hbm4b:s8+s2], $0x80, v4, vm0, $0xb8;
	[tilespmem:$0x10100] =	vst v63  }
0x120: {  	v3 =	vadd.s32 v1, v3;
	s31 =	simm.s32 $0xB100  }
0x121: {  	[tilespmem:s31], [sflag:$0x2] =	stream.indirect_vreg.gather [hbm4b:s9+s2], $0x80, v4, vm0, $0xb8;
	[tilespmem:$0x10100] =	vst v63  }
0x122: {  	s18 =	simm.s32 $0xB900  }
0x123: {  	[tilespmem:s18], [sflag:$0x2] =	stream.indirect_vreg.gather [hbm4b:s10+s2], $0x80, v4, vm0, $0xb8;
	[tilespmem:$0x10100] =	vst v63  }
0x124: {  	s19 =	simm.s32 $0xC100  }
0x125: {  	[tilespmem:s19], [sflag:$0x2] =	stream.indirect_vreg.gather [hbm4b:s3+s2], $0x80, v3, vm0, $0xb8;
	[tilespmem:$0x10100] =	vst v63  }
0x126: {  	s20 =	simm.s32 $0xC900  }
0x127: {  	[tilespmem:s20], [sflag:$0x2] =	stream.indirect_vreg.gather [hbm4b:s4+s2], $0x80, v3, vm0, $0xb8;
	[tilespmem:$0x10100] =	vst v63  }
0x128: {  	s21 =	simm.s32 $0xD100  }
0x129: {  	[tilespmem:s21], [sflag:$0x2] =	stream.indirect_vreg.gather [hbm4b:s5+s2], $0x80, v3, vm0, $0xb8;
	[tilespmem:$0x10100] =	vst v63  }
0x12a: {  	s22 =	simm.s32 $0xD900  }
0x12b: {  	[tilespmem:s22], [sflag:$0x2] =	stream.indirect_vreg.gather [hbm4b:s6+s2], $0x80, v3, vm0, $0xb8;
	[tilespmem:$0x10100] =	vst v63  }
0x12c: {  	s23 =	simm.s32 $0xE100  }
0x12d: {  	[tilespmem:s23], [sflag:$0x2] =	stream.indirect_vreg.gather [hbm4b:s7+s2], $0x80, v3, vm0, $0xb8;
	[tilespmem:$0x10100] =	vst v63  }
0x12e: {  	s24 =	simm.s32 $0xE900  }
0x12f: {  	[tilespmem:s24], [sflag:$0x2] =	stream.indirect_vreg.gather [hbm4b:s8+s2], $0x80, v3, vm0, $0xb8;
	[tilespmem:$0x10100] =	vst v63  }
0x130: {  	s25 =	simm.s32 $0xF100  }
0x131: {  	[tilespmem:s25], [sflag:$0x2] =	stream.indirect_vreg.gather [hbm4b:s9+s2], $0x80, v3, vm0, $0xb8;
	[tilespmem:$0x10100] =	vst v63  }
0x132: {  	s16 =	simm.s32 $0xF900  }
0x133: {  	[tilespmem:s16], [sflag:$0x2] =	stream.indirect_vreg.gather [hbm4b:s10+s2], $0x80, v3, vm0, $0xb8;
	[tilespmem:$0x10100] =	vst v63  }
0x134: {  	_ =	swait.ge [sflag:s17], $0x8000  }
0x135: {  	[sflag:s17] =	ssyncset.done $0x0  }
0x136: {  	s16 =	simm.s32 $0x100;
	s1 =	rddreg [dreg:$0xd];
	[sflag:s17] =	ssyncadd.s32 $0xFFFF8000  }
0x137: {  	[hbm4b:s1+s2] =	stream.linear.scatter [tilespmem:s16], [sflag:$0x3], $0x8000, $0x38;
	[tilespmem:$0x10100] =	vst v63  }
0x138: {  	_ =	swait.ge [sflag:s29], $0x8000  }
0x139: {  	[sflag:s29] =	ssyncset.done $0x0  }
0x13a: {  	s1 =	rddreg [dreg:$0xe];
	[sflag:s29] =	ssyncadd.s32 $0xFFFF8000  }
0x13b: {  	[tilespmem:s2], [sflag:$0x5] =	stream.linear.gather [hbm4b:s1+s2], $0x10, $0x38;
	[tilespmem:$0x10100] =	vst v63  }
0x13c: {  	_ =	swait.ge [sflag:s12], $0x10  }
0x13d: {  	[sflag:s12] =	ssyncset.done $0x0  }
0x13e: {  	[sflag:s12] =	ssyncadd.s32 $0xFFFFFFF0  }
0x13f: {  	v3 =	vld [tilespmem:$0x0];
	_ =	sdelay $0x4  }
0x140: {  	v62 =	vshll.u32 v3, $0x4  }
0x141: {  	v3 =	vand.u32 $0x7, v3;
	v4 =	vand.u32 $0xFFFFFF80, v62  }
0x142: {  	v3 =	vor.u32 v3, v4  }
0x143: {  	v4 =	vperm.xlane v3, v0;
	_ =	sdelay $0x1  }
0x144: {  	v4 =	vadd.s32 v1, v4;
	_ =	sdelay $0x4  }
0x145: {  	[tilespmem:s16], [sflag:$0x1] =	stream.indirect_vreg.gather [hbm4b:s3+s2], $0x80, v4, vm0, $0xb8;
	[tilespmem:$0x10100] =	vst v63  }
0x146: {  	s1 =	simm.s32 $0x900  }
0x147: {  	[tilespmem:s1], [sflag:$0x1] =	stream.indirect_vreg.gather [hbm4b:s4+s2], $0x80, v4, vm0, $0xb8;
	[tilespmem:$0x10100] =	vst v63  }
0x148: {  	s1 =	simm.s32 $0x1100  }
0x149: {  	[tilespmem:s1], [sflag:$0x1] =	stream.indirect_vreg.gather [hbm4b:s5+s2], $0x80, v4, vm0, $0xb8;
	[tilespmem:$0x10100] =	vst v63  }
0x14a: {  	s1 =	simm.s32 $0x1900  }
0x14b: {  	[tilespmem:s1], [sflag:$0x1] =	stream.indirect_vreg.gather [hbm4b:s6+s2], $0x80, v4, vm0, $0xb8;
	[tilespmem:$0x10100] =	vst v63  }
0x14c: {  	s1 =	simm.s32 $0x2100  }
0x14d: {  	[tilespmem:s1], [sflag:$0x1] =	stream.indirect_vreg.gather [hbm4b:s7+s2], $0x80, v4, vm0, $0xb8;
	[tilespmem:$0x10100] =	vst v63  }
0x14e: {  	v3 =	vperm.xlane v3, v2;
	s1 =	simm.s32 $0x2900  }
0x14f: {  	[tilespmem:s1], [sflag:$0x1] =	stream.indirect_vreg.gather [hbm4b:s8+s2], $0x80, v4, vm0, $0xb8;
	[tilespmem:$0x10100] =	vst v63  }
0x150: {  	v3 =	vadd.s32 v1, v3;
	s1 =	simm.s32 $0x3100  }
0x151: {  	[tilespmem:s1], [sflag:$0x1] =	stream.indirect_vreg.gather [hbm4b:s9+s2], $0x80, v4, vm0, $0xb8;
	[tilespmem:$0x10100] =	vst v63  }
0x152: {  	s1 =	simm.s32 $0x3900  }
0x153: {  	[tilespmem:s1], [sflag:$0x1] =	stream.indirect_vreg.gather [hbm4b:s10+s2], $0x80, v4, vm0, $0xb8;
	[tilespmem:$0x10100] =	vst v63  }
0x154: {  	s1 =	simm.s32 $0x4100  }
0x155: {  	[tilespmem:s1], [sflag:$0x1] =	stream.indirect_vreg.gather [hbm4b:s3+s2], $0x80, v3, vm0, $0xb8;
	[tilespmem:$0x10100] =	vst v63  }
0x156: {  	s1 =	simm.s32 $0x4900  }
0x157: {  	[tilespmem:s1], [sflag:$0x1] =	stream.indirect_vreg.gather [hbm4b:s4+s2], $0x80, v3, vm0, $0xb8;
	[tilespmem:$0x10100] =	vst v63  }
0x158: {  	s1 =	simm.s32 $0x5100  }
0x159: {  	[tilespmem:s1], [sflag:$0x1] =	stream.indirect_vreg.gather [hbm4b:s5+s2], $0x80, v3, vm0, $0xb8;
	[tilespmem:$0x10100] =	vst v63  }
0x15a: {  	s1 =	simm.s32 $0x5900  }
0x15b: {  	[tilespmem:s1], [sflag:$0x1] =	stream.indirect_vreg.gather [hbm4b:s6+s2], $0x80, v3, vm0, $0xb8;
	[tilespmem:$0x10100] =	vst v63  }
0x15c: {  	s1 =	simm.s32 $0x6100  }
0x15d: {  	[tilespmem:s1], [sflag:$0x1] =	stream.indirect_vreg.gather [hbm4b:s7+s2], $0x80, v3, vm0, $0xb8;
	[tilespmem:$0x10100] =	vst v63  }
0x15e: {  	s1 =	simm.s32 $0x6900  }
0x15f: {  	[tilespmem:s1], [sflag:$0x1] =	stream.indirect_vreg.gather [hbm4b:s8+s2], $0x80, v3, vm0, $0xb8;
	[tilespmem:$0x10100] =	vst v63  }
0x160: {  	s1 =	simm.s32 $0x7100  }
0x161: {  	[tilespmem:s1], [sflag:$0x1] =	stream.indirect_vreg.gather [hbm4b:s9+s2], $0x80, v3, vm0, $0xb8;
	[tilespmem:$0x10100] =	vst v63  }
0x162: {  	s1 =	simm.s32 $0x7900  }
0x163: {  	[tilespmem:s1], [sflag:$0x1] =	stream.indirect_vreg.gather [hbm4b:s10+s2], $0x80, v3, vm0, $0xb8;
	[tilespmem:$0x10100] =	vst v63  }
0x164: {  	_ =	swait.ge [sflag:s30], $0x8000  }
0x165: {  	[sflag:s30] =	ssyncset.done $0x0  }
0x166: {  	s1 =	rddreg [dreg:$0xf];
	[sflag:s30] =	ssyncadd.s32 $0xFFFF8000  }
0x167: {  	[hbm4b:s1+s2] =	stream.linear.scatter [tilespmem:s13], [sflag:$0x4], $0x8000, $0x38;
	[tilespmem:$0x10100] =	vst v63  }
0x168: {  	_ =	swait.ge [sflag:s0], $0x8000  }
0x169: {  	[sflag:s0] =	ssyncset.done $0x0  }
0x16a: {  	s1 =	rddreg [dreg:$0x10];
	[sflag:s0] =	ssyncadd.s32 $0xFFFF8000  }
0x16b: {  	[tilespmem:s28], [sflag:$0x5] =	stream.linear.gather [hbm4b:s1+s2], $0x10, $0x38;
	[tilespmem:$0x10100] =	vst v63  }
0x16c: {  	_ =	swait.ge [sflag:s12], $0x10  }
0x16d: {  	[sflag:s12] =	ssyncset.done $0x0  }
0x16e: {  	[sflag:s12] =	ssyncadd.s32 $0xFFFFFFF0  }
0x16f: {  	v3 =	vld [tilespmem:$0x80];
	_ =	sdelay $0x4  }
0x170: {  	v63 =	vshll.u32 v3, $0x4  }
0x171: {  	v3 =	vand.u32 $0x7, v3;
	v4 =	vand.u32 $0xFFFFFF80, v63  }
0x172: {  	v3 =	vor.u32 v3, v4  }
0x173: {  	v4 =	vperm.xlane v3, v0;
	_ =	sdelay $0x1  }
0x174: {  	v4 =	vadd.s32 v1, v4;
	_ =	sdelay $0x4  }
0x175: {  	[tilespmem:s13], [sflag:$0x2] =	stream.indirect_vreg.gather [hbm4b:s3+s2], $0x80, v4, vm0, $0xb8;
	[tilespmem:$0x10100] =	vst v63  }
0x176: {  	_ = 	snop  }
0x177: {  	[tilespmem:s26], [sflag:$0x2] =	stream.indirect_vreg.gather [hbm4b:s4+s2], $0x80, v4, vm0, $0xb8;
	[tilespmem:$0x10100] =	vst v63  }
0x178: {  	_ = 	snop  }
0x179: {  	[tilespmem:s14], [sflag:$0x2] =	stream.indirect_vreg.gather [hbm4b:s5+s2], $0x80, v4, vm0, $0xb8;
	[tilespmem:$0x10100] =	vst v63  }
0x17a: {  	_ = 	snop  }
0x17b: {  	[tilespmem:s15], [sflag:$0x2] =	stream.indirect_vreg.gather [hbm4b:s6+s2], $0x80, v4, vm0, $0xb8;
	[tilespmem:$0x10100] =	vst v63  }
0x17c: {  	s14 =	simm.s32 $0xA100  }
0x17d: {  	[tilespmem:s14], [sflag:$0x2] =	stream.indirect_vreg.gather [hbm4b:s7+s2], $0x80, v4, vm0, $0xb8;
	[tilespmem:$0x10100] =	vst v63  }
0x17e: {  	v3 =	vperm.xlane v3, v2;
	s15 =	simm.s32 $0xA900  }
0x17f: {  	[tilespmem:s15], [sflag:$0x2] =	stream.indirect_vreg.gather [hbm4b:s8+s2], $0x80, v4, vm0, $0xb8;
	[tilespmem:$0x10100] =	vst v63  }
0x180: {  	v3 =	vadd.s32 v1, v3  }
0x181: {  	[tilespmem:s31], [sflag:$0x2] =	stream.indirect_vreg.gather [hbm4b:s9+s2], $0x80, v4, vm0, $0xb8;
	[tilespmem:$0x10100] =	vst v63  }
0x182: {  	_ = 	snop  }
0x183: {  	[tilespmem:s18], [sflag:$0x2] =	stream.indirect_vreg.gather [hbm4b:s10+s2], $0x80, v4, vm0, $0xb8;
	[tilespmem:$0x10100] =	vst v63  }
0x184: {  	_ = 	snop  }
0x185: {  	[tilespmem:s19], [sflag:$0x2] =	stream.indirect_vreg.gather [hbm4b:s3+s2], $0x80, v3, vm0, $0xb8;
	[tilespmem:$0x10100] =	vst v63  }
0x186: {  	_ = 	snop  }
0x187: {  	[tilespmem:s20], [sflag:$0x2] =	stream.indirect_vreg.gather [hbm4b:s4+s2], $0x80, v3, vm0, $0xb8;
	[tilespmem:$0x10100] =	vst v63  }
0x188: {  	_ = 	snop  }
0x189: {  	[tilespmem:s21], [sflag:$0x2] =	stream.indirect_vreg.gather [hbm4b:s5+s2], $0x80, v3, vm0, $0xb8;
	[tilespmem:$0x10100] =	vst v63  }
0x18a: {  	_ = 	snop  }
0x18b: {  	[tilespmem:s22], [sflag:$0x2] =	stream.indirect_vreg.gather [hbm4b:s6+s2], $0x80, v3, vm0, $0xb8;
	[tilespmem:$0x10100] =	vst v63  }
0x18c: {  	_ = 	snop  }
0x18d: {  	[tilespmem:s23], [sflag:$0x2] =	stream.indirect_vreg.gather [hbm4b:s7+s2], $0x80, v3, vm0, $0xb8;
	[tilespmem:$0x10100] =	vst v63  }
0x18e: {  	_ = 	snop  }
0x18f: {  	[tilespmem:s24], [sflag:$0x2] =	stream.indirect_vreg.gather [hbm4b:s8+s2], $0x80, v3, vm0, $0xb8;
	[tilespmem:$0x10100] =	vst v63  }
0x190: {  	_ = 	snop  }
0x191: {  	[tilespmem:s25], [sflag:$0x2] =	stream.indirect_vreg.gather [hbm4b:s9+s2], $0x80, v3, vm0, $0xb8;
	[tilespmem:$0x10100] =	vst v63  }
0x192: {  	s26 =	simm.s32 $0xF900  }
0x193: {  	[tilespmem:s26], [sflag:$0x2] =	stream.indirect_vreg.gather [hbm4b:s10+s2], $0x80, v3, vm0, $0xb8;
	[tilespmem:$0x10100] =	vst v63  }
0x194: {  	_ =	swait.ge [sflag:s17], $0x8000  }
0x195: {  	[sflag:s17] =	ssyncset.done $0x0  }
0x196: {  	s16 =	simm.s32 $0x100;
	s28 =	rddreg [dreg:$0x11];
	[sflag:s17] =	ssyncadd.s32 $0xFFFF8000  }
0x197: {  	[hbm4b:s28+s2] =	stream.linear.scatter [tilespmem:s16], [sflag:$0x3], $0x8000, $0x38;
	[tilespmem:$0x10100] =	vst v63  }
0x198: {  	_ =	swait.ge [sflag:s30], $0x8000  }
0x199: {  	[sflag:s30] =	ssyncset.done $0x0  }
0x19a: {  	s31 =	rddreg [dreg:$0x12];
	[sflag:s30] =	ssyncadd.s32 $0xFFFF8000  }
0x19b: {  	[hbm4b:s31+s2] =	stream.linear.scatter [tilespmem:s13], [sflag:$0x4], $0x8000, $0x38;
	[tilespmem:$0x10100] =	vst v63  }
0x19c: {  	p0 =	sne.s32 s11, $0x1;
	_ =	swait.ge [sflag:s29], $0x8000  }
.Ltmp0:
0x19d: {  	[sflag:s29] =	ssyncset.done $0x0;
	(pc) =	sbr.rel @p0 .LBB2_1-.Ltmp0, $4  }
0x19e: {  	[sflag:s29] =	ssyncadd.s32 $0xFFFF8000  }
0x19f: {  	_ =	swait.ge [sflag:s0], $0x8000  }
0x1a0: {  	[sflag:s0] =	ssyncset.done $0x0  }
0x1a1: {  	s11 =	sadd.s32 $0xFFFFFFFF, s11;
	[sflag:s0] =	ssyncadd.s32 $0xFFFF8000  }
0x1a2: {  	_ =	sfence.sel $0x180000  }
0x1a3: {  	[bflag:$0x0] =	sbarrier.arrive $0xFFFF  }
0x1a4: {  	_ =	strace $0x9000004A  }
0x1a5: {  	s0 =	stileid.u32;
	[bflag:$0x2] =	sbarrier.arrive $0xFFFF  }
0x1a6: {  	p0 =	sne.s32 s0, $0x0;
	s0 =	rddreg [dreg:$0x2]  }
0x1a7: {  	s0 =	sadd.s32 @!p0 $0x100000, s0  }
0x1a8: {  	[sflag:s0] =	ssyncadd.tile.s32 @!p0 $0x1;
	_ =	shalt  }
.Lfunc_end2:
_tile_overlayer_lowered:
.L_overlay_start_2:
0x1a9: {  	(tag) =	ssettag $0x2  }
0x1aa: {  	s0 =	rddreg [dreg:$0x0];
	s2 =	stileid.u32  }
0x1ab: {  	s1 =	rddreg [dreg:$0x1];
	p0 =	sne.s32 s2, $0x0  }
0x1ac: {  	s3 =	rddreg [dreg:$0x2];
	[bflag:$0x3] =	sbarrier.arrive $0xFFFF;
	s2 =	simm.s32 @!p0 $0x1C05  }
0x1ad: {  	[timem:s3], [sflag:s2] =	dma.local @!p0 [hbm:s0], s1  }
0x1ae: {  	s0 =	simm.s32 @!p0 $0x5  }
0x1af: {  	_ =	swait.ge @!p0 [sflag:s0], s1  }
0x1b0: {  	s1 =	ssub.s32 @!p0 $0x0, s1;
	[sflag:s0] =	ssyncset.done @!p0 $0x0  }
0x1b1: {  	[sflag:s0] =	ssyncadd.s32 @!p0 s1  }
0x1b2: {  	[bflag:$0x3] =	sbarrier.arrive $0xFFFF  }
0x1b3: {  	_ =	shalt  }

// kernel: kernel.7.cloned.1.call-start
scs
__scs_entry_jumppad:
0x0: {  	(pc) =	sbr.rel $0x88, $3  }
0x1: {  	(tag) =	ssettag $0x0;
	lr =	simm.s32 $0x1  }
0x2: {  	[smem:$0x3F9B] =	sst lr;
	_ =	strace $0xD0000000  }
0x3: {  	_ = 	snop  }
0x4: {  	_ = 	snop  }
0x5: {  	_ = 	snop  }
0x6: {  	_ = 	snop  }
0x7: {  	_ = 	snop  }
__scs_overlays_trampoline_lowered:
0x8: {  	[smem:$0x3FAA] =	sst s0  }
0x9: {  	[smem:$0x3FAB] =	sst s1  }
0xa: {  	[smem:$0x3FAC] =	sst s2  }
0xb: {  	[smem:$0x3FAD] =	sst s3  }
0xc: {  	[smem:$0x3FAE] =	sst s4  }
0xd: {  	[smem:$0x3FAF] =	sst s5  }
0xe: {  	[smem:$0x3FB0] =	sst s6  }
0xf: {  	[smem:$0x3FB1] =	sst s7  }
0x10: {  	[smem:$0x3FB2] =	sst s8  }
0x11: {  	[smem:$0x3FB3] =	sst s9;
	s0 =	simm.s32 @!p0 $0x0  }
0x12: {  	s1 =	sld [smem:$0x3F99];
	s0 =	simm.s32 @p0 $0x1  }
0x13: {  	[smem:$0x3FB4] =	sst s0;
	s0 =	simm.s32 @!p1 $0x0  }
0x14: {  	s2 =	sld [smem:$0x3F98];
	s0 =	simm.s32 @p1 $0x1  }
0x15: {  	[smem:$0x3FB5] =	sst s0;
	s0 =	simm.s32 @!p2 $0x0  }
0x16: {  	s3 =	sld [smem:$0x3FDB];
	s0 =	simm.s32 @p2 $0x1  }
0x17: {  	s4 =	simm.s32 $0x1BF5;
	[smem:$0x3FB7] =	sst s0  }
0x18: {  	s0 =	sld [smem:$0x3F9A];
	_ =	swait.ge [sflag:s4], $0x0  }
0x19: {  	s7 =	sld [smem:$0x3F9B]  }
0x1a: {  	s8 =	sadd.s32 $0xFFFFE003, lr  }
0x1b: {  	s9 =	sadd.s32 $0xFFFFFEF7, lr;
	s5 =	simm.s32 $0xFFFFFFFF;
	p2 =	slt.u32 s8, $0xFFFFF086  }
0x1c: {  	p1 =	slt.u32 s9, $0xF7A;
	s5 =	simm.s32 @!p2 $0x0  }
0x1d: {  	s5 =	simm.s32 @p1 $0x1;
	p0 =	seq.s32 s7, s2  }
0x1e: {  	s7 =	smul.u32 @!p0 $0xF7A, s2;
	p2 =	seq.s32 @!p0 s5, $0x0  }
0x1f: {  	s9 =	smul.u32 $0xF7A, s1;
	s8 =	simm.s32 @!p0 $0x1BF5;
	p2 =	por !p2, p0  }
0x20: {  	[sflag:s8] =	ssyncset.s32 @!p0 $0xFFFFF086;
	s6 =	sadd.s32 @!p0 s3, s7;
	s7 =	simm.s32 @!p0 $0x108  }
0x21: {  	s3 =	sadd.s32 s3, s9;
	s6 =	sadd.s32 @!p0 $0x88, s6;
	s7 =	simm.s32 @p2 $0x1082  }
0x22: {  	[simem:s7], [sflag:s8] =	dma.local @!p0 [hbm:s6], $0xF7A  }
0x23: {  	s9 =	sor.u32 $0xD0000000, s2;
	s6 =	simm.s32 $0x108;
	_ =	swait.ge @!p0 [sflag:s8], $0x0  }
0x24: {  	s3 =	sadd.s32 $0x88, s3;
	s6 =	simm.s32 @!p1 $0x1082;
	[sflag:s4] =	ssyncset.s32 $0xFFFFF086  }
0x25: {  	[simem:s6], [sflag:s4] =	dma.local [hbm:s3], $0xF7A  }
0x26: {  	[smem:$0x3F9B] =	sst s1;
	(tag) =	ssettag s2;
	_ =	strace s9  }
0x27: {  	s1 =	sld [smem:$0x3FAB]  }
0x28: {  	s2 =	sld [smem:$0x3FAC]  }
0x29: {  	s4 =	sld [smem:$0x3FAE]  }
0x2a: {  	p0 =	seq.s32 s5, $0x0;
	s5 =	sld [smem:$0x3FAF]  }
0x2b: {  	s6 =	sld [smem:$0x3FB0]  }
0x2c: {  	s7 =	sld [smem:$0x3FB1]  }
0x2d: {  	s3 =	simm.s32 $0x108;
	s8 =	sld [smem:$0x3FB2]  }
0x2e: {  	s3 =	simm.s32 @!p0 $0x1082;
	s9 =	sld [smem:$0x3FB3]  }
0x2f: {  	lr =	sadd.s32 s0, s3;
	s0 =	sld [smem:$0x3FAA]  }
0x30: {  	s3 =	sld [smem:$0x3FAD]  }
0x31: {  	[smem:$0x3FB6] =	sst s10  }
0x32: {  	s10 =	sld [smem:$0x3FB4];
	_ =	sdelay $0x3  }
0x33: {  	p0 =	seq.s32 s10, $0x1;
	s10 =	sld [smem:$0x3FB6];
	_ =	sdelay $0x3  }
0x34: {  	[smem:$0x3FB6] =	sst s10  }
0x35: {  	s10 =	sld [smem:$0x3FB5];
	_ =	sdelay $0x3  }
0x36: {  	p1 =	seq.s32 s10, $0x1;
	s10 =	sld [smem:$0x3FB6];
	_ =	sdelay $0x3  }
0x37: {  	[smem:$0x3FB6] =	sst s10  }
0x38: {  	s10 =	sld [smem:$0x3FB7]  }
0x39: {  	_ = 	snop;
	(pc) =	sbr.ind lr, $3  }
0x3a: {  	_ = 	snop  }
0x3b: {  	_ = 	snop  }
0x3c: {  	p2 =	seq.s32 s10, $0x1;
	s10 =	sld [smem:$0x3FB6]  }
0x3d: {  	_ =	shalt  }
0x3e: {  	_ =	shalt  }
0x3f: {  	_ =	shalt  }
0x40: {  	_ =	shalt  }
0x41: {  	_ =	shalt  }
0x42: {  	_ =	shalt  }
0x43: {  	_ =	shalt  }
0x44: {  	_ =	shalt  }
0x45: {  	_ =	shalt  }
0x46: {  	_ =	shalt  }
0x47: {  	_ =	shalt  }
0x48: {  	_ =	shalt  }
0x49: {  	_ =	shalt  }
0x4a: {  	_ =	shalt  }
0x4b: {  	_ =	shalt  }
0x4c: {  	_ =	shalt  }
0x4d: {  	_ =	shalt  }
0x4e: {  	_ =	shalt  }
0x4f: {  	_ =	shalt  }
0x50: {  	_ =	shalt  }
0x51: {  	_ =	shalt  }
0x52: {  	_ =	shalt  }
0x53: {  	_ =	shalt  }
0x54: {  	_ =	shalt  }
0x55: {  	_ =	shalt  }
0x56: {  	_ =	shalt  }
0x57: {  	_ =	shalt  }
0x58: {  	_ =	shalt  }
0x59: {  	_ =	shalt  }
0x5a: {  	_ =	shalt  }
0x5b: {  	_ =	shalt  }
0x5c: {  	_ =	shalt  }
0x5d: {  	_ =	shalt  }
0x5e: {  	_ =	shalt  }
0x5f: {  	_ =	shalt  }
0x60: {  	_ =	shalt  }
0x61: {  	_ =	shalt  }
0x62: {  	_ =	shalt  }
0x63: {  	_ =	shalt  }
0x64: {  	_ =	shalt  }
0x65: {  	_ =	shalt  }
0x66: {  	_ =	shalt  }
0x67: {  	_ =	shalt  }
0x68: {  	_ =	shalt  }
0x69: {  	_ =	shalt  }
0x6a: {  	_ =	shalt  }
0x6b: {  	_ =	shalt  }
0x6c: {  	_ =	shalt  }
0x6d: {  	_ =	shalt  }
0x6e: {  	_ =	shalt  }
0x6f: {  	_ =	shalt  }
0x70: {  	_ =	shalt  }
0x71: {  	_ =	shalt  }
0x72: {  	_ =	shalt  }
0x73: {  	_ =	shalt  }
0x74: {  	_ =	shalt  }
0x75: {  	_ =	shalt  }
0x76: {  	_ =	shalt  }
0x77: {  	_ =	shalt  }
0x78: {  	_ =	shalt  }
0x79: {  	_ =	shalt  }
0x7a: {  	_ =	shalt  }
0x7b: {  	_ =	shalt  }
0x7c: {  	_ =	shalt  }
0x7d: {  	_ =	shalt  }
0x7e: {  	_ =	shalt  }
0x7f: {  	_ =	shalt  }
0x80: {  	_ =	shalt  }
0x81: {  	_ =	shalt  }
0x82: {  	_ =	shalt  }
0x83: {  	_ =	shalt  }
0x84: {  	_ =	shalt  }
0x85: {  	_ =	shalt  }
0x86: {  	_ =	shalt  }
0x87: {  	_ =	shalt  }
.Lfunc_end0:
.L_simem_size_0:
called_computation_lowered:
.L_overlay_start_0:
0x88: {  	s2 =	sld [smem:$0x3FD9]  }
0x89: {  	s3 =	sld [smem:$0x3FFE];
	_ =	sdelay $0x1  }
0x8a: {  	s1 =	srdreg.scid  }
0x8b: {  	s0 =	sand.u32 $0x1, s1  }
0x8c: {  	s17 =	sshll.u32 s0, $0xA;
	s2 =	sadd.s32 s3, s2  }
0x8d: {  	s2 =	sadd.s32 s2, s17  }
0x8e: {  	[smem:$0x3FC2] =	sst s2  }
0x8f: {  	_ = 	snop  }
0x90: {  	s2 =	sld [smem:$0x3FC9]  }
0x91: {  	s18 =	sld [smem:$0x3FD0];
	(tm) =	ssettm $0x1  }
0x92: {  	s4 =	sld [smem:$0x3FFB];
	_ =	sdelay $0x3  }
0x93: {  	_ =	strace s4  }
0x94: {  	s4 =	sld [smem:$0x3FFC];
	_ =	sdelay $0x3  }
0x95: {  	_ =	strace s4  }
0x96: {  	s4 =	sld [smem:$0x3FFD];
	_ =	sdelay $0x3  }
0x97: {  	_ =	strace s4  }
0x98: {  	_ =	strace $0x8FFFFFFF  }
0x99: {  	s19 =	sld [smem:$0x3FDB];
	_ =	sdelay $0x1  }
0x9a: {  	s5 =	simm.s32 $_scs_section_size  }
0x9b: {  	s6 =	simm.s32 $_size__tile_overlayer_lowered;
	s7 =	simm.s32 $_tile_overlayer_lowered  }
0x9c: {  	s22 =	simm.s32 $0x1BFF;
	s21 =	sshll.u32 s7, $0x1;
	s4 =	sadd.s32 s5, s19  }
0x9d: {  	s8 =	simm.s32 $0x0;
	s20 =	sshll.u32 s6, $0x1;
	s6 =	sadd.s32 s21, s4  }
0x9e: {  	[timem:s8], [sflag:s22] =	dma.local [hbm:s6], s20  }
0x9f: {  	_ =	swait.ge [sflag:s22], s20  }
0xa0: {  	s5 =	ssub.s32 $0x0, s20;
	[sflag:s22] =	ssyncset.done $0x0  }
0xa1: {  	[sflag:s22] =	ssyncadd.s32 s5;
	_ =	sdelay $0x1  }
0xa2: {  	s23 =	simm.s32 $0x1B8B  }
0xa3: {  	_ =	swait.ge [sflag:s23], $0x1  }
0xa4: {  	[sflag:s23] =	ssyncset.done $0x0  }
0xa5: {  	s25 =	simm.s32 $0x1B8E;
	s24 =	sld [smem:$0x3FFE];
	[sflag:s23] =	ssyncadd.s32 $0xFFFFFFFF  }
0xa6: {  	s26 =	simm.s32 $execute0_lowered;
	[smem:$0x3FD2] =	sst s25  }
0xa7: {  	s6 =	sshll.u32 s26, $0x1;
	_ =	strace $0x80000046;
	[dreg:$0x1] =	wrdreg $0xFFFFFFFF  }
0xa8: {  	s28 =	simm.s32 $_size_execute0_lowered;
	s4 =	sadd.s32 s4, s6;
	[dreg:$0x0] =	wrdreg $0x0  }
0xa9: {  	s6 =	sshll.u32 s28, $0x1;
	[dreg:$0x2] =	wrdreg s4  }
0xaa: {  	[dreg:$0x3] =	wrdreg s6  }
0xab: {  	[dreg:$0x4] =	wrdreg $0xC0  }
0xac: {  	_ =	task [dreg:s8], $0x5FFFF  }
0xad: {  	[dreg:$0x1] =	wrdreg $0xFFFFFFFF  }
0xae: {  	[dreg:$0x0] =	wrdreg $0x60  }
0xaf: {  	[dreg:$0x2] =	wrdreg s2  }
0xb0: {  	[dreg:$0x3] =	wrdreg s18  }
0xb1: {  	[dreg:$0x4] =	wrdreg s24  }
0xb2: {  	[dreg:$0x5] =	wrdreg $0x9  }
0xb3: {  	_ =	task.clear_ibuf [dreg:s8], $0x6FFFF;
	_ =	strace $0x90000046  }
0xb4: {  	s29 =	simm.s32 $0x9;
	_ =	strace $0x80000048  }
0xb5: {  	_ =	swait.ge [sflag:s29], $0x1  }
0xb6: {  	[sflag:s29] =	ssyncadd.s32 $0xFFFFFFFF  }
0xb7: {  	_ =	strace $0x90000048  }
0xb8: {  	_ =	sfence  }
0xb9: {  	s30 =	sld [smem:$0x0];
	_ =	sdelay $0x2  }
0xba: {  	s31 =	sshll.u32 s1, $0xD;
	s1 =	sshrl.u32 s1, $0x2  }
0xbb: {  	s3 =	sand.u32 $0x4000, s31;
	s1 =	sadd.s32 s1, s30  }
0xbc: {  	s0 =	sor.u32 s3, s0;
	s1 =	sshll.u32 s1, $0x11  }
0xbd: {  	s0 =	sor.u32 s1, s0  }
0xbe: {  	s0 =	sadd.s32 $0x8F2B, s0  }
0xbf: {  	[sflag:s0] =	ssyncadd.remote.s32 $0x1  }
0xc0: {  	_ =	sfence.sel $0xFFFF  }
0xc1: {  	[dreg:$0x0] =	wrdreg $0xFFFFFFFF;
	(pc) =	sbr.abs _section_cstart, $3  }
0xc2: {  	[dreg:$0x1] =	wrdreg $0xFFFFFFFF  }
0xc3: {  	_ =	task.clear_ibuf [dreg:s8], $0x2FFFF;
	_ =	strace $0x9FFFFFFF  }
0xc4: {  	(tm) =	ssettm $0x7FFFFFFF  }
0xc5: {  	_ =	shalt  }
tec
execute0_lowered:
.L_overlay_start_1:
0x0: {  	(tag) =	ssettag $0x1  }
0x1: {  	s0 =	srdreg.scid  }
0x2: {  	s3 =	stileid.u32;
	s2 =	sand.u32 $0x1, s0  }
0x3: {  	s4 =	sshll.u32 s3, $0x8;
	s5 =	sshll.u32 s2, $0x7  }
0x4: {  	v14 =	vlaneseq.u32;
	vm0 =	vmmov $0xffff;
	s17 =	sor.u32 s5, s4  }
0x5: {  	v4 =	vshrl.u32 v14, $0x3;
	v3 =	vor.u32 $0x8, v14;
	v0 =	vor.u32 s17, v14  }
0x6: {  	v4 =	vmul.u32 $0x8, v4;
	v1 =	vmov s17;
	s16 =	sor.u32 $0x10, s17;
	s19 =	sor.u32 $0x30, s17;
	v0 =	vshrl.u32 v0, $0x1  }
0x7: {  	s1 =	rddreg [dreg:$0x0];
	s25 =	sor.u32 $0x60, s17;
	s28 =	sor.u32 $0x70, s17;
	v1 =	vshll.u32 v1, $0x3;
	v7 =	vmov s16;
	v10 =	vor.u32 s19, v14  }
0x8: {  	s0 =	rddreg [dreg:$0x1];
	v13 =	vmov s19;
	v20 =	vmov s25;
	v21 =	vmov s28  }
0x9: {  	s3 =	rddreg [dreg:$0x2];
	s4 =	simm.s32 $0x0;
	v2 =	vand.u32 $0x7, v0;
	v7 =	vshll.u32 v7, $0x3;
	v10 =	vshrl.u32 v10, $0x1  }
0xa: {  	s31 =	sadd.s32 $0x100, s1;
	[smem:$0x7FF] =	sst s4;
	v13 =	vshll.u32 v13, $0x3;
	v5 =	vor.u32 v1, v2;
	v2 =	vor.u32 s16, v14  }
0xb: {  	s6 =	sadd.s32 $0x200, s1;
	_ =	strace $0x80000047;
	[dreg:$0xd] =	wrdreg s31;
	v20 =	vshll.u32 v20, $0x3;
	v21 =	vshll.u32 v21, $0x3;
	v2 =	vshrl.u32 v2, $0x1  }
0xc: {  	s7 =	sadd.s32 $0x300, s1;
	s8 =	sadd.s32 $0x400, s1;
	[dreg:$0xe] =	wrdreg s6;
	v1 =	vand.u32 $0x7, v14;
	v15 =	vand.u32 $0x7, v10;
	v8 =	vand.u32 $0x7, v2  }
0xd: {  	[dreg:$0xf] =	wrdreg s7;
	s18 =	sshrl.u32 s16, $0x3;
	s16 =	sor.u32 $0x20, s17;
	v6 =	vperm.xlane v5, v1;
	v9 =	vperm.xlane v5, v3;
	v5 =	vor.u32 v7, v8  }
0xe: {  	s9 =	sadd.s32 $0x500, s1;
	s10 =	sadd.s32 $0x600, s1;
	[dreg:$0x10] =	wrdreg s8;
	v11 =	vmov s16;
	v7 =	vperm.xlane v5, v1;
	v8 =	vperm.xlane v5, v3  }
0xf: {  	s1 =	sadd.s32 $0x700, s1;
	s23 =	sor.u32 $0x50, s17;
	[dreg:$0x11] =	wrdreg s9;
	v5 =	vadd.s32 v4, v6;
	v6 =	vadd.s32 v4, v9;
	v9 =	vor.u32 s16, v14  }
0x10: {  	s11 =	sadd.s32 $0x100, s3;
	[dreg:$0x12] =	wrdreg s10;
	s20 =	sshrl.u32 s16, $0x3;
	v17 =	vor.u32 v13, v15;
	v13 =	vor.u32 s23, v14;
	v9 =	vshrl.u32 v9, $0x1  }
0x11: {  	[dreg:$0x13] =	wrdreg s1;
	s1 =	sadd.s32 s0, s20;
	s20 =	sor.u32 $0x40, s17;
	v11 =	vshll.u32 v11, $0x3;
	v23 =	vperm.xlane v17, v1;
	v12 =	vand.u32 $0x7, v9  }
0x12: {  	s13 =	sadd.s32 $0x300, s3;
	[dreg:$0x14] =	wrdreg s11;
	v7 =	vadd.s32 v4, v7;
	v16 =	vor.u32 v11, v12;
	v11 =	vor.u32 s20, v14  }
0x13: {  	s14 =	sadd.s32 $0x400, s3;
	[dreg:$0x16] =	wrdreg s13;
	v8 =	vadd.s32 v4, v8;
	v12 =	vmov s20;
	v11 =	vshrl.u32 v11, $0x1  }
0x14: {  	s15 =	sadd.s32 $0x500, s3;
	s12 =	sshrl.u32 s17, $0x3;
	[dreg:$0x17] =	wrdreg s14;
	v18 =	vshll.u32 v12, $0x3;
	v12 =	vshrl.u32 v13, $0x1;
	v13 =	vmov s23  }
0x15: {  	s12 =	sadd.s32 s0, s12;
	[dreg:$0x18] =	wrdreg s15;
	v15 =	vand.u32 $0x7, v11;
	v19 =	vshll.u32 v13, $0x3;
	v13 =	vor.u32 s25, v14  }
0x16: {  	s2 =	ssub.s32 $0x2, s2;
	s6 =	sadd.s32 $0x600, s3;
	[dreg:$0x4] =	wrdreg s12;
	v14 =	vor.u32 s28, v14;
	v18 =	vor.u32 v18, v15;
	v13 =	vshrl.u32 v13, $0x1  }
0x17: {  	s30 =	sshrl.u32 s2, $0x1;
	s12 =	sadd.s32 $0x200, s3;
	[dreg:$0x19] =	wrdreg s6;
	v15 =	vand.u32 $0x7, v12;
	v14 =	vshrl.u32 v14, $0x1;
	v22 =	vand.u32 $0x7, v13  }
0x18: {  	s21 =	sshrl.u32 s19, $0x3;
	s18 =	sadd.s32 s0, s18;
	[dreg:$0x15] =	wrdreg s12;
	v19 =	vor.u32 v19, v15;
	v15 =	vand.u32 $0x7, v14;
	v24 =	vperm.xlane v18, v3  }
0x19: {  	s29 =	sshrl.u32 s25, $0x3;
	s21 =	sadd.s32 s0, s21;
	[dreg:$0x5] =	wrdreg s18;
	v20 =	vor.u32 v20, v22;
	v22 =	vperm.xlane v16, v1;
	v16 =	vperm.xlane v16, v3  }
0x1a: {  	s2 =	ssub.s32 s2, s30;
	s30 =	sadd.s32 s0, s29;
	[dreg:$0x7] =	wrdreg s21;
	v21 =	vor.u32 v21, v15;
	v25 =	vperm.xlane v19, v3;
	v26 =	vperm.xlane v20, v3  }
0x1b: {  	s26 =	sshrl.u32 s23, $0x3;
	s3 =	sadd.s32 $0x700, s3;
	[dreg:$0xa] =	wrdreg s30;
	v27 =	vperm.xlane v21, v1;
	v15 =	vadd.s32 v4, v22;
	v22 =	vperm.xlane v17, v3  }
0x1c: {  	s18 =	sadd.s32 s0, s26;
	[dreg:$0x1a] =	wrdreg s3;
	v28 =	vperm.xlane v21, v3;
	v17 =	vadd.s32 v4, v23;
	v23 =	vperm.xlane v18, v1  }
0x1d: {  	[dreg:$0x9] =	wrdreg s18;
	s22 =	sshrl.u32 s20, $0x3;
	v16 =	vadd.s32 v4, v16;
	v18 =	vadd.s32 v4, v22;
	v22 =	vperm.xlane v19, v1  }
0x1e: {  	s31 =	sshrl.u32 s28, $0x3;
	[dreg:$0x6] =	wrdreg s1;
	s24 =	sadd.s32 s0, s22;
	v19 =	vadd.s32 v4, v23;
	v23 =	vperm.xlane v20, v1;
	v20 =	vadd.s32 v4, v24  }
0x1f: {  	s0 =	sadd.s32 s0, s31;
	[dreg:$0x8] =	wrdreg s24;
	v24 =	vadd.s32 v4, v26;
	v26 =	vadd.s32 v4, v28;
	v21 =	vadd.s32 v4, v22  }
0x20: {  	s6 =	simm.s32 $0x5;
	[dreg:$0xb] =	wrdreg s0;
	s0 =	smax.u32 s2, $0x1;
	v22 =	vadd.s32 v4, v25;
	v23 =	vadd.s32 v4, v23;
	v25 =	vadd.s32 v4, v27  }
.LBB2_1:
0x21: {  	[tilespmem:$0x0] =	vst v0;
	s8 =	simm.s32 $0x200;
	s3 =	rddreg [dreg:$0x0]  }
0x22: {  	[tilespmem:s8], [sflag:$0x1] =	stream.indirect_vreg.gather [hbm4b:s3+s4], $0x80, v5, vm0, $0xb8;
	[tilespmem:$0x10200] =	vst v63  }
0x23: {  	s9 =	simm.s32 $0xA00;
	s28 =	rddreg [dreg:$0xd]  }
0x24: {  	[tilespmem:s9], [sflag:$0x1] =	stream.indirect_vreg.gather [hbm4b:s28+s4], $0x80, v5, vm0, $0xb8;
	[tilespmem:$0x10200] =	vst v63  }
0x25: {  	s10 =	simm.s32 $0x1200;
	s7 =	rddreg [dreg:$0xe]  }
0x26: {  	[tilespmem:s10], [sflag:$0x1] =	stream.indirect_vreg.gather [hbm4b:s7+s4], $0x80, v5, vm0, $0xb8;
	[tilespmem:$0x10200] =	vst v63  }
0x27: {  	s11 =	simm.s32 $0x1A00;
	s8 =	rddreg [dreg:$0xf]  }
0x28: {  	[tilespmem:s11], [sflag:$0x1] =	stream.indirect_vreg.gather [hbm4b:s8+s4], $0x80, v5, vm0, $0xb8;
	[tilespmem:$0x10200] =	vst v63  }
0x29: {  	s12 =	simm.s32 $0x2200;
	s9 =	rddreg [dreg:$0x10]  }
0x2a: {  	[tilespmem:s12], [sflag:$0x1] =	stream.indirect_vreg.gather [hbm4b:s9+s4], $0x80, v5, vm0, $0xb8;
	[tilespmem:$0x10200] =	vst v63  }
0x2b: {  	s13 =	simm.s32 $0x2A00;
	s10 =	rddreg [dreg:$0x11]  }
0x2c: {  	[tilespmem:s13], [sflag:$0x1] =	stream.indirect_vreg.gather [hbm4b:s10+s4], $0x80, v5, vm0, $0xb8;
	[tilespmem:$0x10200] =	vst v63  }
0x2d: {  	s14 =	simm.s32 $0x3200;
	s11 =	rddreg [dreg:$0x12]  }
0x2e: {  	[tilespmem:s14], [sflag:$0x1] =	stream.indirect_vreg.gather [hbm4b:s11+s4], $0x80, v5, vm0, $0xb8;
	[tilespmem:$0x10200] =	vst v63  }
0x2f: {  	s15 =	simm.s32 $0x3A00;
	s12 =	rddreg [dreg:$0x13]  }
0x30: {  	[tilespmem:s15], [sflag:$0x1] =	stream.indirect_vreg.gather [hbm4b:s12+s4], $0x80, v5, vm0, $0xb8;
	[tilespmem:$0x10200] =	vst v63  }
0x31: {  	s16 =	simm.s32 $0x4200  }
0x32: {  	[tilespmem:s16], [sflag:$0x1] =	stream.indirect_vreg.gather [hbm4b:s3+s4], $0x80, v6, vm0, $0xb8;
	[tilespmem:$0x10200] =	vst v63  }
0x33: {  	s17 =	simm.s32 $0x4A00  }
0x34: {  	[tilespmem:s17], [sflag:$0x1] =	stream.indirect_vreg.gather [hbm4b:s28+s4], $0x80, v6, vm0, $0xb8;
	[tilespmem:$0x10200] =	vst v63  }
0x35: {  	s18 =	simm.s32 $0x5200  }
0x36: {  	[tilespmem:s18], [sflag:$0x1] =	stream.indirect_vreg.gather [hbm4b:s7+s4], $0x80, v6, vm0, $0xb8;
	[tilespmem:$0x10200] =	vst v63  }
0x37: {  	s19 =	simm.s32 $0x5A00  }
0x38: {  	[tilespmem:s19], [sflag:$0x1] =	stream.indirect_vreg.gather [hbm4b:s8+s4], $0x80, v6, vm0, $0xb8;
	[tilespmem:$0x10200] =	vst v63  }
0x39: {  	s20 =	simm.s32 $0x6200  }
0x3a: {  	[tilespmem:s20], [sflag:$0x1] =	stream.indirect_vreg.gather [hbm4b:s9+s4], $0x80, v6, vm0, $0xb8;
	[tilespmem:$0x10200] =	vst v63  }
0x3b: {  	s21 =	simm.s32 $0x6A00  }
0x3c: {  	[tilespmem:s21], [sflag:$0x1] =	stream.indirect_vreg.gather [hbm4b:s10+s4], $0x80, v6, vm0, $0xb8;
	[tilespmem:$0x10200] =	vst v63  }
0x3d: {  	s22 =	simm.s32 $0x7200  }
0x3e: {  	[tilespmem:s22], [sflag:$0x1] =	stream.indirect_vreg.gather [hbm4b:s11+s4], $0x80, v6, vm0, $0xb8;
	[tilespmem:$0x10200] =	vst v63  }
0x3f: {  	s23 =	simm.s32 $0x7A00  }
0x40: {  	[tilespmem:s23], [sflag:$0x1] =	stream.indirect_vreg.gather [hbm4b:s12+s4], $0x80, v6, vm0, $0xb8;
	[tilespmem:$0x10200] =	vst v63  }
0x41: {  	s24 =	simm.s32 $0x8200;
	[tilespmem:$0x80] =	vst v2  }
0x42: {  	[tilespmem:s24], [sflag:$0x2] =	stream.indirect_vreg.gather [hbm4b:s3+s4], $0x80, v7, vm0, $0xb8;
	[tilespmem:$0x10200] =	vst v63  }
0x43: {  	s25 =	simm.s32 $0x8A00  }
0x44: {  	[tilespmem:s25], [sflag:$0x2] =	stream.indirect_vreg.gather [hbm4b:s28+s4], $0x80, v7, vm0, $0xb8;
	[tilespmem:$0x10200] =	vst v63  }
0x45: {  	s26 =	simm.s32 $0x9200  }
0x46: {  	[tilespmem:s26], [sflag:$0x2] =	stream.indirect_vreg.gather [hbm4b:s7+s4], $0x80, v7, vm0, $0xb8;
	[tilespmem:$0x10200] =	vst v63  }
0x47: {  	s29 =	simm.s32 $0x9A00  }
0x48: {  	[tilespmem:s29], [sflag:$0x2] =	stream.indirect_vreg.gather [hbm4b:s8+s4], $0x80, v7, vm0, $0xb8;
	[tilespmem:$0x10200] =	vst v63  }
0x49: {  	s30 =	simm.s32 $0xA200  }
0x4a: {  	[tilespmem:s30], [sflag:$0x2] =	stream.indirect_vreg.gather [hbm4b:s9+s4], $0x80, v7, vm0, $0xb8;
	[tilespmem:$0x10200] =	vst v63  }
0x4b: {  	s31 =	simm.s32 $0xAA00  }
0x4c: {  	[tilespmem:s31], [sflag:$0x2] =	stream.indirect_vreg.gather [hbm4b:s10+s4], $0x80, v7, vm0, $0xb8;
	[tilespmem:$0x10200] =	vst v63  }
0x4d: {  	s2 =	simm.s32 $0xB200  }
0x4e: {  	[tilespmem:s2], [sflag:$0x2] =	stream.indirect_vreg.gather [hbm4b:s11+s4], $0x80, v7, vm0, $0xb8;
	[tilespmem:$0x10200] =	vst v63  }
0x4f: {  	[dreg:$0xc] =	wrdreg s0;
	s0 =	simm.s32 $0xBA00  }
0x50: {  	[tilespmem:s0], [sflag:$0x2] =	stream.indirect_vreg.gather [hbm4b:s12+s4], $0x80, v7, vm0, $0xb8;
	[tilespmem:$0x10200] =	vst v63  }
0x51: {  	s1 =	simm.s32 $0xC200  }
0x52: {  	[tilespmem:s1], [sflag:$0x2] =	stream.indirect_vreg.gather [hbm4b:s3+s4], $0x80, v8, vm0, $0xb8;
	[tilespmem:$0x10200] =	vst v63  }
0x53: {  	s13 =	simm.s32 $0xCA00  }
0x54: {  	[tilespmem:s13], [sflag:$0x2] =	stream.indirect_vreg.gather [hbm4b:s28+s4], $0x80, v8, vm0, $0xb8;
	[tilespmem:$0x10200] =	vst v63  }
0x55: {  	s14 =	simm.s32 $0xD200  }
0x56: {  	[tilespmem:s14], [sflag:$0x2] =	stream.indirect_vreg.gather [hbm4b:s7+s4], $0x80, v8, vm0, $0xb8;
	[tilespmem:$0x10200] =	vst v63  }
0x57: {  	s15 =	simm.s32 $0xDA00  }
0x58: {  	[tilespmem:s15], [sflag:$0x2] =	stream.indirect_vreg.gather [hbm4b:s8+s4], $0x80, v8, vm0, $0xb8;
	[tilespmem:$0x10200] =	vst v63  }
0x59: {  	s16 =	simm.s32 $0xE200  }
0x5a: {  	[tilespmem:s16], [sflag:$0x2] =	stream.indirect_vreg.gather [hbm4b:s9+s4], $0x80, v8, vm0, $0xb8;
	[tilespmem:$0x10200] =	vst v63  }
0x5b: {  	s17 =	simm.s32 $0xEA00  }
0x5c: {  	[tilespmem:s17], [sflag:$0x2] =	stream.indirect_vreg.gather [hbm4b:s10+s4], $0x80, v8, vm0, $0xb8;
	[tilespmem:$0x10200] =	vst v63  }
0x5d: {  	s18 =	simm.s32 $0xF200  }
0x5e: {  	[tilespmem:s18], [sflag:$0x2] =	stream.indirect_vreg.gather [hbm4b:s11+s4], $0x80, v8, vm0, $0xb8;
	[tilespmem:$0x10200] =	vst v63  }
0x5f: {  	s19 =	simm.s32 $0xFA00;
	s20 =	simm.s32 $0x1  }
0x60: {  	[tilespmem:s19], [sflag:$0x2] =	stream.indirect_vreg.gather [hbm4b:s12+s4], $0x80, v8, vm0, $0xb8;
	[tilespmem:$0x10200] =	vst v63  }
0x61: {  	_ =	swait.ge [sflag:s20], $0x8000  }
0x62: {  	[sflag:s20] =	ssyncset.done $0x0  }
0x63: {  	s22 =	simm.s32 $0x100;
	s21 =	rddreg [dreg:$0x4];
	[sflag:s20] =	ssyncadd.s32 $0xFFFF8000  }
0x64: {  	[tilespmem:s22], [sflag:$0x5] =	stream.linear.gather [hbm4b:s21+s4], $0x10, $0x38;
	[tilespmem:$0x10200] =	vst v63  }
0x65: {  	_ =	swait.ge [sflag:s6], $0x10  }
0x66: {  	[sflag:s6] =	ssyncset.done $0x0  }
0x67: {  	[sflag:s6] =	ssyncadd.s32 $0xFFFFFFF0  }
0x68: {  	v27 =	vld [tilespmem:$0x100];
	_ =	sdelay $0x4  }
0x69: {  	v28 =	vshll.u32 v27, $0x4  }
0x6a: {  	v27 =	vand.u32 $0x7, v27;
	v28 =	vand.u32 $0xFFFFFF80, v28  }
0x6b: {  	v27 =	vor.u32 v27, v28  }
0x6c: {  	v28 =	vperm.xlane v27, v1;
	_ =	sdelay $0x1  }
0x6d: {  	v28 =	vadd.s32 v4, v28;
	_ =	sdelay $0x3  }
0x6e: {  	s25 =	simm.s32 $0x200;
	s23 =	rddreg [dreg:$0x2]  }
0x6f: {  	[hbm4b:s23+s4] =	stream.indirect_vreg.scatter [tilespmem:s25], [sflag:$0x3], $0x80, v28, vm0, $0xb8;
	[tilespmem:$0x10200] =	vst v63  }
0x70: {  	s29 =	simm.s32 $0xA00;
	s13 =	rddreg [dreg:$0x14]  }
0x71: {  	[hbm4b:s13+s4] =	stream.indirect_vreg.scatter [tilespmem:s29], [sflag:$0x3], $0x80, v28, vm0, $0xb8;
	[tilespmem:$0x10200] =	vst v63  }
0x72: {  	s30 =	simm.s32 $0x1200;
	s14 =	rddreg [dreg:$0x15]  }
0x73: {  	[hbm4b:s14+s4] =	stream.indirect_vreg.scatter [tilespmem:s30], [sflag:$0x3], $0x80, v28, vm0, $0xb8;
	[tilespmem:$0x10200] =	vst v63  }
0x74: {  	s31 =	simm.s32 $0x1A00;
	s15 =	rddreg [dreg:$0x16]  }
0x75: {  	[hbm4b:s15+s4] =	stream.indirect_vreg.scatter [tilespmem:s31], [sflag:$0x3], $0x80, v28, vm0, $0xb8;
	[tilespmem:$0x10200] =	vst v63  }
0x76: {  	s26 =	simm.s32 $0x2200;
	s16 =	rddreg [dreg:$0x17]  }
0x77: {  	[hbm4b:s16+s4] =	stream.indirect_vreg.scatter [tilespmem:s26], [sflag:$0x3], $0x80, v28, vm0, $0xb8;
	[tilespmem:$0x10200] =	vst v63  }
0x78: {  	s17 =	rddreg [dreg:$0x18];
	v27 =	vperm.xlane v27, v3;
	s26 =	simm.s32 $0x2A00  }
0x79: {  	[hbm4b:s17+s4] =	stream.indirect_vreg.scatter [tilespmem:s26], [sflag:$0x3], $0x80, v28, vm0, $0xb8;
	[tilespmem:$0x10200] =	vst v63  }
0x7a: {  	s0 =	simm.s32 $0x3200;
	s18 =	rddreg [dreg:$0x19];
	v27 =	vadd.s32 v4, v27  }
0x7b: {  	[hbm4b:s18+s4] =	stream.indirect_vreg.scatter [tilespmem:s0], [sflag:$0x3], $0x80, v28, vm0, $0xb8;
	[tilespmem:$0x10200] =	vst v63  }
0x7c: {  	s5 =	simm.s32 $0x3A00;
	s1 =	rddreg [dreg:$0x1a]  }
0x7d: {  	[hbm4b:s1+s4] =	stream.indirect_vreg.scatter [tilespmem:s5], [sflag:$0x3], $0x80, v28, vm0, $0xb8;
	[tilespmem:$0x10200] =	vst v63  }
0x7e: {  	s24 =	simm.s32 $0x4200  }
0x7f: {  	[hbm4b:s23+s4] =	stream.indirect_vreg.scatter [tilespmem:s24], [sflag:$0x3], $0x80, v27, vm0, $0xb8;
	[tilespmem:$0x10200] =	vst v63  }
0x80: {  	s2 =	simm.s32 $0x4A00  }
0x81: {  	[hbm4b:s13+s4] =	stream.indirect_vreg.scatter [tilespmem:s2], [sflag:$0x3], $0x80, v27, vm0, $0xb8;
	[tilespmem:$0x10200] =	vst v63  }
0x82: {  	s3 =	simm.s32 $0x5200  }
0x83: {  	[hbm4b:s14+s4] =	stream.indirect_vreg.scatter [tilespmem:s3], [sflag:$0x3], $0x80, v27, vm0, $0xb8;
	[tilespmem:$0x10200] =	vst v63  }
0x84: {  	s5 =	simm.s32 $0x5A00  }
0x85: {  	[hbm4b:s15+s4] =	stream.indirect_vreg.scatter [tilespmem:s5], [sflag:$0x3], $0x80, v27, vm0, $0xb8;
	[tilespmem:$0x10200] =	vst v63  }
0x86: {  	s20 =	simm.s32 $0x6200  }
0x87: {  	[hbm4b:s16+s4] =	stream.indirect_vreg.scatter [tilespmem:s20], [sflag:$0x3], $0x80, v27, vm0, $0xb8;
	[tilespmem:$0x10200] =	vst v63  }
0x88: {  	s21 =	simm.s32 $0x6A00  }
0x89: {  	[hbm4b:s17+s4] =	stream.indirect_vreg.scatter [tilespmem:s21], [sflag:$0x3], $0x80, v27, vm0, $0xb8;
	[tilespmem:$0x10200] =	vst v63  }
0x8a: {  	s22 =	simm.s32 $0x7200  }
0x8b: {  	[hbm4b:s18+s4] =	stream.indirect_vreg.scatter [tilespmem:s22], [sflag:$0x3], $0x80, v27, vm0, $0xb8;
	[tilespmem:$0x10200] =	vst v63  }
0x8c: {  	s19 =	simm.s32 $0x3;
	s23 =	simm.s32 $0x7A00  }
0x8d: {  	[hbm4b:s1+s4] =	stream.indirect_vreg.scatter [tilespmem:s23], [sflag:$0x3], $0x80, v27, vm0, $0xb8;
	[tilespmem:$0x10200] =	vst v63  }
0x8e: {  	_ =	swait.ge [sflag:s19], $0x8000  }
0x8f: {  	[sflag:s19] =	ssyncset.done $0x0  }
0x90: {  	[sflag:s19] =	ssyncadd.s32 $0xFFFF8000  }
0x91: {  	[tilespmem:$0x0] =	vst v9;
	s19 =	rddreg [dreg:$0x0]  }
0x92: {  	[tilespmem:s25], [sflag:$0x1] =	stream.indirect_vreg.gather [hbm4b:s19+s4], $0x80, v15, vm0, $0xb8;
	[tilespmem:$0x10200] =	vst v63  }
0x93: {  	_ = 	snop  }
0x94: {  	[tilespmem:s29], [sflag:$0x1] =	stream.indirect_vreg.gather [hbm4b:s28+s4], $0x80, v15, vm0, $0xb8;
	[tilespmem:$0x10200] =	vst v63  }
0x95: {  	_ = 	snop  }
0x96: {  	[tilespmem:s30], [sflag:$0x1] =	stream.indirect_vreg.gather [hbm4b:s7+s4], $0x80, v15, vm0, $0xb8;
	[tilespmem:$0x10200] =	vst v63  }
0x97: {  	_ = 	snop  }
0x98: {  	[tilespmem:s31], [sflag:$0x1] =	stream.indirect_vreg.gather [hbm4b:s8+s4], $0x80, v15, vm0, $0xb8;
	[tilespmem:$0x10200] =	vst v63  }
0x99: {  	s30 =	simm.s32 $0x2200  }
0x9a: {  	[tilespmem:s30], [sflag:$0x1] =	stream.indirect_vreg.gather [hbm4b:s9+s4], $0x80, v15, vm0, $0xb8;
	[tilespmem:$0x10200] =	vst v63  }
0x9b: {  	_ = 	snop  }
0x9c: {  	[tilespmem:s26], [sflag:$0x1] =	stream.indirect_vreg.gather [hbm4b:s10+s4], $0x80, v15, vm0, $0xb8;
	[tilespmem:$0x10200] =	vst v63  }
0x9d: {  	_ = 	snop  }
0x9e: {  	[tilespmem:s0], [sflag:$0x1] =	stream.indirect_vreg.gather [hbm4b:s11+s4], $0x80, v15, vm0, $0xb8;
	[tilespmem:$0x10200] =	vst v63  }
0x9f: {  	s31 =	simm.s32 $0x3A00  }
0xa0: {  	[tilespmem:s31], [sflag:$0x1] =	stream.indirect_vreg.gather [hbm4b:s12+s4], $0x80, v15, vm0, $0xb8;
	[tilespmem:$0x10200] =	vst v63  }
0xa1: {  	_ = 	snop  }
0xa2: {  	[tilespmem:s24], [sflag:$0x1] =	stream.indirect_vreg.gather [hbm4b:s19+s4], $0x80, v16, vm0, $0xb8;
	[tilespmem:$0x10200] =	vst v63  }
0xa3: {  	_ = 	snop  }
0xa4: {  	[tilespmem:s2], [sflag:$0x1] =	stream.indirect_vreg.gather [hbm4b:s28+s4], $0x80, v16, vm0, $0xb8;
	[tilespmem:$0x10200] =	vst v63  }
0xa5: {  	_ = 	snop  }
0xa6: {  	[tilespmem:s3], [sflag:$0x1] =	stream.indirect_vreg.gather [hbm4b:s7+s4], $0x80, v16, vm0, $0xb8;
	[tilespmem:$0x10200] =	vst v63  }
0xa7: {  	_ = 	snop  }
0xa8: {  	[tilespmem:s5], [sflag:$0x1] =	stream.indirect_vreg.gather [hbm4b:s8+s4], $0x80, v16, vm0, $0xb8;
	[tilespmem:$0x10200] =	vst v63  }
0xa9: {  	_ = 	snop  }
0xaa: {  	[tilespmem:s20], [sflag:$0x1] =	stream.indirect_vreg.gather [hbm4b:s9+s4], $0x80, v16, vm0, $0xb8;
	[tilespmem:$0x10200] =	vst v63  }
0xab: {  	_ = 	snop  }
0xac: {  	[tilespmem:s21], [sflag:$0x1] =	stream.indirect_vreg.gather [hbm4b:s10+s4], $0x80, v16, vm0, $0xb8;
	[tilespmem:$0x10200] =	vst v63  }
0xad: {  	_ = 	snop  }
0xae: {  	[tilespmem:s22], [sflag:$0x1] =	stream.indirect_vreg.gather [hbm4b:s11+s4], $0x80, v16, vm0, $0xb8;
	[tilespmem:$0x10200] =	vst v63  }
0xaf: {  	s21 =	simm.s32 $0x2  }
0xb0: {  	[tilespmem:s23], [sflag:$0x1] =	stream.indirect_vreg.gather [hbm4b:s12+s4], $0x80, v16, vm0, $0xb8;
	[tilespmem:$0x10200] =	vst v63  }
0xb1: {  	_ =	swait.ge [sflag:s21], $0x8000  }
0xb2: {  	[sflag:s21] =	ssyncset.done $0x0  }
0xb3: {  	s23 =	simm.s32 $0x180;
	s22 =	rddreg [dreg:$0x5];
	[sflag:s21] =	ssyncadd.s32 $0xFFFF8000  }
0xb4: {  	[tilespmem:s23], [sflag:$0x5] =	stream.linear.gather [hbm4b:s22+s4], $0x10, $0x38;
	[tilespmem:$0x10200] =	vst v63  }
0xb5: {  	_ =	swait.ge [sflag:s6], $0x10  }
0xb6: {  	[sflag:s6] =	ssyncset.done $0x0  }
0xb7: {  	[sflag:s6] =	ssyncadd.s32 $0xFFFFFFF0  }
0xb8: {  	v27 =	vld [tilespmem:$0x180];
	_ =	sdelay $0x4  }
0xb9: {  	v57 =	vshll.u32 v27, $0x4  }
0xba: {  	v27 =	vand.u32 $0x7, v27;
	v28 =	vand.u32 $0xFFFFFF80, v57  }
0xbb: {  	v27 =	vor.u32 v27, v28  }
0xbc: {  	v28 =	vperm.xlane v27, v1;
	_ =	sdelay $0x1  }
0xbd: {  	v28 =	vadd.s32 v4, v28;
	_ =	sdelay $0x3  }
0xbe: {  	s31 =	simm.s32 $0x8200;
	s26 =	rddreg [dreg:$0x2]  }
0xbf: {  	[hbm4b:s26+s4] =	stream.indirect_vreg.scatter [tilespmem:s31], [sflag:$0x4], $0x80, v28, vm0, $0xb8;
	[tilespmem:$0x10200] =	vst v63  }
0xc0: {  	s24 =	simm.s32 $0x8A00  }
0xc1: {  	[hbm4b:s13+s4] =	stream.indirect_vreg.scatter [tilespmem:s24], [sflag:$0x4], $0x80, v28, vm0, $0xb8;
	[tilespmem:$0x10200] =	vst v63  }
0xc2: {  	s25 =	simm.s32 $0x9200  }
0xc3: {  	[hbm4b:s14+s4] =	stream.indirect_vreg.scatter [tilespmem:s25], [sflag:$0x4], $0x80, v28, vm0, $0xb8;
	[tilespmem:$0x10200] =	vst v63  }
0xc4: {  	s30 =	simm.s32 $0x9A00  }
0xc5: {  	[hbm4b:s15+s4] =	stream.indirect_vreg.scatter [tilespmem:s30], [sflag:$0x4], $0x80, v28, vm0, $0xb8;
	[tilespmem:$0x10200] =	vst v63  }
0xc6: {  	s29 =	simm.s32 $0xA200  }
0xc7: {  	[hbm4b:s16+s4] =	stream.indirect_vreg.scatter [tilespmem:s29], [sflag:$0x4], $0x80, v28, vm0, $0xb8;
	[tilespmem:$0x10200] =	vst v63  }
0xc8: {  	v27 =	vperm.xlane v27, v3;
	s29 =	simm.s32 $0xAA00  }
0xc9: {  	[hbm4b:s17+s4] =	stream.indirect_vreg.scatter [tilespmem:s29], [sflag:$0x4], $0x80, v28, vm0, $0xb8;
	[tilespmem:$0x10200] =	vst v63  }
0xca: {  	s5 =	simm.s32 $0xB200;
	v27 =	vadd.s32 v4, v27  }
0xcb: {  	[hbm4b:s18+s4] =	stream.indirect_vreg.scatter [tilespmem:s5], [sflag:$0x4], $0x80, v28, vm0, $0xb8;
	[tilespmem:$0x10200] =	vst v63  }
0xcc: {  	s24 =	simm.s32 $0xBA00  }
0xcd: {  	[hbm4b:s1+s4] =	stream.indirect_vreg.scatter [tilespmem:s24], [sflag:$0x4], $0x80, v28, vm0, $0xb8;
	[tilespmem:$0x10200] =	vst v63  }
0xce: {  	s2 =	simm.s32 $0xC200  }
0xcf: {  	[hbm4b:s26+s4] =	stream.indirect_vreg.scatter [tilespmem:s2], [sflag:$0x4], $0x80, v27, vm0, $0xb8;
	[tilespmem:$0x10200] =	vst v63  }
0xd0: {  	s3 =	simm.s32 $0xCA00  }
0xd1: {  	[hbm4b:s13+s4] =	stream.indirect_vreg.scatter [tilespmem:s3], [sflag:$0x4], $0x80, v27, vm0, $0xb8;
	[tilespmem:$0x10200] =	vst v63  }
0xd2: {  	s19 =	simm.s32 $0xD200  }
0xd3: {  	[hbm4b:s14+s4] =	stream.indirect_vreg.scatter [tilespmem:s19], [sflag:$0x4], $0x80, v27, vm0, $0xb8;
	[tilespmem:$0x10200] =	vst v63  }
0xd4: {  	s25 =	simm.s32 $0xDA00  }
0xd5: {  	[hbm4b:s15+s4] =	stream.indirect_vreg.scatter [tilespmem:s25], [sflag:$0x4], $0x80, v27, vm0, $0xb8;
	[tilespmem:$0x10200] =	vst v63  }
0xd6: {  	s20 =	simm.s32 $0xE200  }
0xd7: {  	[hbm4b:s16+s4] =	stream.indirect_vreg.scatter [tilespmem:s20], [sflag:$0x4], $0x80, v27, vm0, $0xb8;
	[tilespmem:$0x10200] =	vst v63  }
0xd8: {  	s21 =	simm.s32 $0xEA00  }
0xd9: {  	[hbm4b:s17+s4] =	stream.indirect_vreg.scatter [tilespmem:s21], [sflag:$0x4], $0x80, v27, vm0, $0xb8;
	[tilespmem:$0x10200] =	vst v63  }
0xda: {  	s22 =	simm.s32 $0xF200  }
0xdb: {  	[hbm4b:s18+s4] =	stream.indirect_vreg.scatter [tilespmem:s22], [sflag:$0x4], $0x80, v27, vm0, $0xb8;
	[tilespmem:$0x10200] =	vst v63  }
0xdc: {  	s0 =	simm.s32 $0x4;
	s23 =	simm.s32 $0xFA00  }
0xdd: {  	[hbm4b:s1+s4] =	stream.indirect_vreg.scatter [tilespmem:s23], [sflag:$0x4], $0x80, v27, vm0, $0xb8;
	[tilespmem:$0x10200] =	vst v63  }
0xde: {  	_ =	swait.ge [sflag:s0], $0x8000  }
0xdf: {  	[sflag:s0] =	ssyncset.done $0x0  }
0xe0: {  	[sflag:s0] =	ssyncadd.s32 $0xFFFF8000  }
0xe1: {  	[tilespmem:$0x80] =	vst v10;
	s0 =	rddreg [dreg:$0x0]  }
0xe2: {  	[tilespmem:s31], [sflag:$0x2] =	stream.indirect_vreg.gather [hbm4b:s0+s4], $0x80, v17, vm0, $0xb8;
	[tilespmem:$0x10200] =	vst v63  }
0xe3: {  	s31 =	simm.s32 $0x8A00  }
0xe4: {  	[tilespmem:s31], [sflag:$0x2] =	stream.indirect_vreg.gather [hbm4b:s28+s4], $0x80, v17, vm0, $0xb8;
	[tilespmem:$0x10200] =	vst v63  }
0xe5: {  	s31 =	simm.s32 $0x9200  }
0xe6: {  	[tilespmem:s31], [sflag:$0x2] =	stream.indirect_vreg.gather [hbm4b:s7+s4], $0x80, v17, vm0, $0xb8;
	[tilespmem:$0x10200] =	vst v63  }
0xe7: {  	_ = 	snop  }
0xe8: {  	[tilespmem:s30], [sflag:$0x2] =	stream.indirect_vreg.gather [hbm4b:s8+s4], $0x80, v17, vm0, $0xb8;
	[tilespmem:$0x10200] =	vst v63  }
0xe9: {  	s31 =	simm.s32 $0xA200  }
0xea: {  	[tilespmem:s31], [sflag:$0x2] =	stream.indirect_vreg.gather [hbm4b:s9+s4], $0x80, v17, vm0, $0xb8;
	[tilespmem:$0x10200] =	vst v63  }
0xeb: {  	_ = 	snop  }
0xec: {  	[tilespmem:s29], [sflag:$0x2] =	stream.indirect_vreg.gather [hbm4b:s10+s4], $0x80, v17, vm0, $0xb8;
	[tilespmem:$0x10200] =	vst v63  }
0xed: {  	_ = 	snop  }
0xee: {  	[tilespmem:s5], [sflag:$0x2] =	stream.indirect_vreg.gather [hbm4b:s11+s4], $0x80, v17, vm0, $0xb8;
	[tilespmem:$0x10200] =	vst v63  }
0xef: {  	_ = 	snop  }
0xf0: {  	[tilespmem:s24], [sflag:$0x2] =	stream.indirect_vreg.gather [hbm4b:s12+s4], $0x80, v17, vm0, $0xb8;
	[tilespmem:$0x10200] =	vst v63  }
0xf1: {  	_ = 	snop  }
0xf2: {  	[tilespmem:s2], [sflag:$0x2] =	stream.indirect_vreg.gather [hbm4b:s0+s4], $0x80, v18, vm0, $0xb8;
	[tilespmem:$0x10200] =	vst v63  }
0xf3: {  	_ = 	snop  }
0xf4: {  	[tilespmem:s3], [sflag:$0x2] =	stream.indirect_vreg.gather [hbm4b:s28+s4], $0x80, v18, vm0, $0xb8;
	[tilespmem:$0x10200] =	vst v63  }
0xf5: {  	_ = 	snop  }
0xf6: {  	[tilespmem:s19], [sflag:$0x2] =	stream.indirect_vreg.gather [hbm4b:s7+s4], $0x80, v18, vm0, $0xb8;
	[tilespmem:$0x10200] =	vst v63  }
0xf7: {  	_ = 	snop  }
0xf8: {  	[tilespmem:s25], [sflag:$0x2] =	stream.indirect_vreg.gather [hbm4b:s8+s4], $0x80, v18, vm0, $0xb8;
	[tilespmem:$0x10200] =	vst v63  }
0xf9: {  	_ = 	snop  }
0xfa: {  	[tilespmem:s20], [sflag:$0x2] =	stream.indirect_vreg.gather [hbm4b:s9+s4], $0x80, v18, vm0, $0xb8;
	[tilespmem:$0x10200] =	vst v63  }
0xfb: {  	_ = 	snop  }
0xfc: {  	[tilespmem:s21], [sflag:$0x2] =	stream.indirect_vreg.gather [hbm4b:s10+s4], $0x80, v18, vm0, $0xb8;
	[tilespmem:$0x10200] =	vst v63  }
0xfd: {  	_ = 	snop  }
0xfe: {  	[tilespmem:s22], [sflag:$0x2] =	stream.indirect_vreg.gather [hbm4b:s11+s4], $0x80, v18, vm0, $0xb8;
	[tilespmem:$0x10200] =	vst v63  }
0xff: {  	s20 =	simm.s32 $0x1  }
0x100: {  	[tilespmem:s23], [sflag:$0x2] =	stream.indirect_vreg.gather [hbm4b:s12+s4], $0x80, v18, vm0, $0xb8;
	[tilespmem:$0x10200] =	vst v63  }
0x101: {  	_ =	swait.ge [sflag:s20], $0x8000  }
0x102: {  	[sflag:s20] =	ssyncset.done $0x0  }
0x103: {  	s22 =	simm.s32 $0x100;
	s21 =	rddreg [dreg:$0x6];
	[sflag:s20] =	ssyncadd.s32 $0xFFFF8000  }
0x104: {  	[tilespmem:s22], [sflag:$0x5] =	stream.linear.gather [hbm4b:s21+s4], $0x10, $0x38;
	[tilespmem:$0x10200] =	vst v63  }
0x105: {  	_ =	swait.ge [sflag:s6], $0x10  }
0x106: {  	[sflag:s6] =	ssyncset.done $0x0  }
0x107: {  	[sflag:s6] =	ssyncadd.s32 $0xFFFFFFF0  }
0x108: {  	v27 =	vld [tilespmem:$0x100];
	_ =	sdelay $0x4  }
0x109: {  	v58 =	vshll.u32 v27, $0x4  }
0x10a: {  	v27 =	vand.u32 $0x7, v27;
	v28 =	vand.u32 $0xFFFFFF80, v58  }
0x10b: {  	v27 =	vor.u32 v27, v28  }
0x10c: {  	v28 =	vperm.xlane v27, v1;
	_ =	sdelay $0x1  }
0x10d: {  	v28 =	vadd.s32 v4, v28;
	_ =	sdelay $0x3  }
0x10e: {  	s23 =	simm.s32 $0x200  }
0x10f: {  	[hbm4b:s26+s4] =	stream.indirect_vreg.scatter [tilespmem:s23], [sflag:$0x3], $0x80, v28, vm0, $0xb8;
	[tilespmem:$0x10200] =	vst v63  }
0x110: {  	s25 =	simm.s32 $0xA00  }
0x111: {  	[hbm4b:s13+s4] =	stream.indirect_vreg.scatter [tilespmem:s25], [sflag:$0x3], $0x80, v28, vm0, $0xb8;
	[tilespmem:$0x10200] =	vst v63  }
0x112: {  	s30 =	simm.s32 $0x1200  }
0x113: {  	[hbm4b:s14+s4] =	stream.indirect_vreg.scatter [tilespmem:s30], [sflag:$0x3], $0x80, v28, vm0, $0xb8;
	[tilespmem:$0x10200] =	vst v63  }
0x114: {  	s24 =	smov.u32 s26;
	s26 =	simm.s32 $0x1A00  }
0x115: {  	[hbm4b:s15+s4] =	stream.indirect_vreg.scatter [tilespmem:s26], [sflag:$0x3], $0x80, v28, vm0, $0xb8;
	[tilespmem:$0x10200] =	vst v63  }
0x116: {  	s31 =	simm.s32 $0x2200  }
0x117: {  	[hbm4b:s16+s4] =	stream.indirect_vreg.scatter [tilespmem:s31], [sflag:$0x3], $0x80, v28, vm0, $0xb8;
	[tilespmem:$0x10200] =	vst v63  }
0x118: {  	v27 =	vperm.xlane v27, v3;
	s26 =	simm.s32 $0x2A00  }
0x119: {  	[hbm4b:s17+s4] =	stream.indirect_vreg.scatter [tilespmem:s26], [sflag:$0x3], $0x80, v28, vm0, $0xb8;
	[tilespmem:$0x10200] =	vst v63  }
0x11a: {  	v27 =	vadd.s32 v4, v27;
	s25 =	simm.s32 $0x3200  }
0x11b: {  	[hbm4b:s18+s4] =	stream.indirect_vreg.scatter [tilespmem:s25], [sflag:$0x3], $0x80, v28, vm0, $0xb8;
	[tilespmem:$0x10200] =	vst v63  }
0x11c: {  	s2 =	simm.s32 $0x3A00  }
0x11d: {  	[hbm4b:s1+s4] =	stream.indirect_vreg.scatter [tilespmem:s2], [sflag:$0x3], $0x80, v28, vm0, $0xb8;
	[tilespmem:$0x10200] =	vst v63  }
0x11e: {  	s0 =	simm.s32 $0x4200  }
0x11f: {  	[hbm4b:s24+s4] =	stream.indirect_vreg.scatter [tilespmem:s0], [sflag:$0x3], $0x80, v27, vm0, $0xb8;
	[tilespmem:$0x10200] =	vst v63  }
0x120: {  	s5 =	simm.s32 $0x4A00  }
0x121: {  	[hbm4b:s13+s4] =	stream.indirect_vreg.scatter [tilespmem:s5], [sflag:$0x3], $0x80, v27, vm0, $0xb8;
	[tilespmem:$0x10200] =	vst v63  }
0x122: {  	s19 =	simm.s32 $0x5200  }
0x123: {  	[hbm4b:s14+s4] =	stream.indirect_vreg.scatter [tilespmem:s19], [sflag:$0x3], $0x80, v27, vm0, $0xb8;
	[tilespmem:$0x10200] =	vst v63  }
0x124: {  	s20 =	simm.s32 $0x5A00  }
0x125: {  	[hbm4b:s15+s4] =	stream.indirect_vreg.scatter [tilespmem:s20], [sflag:$0x3], $0x80, v27, vm0, $0xb8;
	[tilespmem:$0x10200] =	vst v63  }
0x126: {  	s21 =	simm.s32 $0x6200  }
0x127: {  	[hbm4b:s16+s4] =	stream.indirect_vreg.scatter [tilespmem:s21], [sflag:$0x3], $0x80, v27, vm0, $0xb8;
	[tilespmem:$0x10200] =	vst v63  }
0x128: {  	s22 =	simm.s32 $0x6A00  }
0x129: {  	[hbm4b:s17+s4] =	stream.indirect_vreg.scatter [tilespmem:s22], [sflag:$0x3], $0x80, v27, vm0, $0xb8;
	[tilespmem:$0x10200] =	vst v63  }
0x12a: {  	s24 =	simm.s32 $0x7200  }
0x12b: {  	[hbm4b:s18+s4] =	stream.indirect_vreg.scatter [tilespmem:s24], [sflag:$0x3], $0x80, v27, vm0, $0xb8;
	[tilespmem:$0x10200] =	vst v63  }
0x12c: {  	s29 =	simm.s32 $0x3;
	s3 =	simm.s32 $0x7A00  }
0x12d: {  	[hbm4b:s1+s4] =	stream.indirect_vreg.scatter [tilespmem:s3], [sflag:$0x3], $0x80, v27, vm0, $0xb8;
	[tilespmem:$0x10200] =	vst v63  }
0x12e: {  	_ =	swait.ge [sflag:s29], $0x8000  }
0x12f: {  	[sflag:s29] =	ssyncset.done $0x0  }
0x130: {  	[sflag:s29] =	ssyncadd.s32 $0xFFFF8000  }
0x131: {  	s29 =	simm.s32 $0x200;
	[tilespmem:$0x0] =	vst v11;
	s23 =	rddreg [dreg:$0x0]  }
0x132: {  	[tilespmem:s29], [sflag:$0x1] =	stream.indirect_vreg.gather [hbm4b:s23+s4], $0x80, v19, vm0, $0xb8;
	[tilespmem:$0x10200] =	vst v63  }
0x133: {  	s29 =	simm.s32 $0xA00  }
0x134: {  	[tilespmem:s29], [sflag:$0x1] =	stream.indirect_vreg.gather [hbm4b:s28+s4], $0x80, v19, vm0, $0xb8;
	[tilespmem:$0x10200] =	vst v63  }
0x135: {  	_ = 	snop  }
0x136: {  	[tilespmem:s30], [sflag:$0x1] =	stream.indirect_vreg.gather [hbm4b:s7+s4], $0x80, v19, vm0, $0xb8;
	[tilespmem:$0x10200] =	vst v63  }
0x137: {  	s30 =	simm.s32 $0x1A00  }
0x138: {  	[tilespmem:s30], [sflag:$0x1] =	stream.indirect_vreg.gather [hbm4b:s8+s4], $0x80, v19, vm0, $0xb8;
	[tilespmem:$0x10200] =	vst v63  }
0x139: {  	_ = 	snop  }
0x13a: {  	[tilespmem:s31], [sflag:$0x1] =	stream.indirect_vreg.gather [hbm4b:s9+s4], $0x80, v19, vm0, $0xb8;
	[tilespmem:$0x10200] =	vst v63  }
0x13b: {  	_ = 	snop  }
0x13c: {  	[tilespmem:s26], [sflag:$0x1] =	stream.indirect_vreg.gather [hbm4b:s10+s4], $0x80, v19, vm0, $0xb8;
	[tilespmem:$0x10200] =	vst v63  }
0x13d: {  	_ = 	snop  }
0x13e: {  	[tilespmem:s25], [sflag:$0x1] =	stream.indirect_vreg.gather [hbm4b:s11+s4], $0x80, v19, vm0, $0xb8;
	[tilespmem:$0x10200] =	vst v63  }
0x13f: {  	_ = 	snop  }
0x140: {  	[tilespmem:s2], [sflag:$0x1] =	stream.indirect_vreg.gather [hbm4b:s12+s4], $0x80, v19, vm0, $0xb8;
	[tilespmem:$0x10200] =	vst v63  }
0x141: {  	_ = 	snop  }
0x142: {  	[tilespmem:s0], [sflag:$0x1] =	stream.indirect_vreg.gather [hbm4b:s23+s4], $0x80, v20, vm0, $0xb8;
	[tilespmem:$0x10200] =	vst v63  }
0x143: {  	_ = 	snop  }
0x144: {  	[tilespmem:s5], [sflag:$0x1] =	stream.indirect_vreg.gather [hbm4b:s28+s4], $0x80, v20, vm0, $0xb8;
	[tilespmem:$0x10200] =	vst v63  }
0x145: {  	_ = 	snop  }
0x146: {  	[tilespmem:s19], [sflag:$0x1] =	stream.indirect_vreg.gather [hbm4b:s7+s4], $0x80, v20, vm0, $0xb8;
	[tilespmem:$0x10200] =	vst v63  }
0x147: {  	_ = 	snop  }
0x148: {  	[tilespmem:s20], [sflag:$0x1] =	stream.indirect_vreg.gather [hbm4b:s8+s4], $0x80, v20, vm0, $0xb8;
	[tilespmem:$0x10200] =	vst v63  }
0x149: {  	_ = 	snop  }
0x14a: {  	[tilespmem:s21], [sflag:$0x1] =	stream.indirect_vreg.gather [hbm4b:s9+s4], $0x80, v20, vm0, $0xb8;
	[tilespmem:$0x10200] =	vst v63  }
0x14b: {  	_ = 	snop  }
0x14c: {  	[tilespmem:s22], [sflag:$0x1] =	stream.indirect_vreg.gather [hbm4b:s10+s4], $0x80, v20, vm0, $0xb8;
	[tilespmem:$0x10200] =	vst v63  }
0x14d: {  	_ = 	snop  }
0x14e: {  	[tilespmem:s24], [sflag:$0x1] =	stream.indirect_vreg.gather [hbm4b:s11+s4], $0x80, v20, vm0, $0xb8;
	[tilespmem:$0x10200] =	vst v63  }
0x14f: {  	s22 =	simm.s32 $0x2  }
0x150: {  	[tilespmem:s3], [sflag:$0x1] =	stream.indirect_vreg.gather [hbm4b:s12+s4], $0x80, v20, vm0, $0xb8;
	[tilespmem:$0x10200] =	vst v63  }
0x151: {  	_ =	swait.ge [sflag:s22], $0x8000  }
0x152: {  	s31 =	smov.u32 s23;
	[sflag:s22] =	ssyncset.done $0x0  }
0x153: {  	s24 =	simm.s32 $0x180;
	s23 =	rddreg [dreg:$0x7];
	[sflag:s22] =	ssyncadd.s32 $0xFFFF8000  }
0x154: {  	[tilespmem:s24], [sflag:$0x5] =	stream.linear.gather [hbm4b:s23+s4], $0x10, $0x38;
	[tilespmem:$0x10200] =	vst v63  }
0x155: {  	_ =	swait.ge [sflag:s6], $0x10  }
0x156: {  	[sflag:s6] =	ssyncset.done $0x0  }
0x157: {  	[sflag:s6] =	ssyncadd.s32 $0xFFFFFFF0  }
0x158: {  	v27 =	vld [tilespmem:$0x180];
	_ =	sdelay $0x4  }
0x159: {  	v59 =	vshll.u32 v27, $0x4  }
0x15a: {  	v27 =	vand.u32 $0x7, v27;
	v28 =	vand.u32 $0xFFFFFF80, v59  }
0x15b: {  	v27 =	vor.u32 v27, v28  }
0x15c: {  	v28 =	vperm.xlane v27, v1;
	_ =	sdelay $0x1  }
0x15d: {  	v28 =	vadd.s32 v4, v28;
	_ =	sdelay $0x3  }
0x15e: {  	s25 =	simm.s32 $0x8200;
	s23 =	rddreg [dreg:$0x2]  }
0x15f: {  	[hbm4b:s23+s4] =	stream.indirect_vreg.scatter [tilespmem:s25], [sflag:$0x4], $0x80, v28, vm0, $0xb8;
	[tilespmem:$0x10200] =	vst v63  }
0x160: {  	s0 =	simm.s32 $0x8A00  }
0x161: {  	[hbm4b:s13+s4] =	stream.indirect_vreg.scatter [tilespmem:s0], [sflag:$0x4], $0x80, v28, vm0, $0xb8;
	[tilespmem:$0x10200] =	vst v63  }
0x162: {  	s26 =	simm.s32 $0x9200  }
0x163: {  	[hbm4b:s14+s4] =	stream.indirect_vreg.scatter [tilespmem:s26], [sflag:$0x4], $0x80, v28, vm0, $0xb8;
	[tilespmem:$0x10200] =	vst v63  }
0x164: {  	s29 =	simm.s32 $0x9A00  }
0x165: {  	[hbm4b:s15+s4] =	stream.indirect_vreg.scatter [tilespmem:s29], [sflag:$0x4], $0x80, v28, vm0, $0xb8;
	[tilespmem:$0x10200] =	vst v63  }
0x166: {  	s30 =	simm.s32 $0xA200  }
0x167: {  	[hbm4b:s16+s4] =	stream.indirect_vreg.scatter [tilespmem:s30], [sflag:$0x4], $0x80, v28, vm0, $0xb8;
	[tilespmem:$0x10200] =	vst v63  }
0x168: {  	v27 =	vperm.xlane v27, v3;
	s30 =	simm.s32 $0xAA00  }
0x169: {  	[hbm4b:s17+s4] =	stream.indirect_vreg.scatter [tilespmem:s30], [sflag:$0x4], $0x80, v28, vm0, $0xb8;
	[tilespmem:$0x10200] =	vst v63  }
0x16a: {  	v27 =	vadd.s32 v4, v27;
	s25 =	simm.s32 $0xB200  }
0x16b: {  	[hbm4b:s18+s4] =	stream.indirect_vreg.scatter [tilespmem:s25], [sflag:$0x4], $0x80, v28, vm0, $0xb8;
	[tilespmem:$0x10200] =	vst v63  }
0x16c: {  	s2 =	simm.s32 $0xBA00  }
0x16d: {  	[hbm4b:s1+s4] =	stream.indirect_vreg.scatter [tilespmem:s2], [sflag:$0x4], $0x80, v28, vm0, $0xb8;
	[tilespmem:$0x10200] =	vst v63  }
0x16e: {  	s24 =	simm.s32 $0xC200  }
0x16f: {  	[hbm4b:s23+s4] =	stream.indirect_vreg.scatter [tilespmem:s24], [sflag:$0x4], $0x80, v27, vm0, $0xb8;
	[tilespmem:$0x10200] =	vst v63  }
0x170: {  	s26 =	simm.s32 $0xCA00  }
0x171: {  	[hbm4b:s13+s4] =	stream.indirect_vreg.scatter [tilespmem:s26], [sflag:$0x4], $0x80, v27, vm0, $0xb8;
	[tilespmem:$0x10200] =	vst v63  }
0x172: {  	s29 =	simm.s32 $0xD200  }
0x173: {  	[hbm4b:s14+s4] =	stream.indirect_vreg.scatter [tilespmem:s29], [sflag:$0x4], $0x80, v27, vm0, $0xb8;
	[tilespmem:$0x10200] =	vst v63  }
0x174: {  	s5 =	simm.s32 $0xDA00  }
0x175: {  	[hbm4b:s15+s4] =	stream.indirect_vreg.scatter [tilespmem:s5], [sflag:$0x4], $0x80, v27, vm0, $0xb8;
	[tilespmem:$0x10200] =	vst v63  }
0x176: {  	s19 =	simm.s32 $0xE200  }
0x177: {  	[hbm4b:s16+s4] =	stream.indirect_vreg.scatter [tilespmem:s19], [sflag:$0x4], $0x80, v27, vm0, $0xb8;
	[tilespmem:$0x10200] =	vst v63  }
0x178: {  	s20 =	simm.s32 $0xEA00  }
0x179: {  	[hbm4b:s17+s4] =	stream.indirect_vreg.scatter [tilespmem:s20], [sflag:$0x4], $0x80, v27, vm0, $0xb8;
	[tilespmem:$0x10200] =	vst v63  }
0x17a: {  	s21 =	simm.s32 $0xF200  }
0x17b: {  	[hbm4b:s18+s4] =	stream.indirect_vreg.scatter [tilespmem:s21], [sflag:$0x4], $0x80, v27, vm0, $0xb8;
	[tilespmem:$0x10200] =	vst v63  }
0x17c: {  	s3 =	simm.s32 $0x4;
	s22 =	simm.s32 $0xFA00  }
0x17d: {  	[hbm4b:s1+s4] =	stream.indirect_vreg.scatter [tilespmem:s22], [sflag:$0x4], $0x80, v27, vm0, $0xb8;
	[tilespmem:$0x10200] =	vst v63  }
0x17e: {  	_ =	swait.ge [sflag:s3], $0x8000  }
0x17f: {  	[sflag:s3] =	ssyncset.done $0x0  }
0x180: {  	[sflag:s3] =	ssyncadd.s32 $0xFFFF8000  }
0x181: {  	s3 =	simm.s32 $0x8200;
	[tilespmem:$0x80] =	vst v12  }
0x182: {  	[tilespmem:s3], [sflag:$0x2] =	stream.indirect_vreg.gather [hbm4b:s31+s4], $0x80, v21, vm0, $0xb8;
	[tilespmem:$0x10200] =	vst v63  }
0x183: {  	_ = 	snop  }
0x184: {  	[tilespmem:s0], [sflag:$0x2] =	stream.indirect_vreg.gather [hbm4b:s28+s4], $0x80, v21, vm0, $0xb8;
	[tilespmem:$0x10200] =	vst v63  }
0x185: {  	s3 =	simm.s32 $0x9200  }
0x186: {  	[tilespmem:s3], [sflag:$0x2] =	stream.indirect_vreg.gather [hbm4b:s7+s4], $0x80, v21, vm0, $0xb8;
	[tilespmem:$0x10200] =	vst v63  }
0x187: {  	s3 =	simm.s32 $0x9A00  }
0x188: {  	[tilespmem:s3], [sflag:$0x2] =	stream.indirect_vreg.gather [hbm4b:s8+s4], $0x80, v21, vm0, $0xb8;
	[tilespmem:$0x10200] =	vst v63  }
0x189: {  	s3 =	simm.s32 $0xA200  }
0x18a: {  	[tilespmem:s3], [sflag:$0x2] =	stream.indirect_vreg.gather [hbm4b:s9+s4], $0x80, v21, vm0, $0xb8;
	[tilespmem:$0x10200] =	vst v63  }
0x18b: {  	_ = 	snop  }
0x18c: {  	[tilespmem:s30], [sflag:$0x2] =	stream.indirect_vreg.gather [hbm4b:s10+s4], $0x80, v21, vm0, $0xb8;
	[tilespmem:$0x10200] =	vst v63  }
0x18d: {  	_ = 	snop  }
0x18e: {  	[tilespmem:s25], [sflag:$0x2] =	stream.indirect_vreg.gather [hbm4b:s11+s4], $0x80, v21, vm0, $0xb8;
	[tilespmem:$0x10200] =	vst v63  }
0x18f: {  	_ = 	snop  }
0x190: {  	[tilespmem:s2], [sflag:$0x2] =	stream.indirect_vreg.gather [hbm4b:s12+s4], $0x80, v21, vm0, $0xb8;
	[tilespmem:$0x10200] =	vst v63  }
0x191: {  	_ = 	snop  }
0x192: {  	[tilespmem:s24], [sflag:$0x2] =	stream.indirect_vreg.gather [hbm4b:s31+s4], $0x80, v22, vm0, $0xb8;
	[tilespmem:$0x10200] =	vst v63  }
0x193: {  	_ = 	snop  }
0x194: {  	[tilespmem:s26], [sflag:$0x2] =	stream.indirect_vreg.gather [hbm4b:s28+s4], $0x80, v22, vm0, $0xb8;
	[tilespmem:$0x10200] =	vst v63  }
0x195: {  	_ = 	snop  }
0x196: {  	[tilespmem:s29], [sflag:$0x2] =	stream.indirect_vreg.gather [hbm4b:s7+s4], $0x80, v22, vm0, $0xb8;
	[tilespmem:$0x10200] =	vst v63  }
0x197: {  	_ = 	snop  }
0x198: {  	[tilespmem:s5], [sflag:$0x2] =	stream.indirect_vreg.gather [hbm4b:s8+s4], $0x80, v22, vm0, $0xb8;
	[tilespmem:$0x10200] =	vst v63  }
0x199: {  	_ = 	snop  }
0x19a: {  	[tilespmem:s19], [sflag:$0x2] =	stream.indirect_vreg.gather [hbm4b:s9+s4], $0x80, v22, vm0, $0xb8;
	[tilespmem:$0x10200] =	vst v63  }
0x19b: {  	_ = 	snop  }
0x19c: {  	[tilespmem:s20], [sflag:$0x2] =	stream.indirect_vreg.gather [hbm4b:s10+s4], $0x80, v22, vm0, $0xb8;
	[tilespmem:$0x10200] =	vst v63  }
0x19d: {  	_ = 	snop  }
0x19e: {  	[tilespmem:s21], [sflag:$0x2] =	stream.indirect_vreg.gather [hbm4b:s11+s4], $0x80, v22, vm0, $0xb8;
	[tilespmem:$0x10200] =	vst v63  }
0x19f: {  	s20 =	simm.s32 $0x1  }
0x1a0: {  	[tilespmem:s22], [sflag:$0x2] =	stream.indirect_vreg.gather [hbm4b:s12+s4], $0x80, v22, vm0, $0xb8;
	[tilespmem:$0x10200] =	vst v63  }
0x1a1: {  	_ =	swait.ge [sflag:s20], $0x8000  }
0x1a2: {  	[sflag:s20] =	ssyncset.done $0x0  }
0x1a3: {  	s22 =	simm.s32 $0x100;
	s21 =	rddreg [dreg:$0x8];
	[sflag:s20] =	ssyncadd.s32 $0xFFFF8000  }
0x1a4: {  	[tilespmem:s22], [sflag:$0x5] =	stream.linear.gather [hbm4b:s21+s4], $0x10, $0x38;
	[tilespmem:$0x10200] =	vst v63  }
0x1a5: {  	_ =	swait.ge [sflag:s6], $0x10  }
0x1a6: {  	[sflag:s6] =	ssyncset.done $0x0  }
0x1a7: {  	[sflag:s6] =	ssyncadd.s32 $0xFFFFFFF0  }
0x1a8: {  	v27 =	vld [tilespmem:$0x100];
	_ =	sdelay $0x4  }
0x1a9: {  	v60 =	vshll.u32 v27, $0x4  }
0x1aa: {  	v27 =	vand.u32 $0x7, v27;
	v28 =	vand.u32 $0xFFFFFF80, v60  }
0x1ab: {  	v27 =	vor.u32 v27, v28  }
0x1ac: {  	v28 =	vperm.xlane v27, v1;
	_ =	sdelay $0x1  }
0x1ad: {  	v28 =	vadd.s32 v4, v28;
	_ =	sdelay $0x3  }
0x1ae: {  	s30 =	simm.s32 $0x200  }
0x1af: {  	[hbm4b:s23+s4] =	stream.indirect_vreg.scatter [tilespmem:s30], [sflag:$0x3], $0x80, v28, vm0, $0xb8;
	[tilespmem:$0x10200] =	vst v63  }
0x1b0: {  	s31 =	simm.s32 $0xA00  }
0x1b1: {  	[hbm4b:s13+s4] =	stream.indirect_vreg.scatter [tilespmem:s31], [sflag:$0x3], $0x80, v28, vm0, $0xb8;
	[tilespmem:$0x10200] =	vst v63  }
0x1b2: {  	s25 =	simm.s32 $0x1200  }
0x1b3: {  	[hbm4b:s14+s4] =	stream.indirect_vreg.scatter [tilespmem:s25], [sflag:$0x3], $0x80, v28, vm0, $0xb8;
	[tilespmem:$0x10200] =	vst v63  }
0x1b4: {  	s26 =	simm.s32 $0x1A00  }
0x1b5: {  	[hbm4b:s15+s4] =	stream.indirect_vreg.scatter [tilespmem:s26], [sflag:$0x3], $0x80, v28, vm0, $0xb8;
	[tilespmem:$0x10200] =	vst v63  }
0x1b6: {  	s29 =	simm.s32 $0x2200  }
0x1b7: {  	[hbm4b:s16+s4] =	stream.indirect_vreg.scatter [tilespmem:s29], [sflag:$0x3], $0x80, v28, vm0, $0xb8;
	[tilespmem:$0x10200] =	vst v63  }
0x1b8: {  	v27 =	vperm.xlane v27, v3;
	s29 =	simm.s32 $0x2A00  }
0x1b9: {  	[hbm4b:s17+s4] =	stream.indirect_vreg.scatter [tilespmem:s29], [sflag:$0x3], $0x80, v28, vm0, $0xb8;
	[tilespmem:$0x10200] =	vst v63  }
0x1ba: {  	s2 =	simm.s32 $0x3200;
	v27 =	vadd.s32 v4, v27  }
0x1bb: {  	[hbm4b:s18+s4] =	stream.indirect_vreg.scatter [tilespmem:s2], [sflag:$0x3], $0x80, v28, vm0, $0xb8;
	[tilespmem:$0x10200] =	vst v63  }
0x1bc: {  	s19 =	simm.s32 $0x3A00  }
0x1bd: {  	[hbm4b:s1+s4] =	stream.indirect_vreg.scatter [tilespmem:s19], [sflag:$0x3], $0x80, v28, vm0, $0xb8;
	[tilespmem:$0x10200] =	vst v63  }
0x1be: {  	s26 =	simm.s32 $0x4200  }
0x1bf: {  	[hbm4b:s23+s4] =	stream.indirect_vreg.scatter [tilespmem:s26], [sflag:$0x3], $0x80, v27, vm0, $0xb8;
	[tilespmem:$0x10200] =	vst v63  }
0x1c0: {  	s3 =	simm.s32 $0x4A00  }
0x1c1: {  	[hbm4b:s13+s4] =	stream.indirect_vreg.scatter [tilespmem:s3], [sflag:$0x3], $0x80, v27, vm0, $0xb8;
	[tilespmem:$0x10200] =	vst v63  }
0x1c2: {  	s21 =	simm.s32 $0x5200  }
0x1c3: {  	[hbm4b:s14+s4] =	stream.indirect_vreg.scatter [tilespmem:s21], [sflag:$0x3], $0x80, v27, vm0, $0xb8;
	[tilespmem:$0x10200] =	vst v63  }
0x1c4: {  	s22 =	simm.s32 $0x5A00  }
0x1c5: {  	[hbm4b:s15+s4] =	stream.indirect_vreg.scatter [tilespmem:s22], [sflag:$0x3], $0x80, v27, vm0, $0xb8;
	[tilespmem:$0x10200] =	vst v63  }
0x1c6: {  	s23 =	simm.s32 $0x6200  }
0x1c7: {  	[hbm4b:s16+s4] =	stream.indirect_vreg.scatter [tilespmem:s23], [sflag:$0x3], $0x80, v27, vm0, $0xb8;
	[tilespmem:$0x10200] =	vst v63  }
0x1c8: {  	s24 =	simm.s32 $0x6A00  }
0x1c9: {  	[hbm4b:s17+s4] =	stream.indirect_vreg.scatter [tilespmem:s24], [sflag:$0x3], $0x80, v27, vm0, $0xb8;
	[tilespmem:$0x10200] =	vst v63  }
0x1ca: {  	s25 =	simm.s32 $0x7200  }
0x1cb: {  	[hbm4b:s18+s4] =	stream.indirect_vreg.scatter [tilespmem:s25], [sflag:$0x3], $0x80, v27, vm0, $0xb8;
	[tilespmem:$0x10200] =	vst v63  }
0x1cc: {  	s0 =	simm.s32 $0x3;
	s20 =	simm.s32 $0x7A00  }
0x1cd: {  	[hbm4b:s1+s4] =	stream.indirect_vreg.scatter [tilespmem:s20], [sflag:$0x3], $0x80, v27, vm0, $0xb8;
	[tilespmem:$0x10200] =	vst v63  }
0x1ce: {  	_ =	swait.ge [sflag:s0], $0x8000  }
0x1cf: {  	[sflag:s0] =	ssyncset.done $0x0  }
0x1d0: {  	[sflag:s0] =	ssyncadd.s32 $0xFFFF8000  }
0x1d1: {  	[tilespmem:$0x0] =	vst v13;
	s0 =	rddreg [dreg:$0x0]  }
0x1d2: {  	[tilespmem:s30], [sflag:$0x1] =	stream.indirect_vreg.gather [hbm4b:s0+s4], $0x80, v23, vm0, $0xb8;
	[tilespmem:$0x10200] =	vst v63  }
0x1d3: {  	_ = 	snop  }
0x1d4: {  	[tilespmem:s31], [sflag:$0x1] =	stream.indirect_vreg.gather [hbm4b:s28+s4], $0x80, v23, vm0, $0xb8;
	[tilespmem:$0x10200] =	vst v63  }
0x1d5: {  	s31 =	simm.s32 $0x1200  }
0x1d6: {  	[tilespmem:s31], [sflag:$0x1] =	stream.indirect_vreg.gather [hbm4b:s7+s4], $0x80, v23, vm0, $0xb8;
	[tilespmem:$0x10200] =	vst v63  }
0x1d7: {  	s30 =	simm.s32 $0x1A00  }
0x1d8: {  	[tilespmem:s30], [sflag:$0x1] =	stream.indirect_vreg.gather [hbm4b:s8+s4], $0x80, v23, vm0, $0xb8;
	[tilespmem:$0x10200] =	vst v63  }
0x1d9: {  	s31 =	simm.s32 $0x2200  }
0x1da: {  	[tilespmem:s31], [sflag:$0x1] =	stream.indirect_vreg.gather [hbm4b:s9+s4], $0x80, v23, vm0, $0xb8;
	[tilespmem:$0x10200] =	vst v63  }
0x1db: {  	_ = 	snop  }
0x1dc: {  	[tilespmem:s29], [sflag:$0x1] =	stream.indirect_vreg.gather [hbm4b:s10+s4], $0x80, v23, vm0, $0xb8;
	[tilespmem:$0x10200] =	vst v63  }
0x1dd: {  	_ = 	snop  }
0x1de: {  	[tilespmem:s2], [sflag:$0x1] =	stream.indirect_vreg.gather [hbm4b:s11+s4], $0x80, v23, vm0, $0xb8;
	[tilespmem:$0x10200] =	vst v63  }
0x1df: {  	_ = 	snop  }
0x1e0: {  	[tilespmem:s19], [sflag:$0x1] =	stream.indirect_vreg.gather [hbm4b:s12+s4], $0x80, v23, vm0, $0xb8;
	[tilespmem:$0x10200] =	vst v63  }
0x1e1: {  	_ = 	snop  }
0x1e2: {  	[tilespmem:s26], [sflag:$0x1] =	stream.indirect_vreg.gather [hbm4b:s0+s4], $0x80, v24, vm0, $0xb8;
	[tilespmem:$0x10200] =	vst v63  }
0x1e3: {  	_ = 	snop  }
0x1e4: {  	[tilespmem:s3], [sflag:$0x1] =	stream.indirect_vreg.gather [hbm4b:s28+s4], $0x80, v24, vm0, $0xb8;
	[tilespmem:$0x10200] =	vst v63  }
0x1e5: {  	_ = 	snop  }
0x1e6: {  	[tilespmem:s21], [sflag:$0x1] =	stream.indirect_vreg.gather [hbm4b:s7+s4], $0x80, v24, vm0, $0xb8;
	[tilespmem:$0x10200] =	vst v63  }
0x1e7: {  	_ = 	snop  }
0x1e8: {  	[tilespmem:s22], [sflag:$0x1] =	stream.indirect_vreg.gather [hbm4b:s8+s4], $0x80, v24, vm0, $0xb8;
	[tilespmem:$0x10200] =	vst v63  }
0x1e9: {  	_ = 	snop  }
0x1ea: {  	[tilespmem:s23], [sflag:$0x1] =	stream.indirect_vreg.gather [hbm4b:s9+s4], $0x80, v24, vm0, $0xb8;
	[tilespmem:$0x10200] =	vst v63  }
0x1eb: {  	_ = 	snop  }
0x1ec: {  	[tilespmem:s24], [sflag:$0x1] =	stream.indirect_vreg.gather [hbm4b:s10+s4], $0x80, v24, vm0, $0xb8;
	[tilespmem:$0x10200] =	vst v63  }
0x1ed: {  	_ = 	snop  }
0x1ee: {  	[tilespmem:s25], [sflag:$0x1] =	stream.indirect_vreg.gather [hbm4b:s11+s4], $0x80, v24, vm0, $0xb8;
	[tilespmem:$0x10200] =	vst v63  }
0x1ef: {  	_ = 	snop  }
0x1f0: {  	[tilespmem:s20], [sflag:$0x1] =	stream.indirect_vreg.gather [hbm4b:s12+s4], $0x80, v24, vm0, $0xb8;
	[tilespmem:$0x10200] =	vst v63  }
0x1f1: {  	s20 =	simm.s32 $0x2  }
0x1f2: {  	_ =	swait.ge [sflag:s20], $0x8000  }
0x1f3: {  	[sflag:s20] =	ssyncset.done $0x0  }
0x1f4: {  	s22 =	simm.s32 $0x180;
	s21 =	rddreg [dreg:$0x9];
	[sflag:s20] =	ssyncadd.s32 $0xFFFF8000  }
0x1f5: {  	[tilespmem:s22], [sflag:$0x5] =	stream.linear.gather [hbm4b:s21+s4], $0x10, $0x38;
	[tilespmem:$0x10200] =	vst v63  }
0x1f6: {  	_ =	swait.ge [sflag:s6], $0x10  }
0x1f7: {  	[sflag:s6] =	ssyncset.done $0x0  }
0x1f8: {  	[sflag:s6] =	ssyncadd.s32 $0xFFFFFFF0  }
0x1f9: {  	v27 =	vld [tilespmem:$0x180];
	_ =	sdelay $0x4  }
0x1fa: {  	v61 =	vshll.u32 v27, $0x4  }
0x1fb: {  	v27 =	vand.u32 $0x7, v27;
	v28 =	vand.u32 $0xFFFFFF80, v61  }
0x1fc: {  	v27 =	vor.u32 v27, v28  }
0x1fd: {  	v28 =	vperm.xlane v27, v1;
	_ =	sdelay $0x1  }
0x1fe: {  	v28 =	vadd.s32 v4, v28;
	_ =	sdelay $0x3  }
0x1ff: {  	s23 =	simm.s32 $0x8200;
	s24 =	rddreg [dreg:$0x2]  }
0x200: {  	[hbm4b:s24+s4] =	stream.indirect_vreg.scatter [tilespmem:s23], [sflag:$0x4], $0x80, v28, vm0, $0xb8;
	[tilespmem:$0x10200] =	vst v63  }
0x201: {  	s26 =	simm.s32 $0x8A00  }
0x202: {  	[hbm4b:s13+s4] =	stream.indirect_vreg.scatter [tilespmem:s26], [sflag:$0x4], $0x80, v28, vm0, $0xb8;
	[tilespmem:$0x10200] =	vst v63  }
0x203: {  	s31 =	simm.s32 $0x9200  }
0x204: {  	[hbm4b:s14+s4] =	stream.indirect_vreg.scatter [tilespmem:s31], [sflag:$0x4], $0x80, v28, vm0, $0xb8;
	[tilespmem:$0x10200] =	vst v63  }
0x205: {  	s29 =	simm.s32 $0x9A00  }
0x206: {  	[hbm4b:s15+s4] =	stream.indirect_vreg.scatter [tilespmem:s29], [sflag:$0x4], $0x80, v28, vm0, $0xb8;
	[tilespmem:$0x10200] =	vst v63  }
0x207: {  	s30 =	simm.s32 $0xA200  }
0x208: {  	[hbm4b:s16+s4] =	stream.indirect_vreg.scatter [tilespmem:s30], [sflag:$0x4], $0x80, v28, vm0, $0xb8;
	[tilespmem:$0x10200] =	vst v63  }
0x209: {  	s25 =	simm.s32 $0xAA00;
	v27 =	vperm.xlane v27, v3  }
0x20a: {  	[hbm4b:s17+s4] =	stream.indirect_vreg.scatter [tilespmem:s25], [sflag:$0x4], $0x80, v28, vm0, $0xb8;
	[tilespmem:$0x10200] =	vst v63  }
0x20b: {  	s2 =	simm.s32 $0xB200;
	v27 =	vadd.s32 v4, v27  }
0x20c: {  	[hbm4b:s18+s4] =	stream.indirect_vreg.scatter [tilespmem:s2], [sflag:$0x4], $0x80, v28, vm0, $0xb8;
	[tilespmem:$0x10200] =	vst v63  }
0x20d: {  	s29 =	simm.s32 $0xBA00  }
0x20e: {  	[hbm4b:s1+s4] =	stream.indirect_vreg.scatter [tilespmem:s29], [sflag:$0x4], $0x80, v28, vm0, $0xb8;
	[tilespmem:$0x10200] =	vst v63  }
0x20f: {  	s30 =	simm.s32 $0xC200  }
0x210: {  	[hbm4b:s24+s4] =	stream.indirect_vreg.scatter [tilespmem:s30], [sflag:$0x4], $0x80, v27, vm0, $0xb8;
	[tilespmem:$0x10200] =	vst v63  }
0x211: {  	s22 =	simm.s32 $0xCA00  }
0x212: {  	[hbm4b:s13+s4] =	stream.indirect_vreg.scatter [tilespmem:s22], [sflag:$0x4], $0x80, v27, vm0, $0xb8;
	[tilespmem:$0x10200] =	vst v63  }
0x213: {  	s23 =	simm.s32 $0xD200  }
0x214: {  	[hbm4b:s14+s4] =	stream.indirect_vreg.scatter [tilespmem:s23], [sflag:$0x4], $0x80, v27, vm0, $0xb8;
	[tilespmem:$0x10200] =	vst v63  }
0x215: {  	s24 =	simm.s32 $0xDA00  }
0x216: {  	[hbm4b:s15+s4] =	stream.indirect_vreg.scatter [tilespmem:s24], [sflag:$0x4], $0x80, v27, vm0, $0xb8;
	[tilespmem:$0x10200] =	vst v63  }
0x217: {  	s5 =	simm.s32 $0xE200  }
0x218: {  	[hbm4b:s16+s4] =	stream.indirect_vreg.scatter [tilespmem:s5], [sflag:$0x4], $0x80, v27, vm0, $0xb8;
	[tilespmem:$0x10200] =	vst v63  }
0x219: {  	s19 =	simm.s32 $0xEA00  }
0x21a: {  	[hbm4b:s17+s4] =	stream.indirect_vreg.scatter [tilespmem:s19], [sflag:$0x4], $0x80, v27, vm0, $0xb8;
	[tilespmem:$0x10200] =	vst v63  }
0x21b: {  	s20 =	simm.s32 $0xF200  }
0x21c: {  	[hbm4b:s18+s4] =	stream.indirect_vreg.scatter [tilespmem:s20], [sflag:$0x4], $0x80, v27, vm0, $0xb8;
	[tilespmem:$0x10200] =	vst v63  }
0x21d: {  	s0 =	simm.s32 $0x4;
	s21 =	simm.s32 $0xFA00  }
0x21e: {  	[hbm4b:s1+s4] =	stream.indirect_vreg.scatter [tilespmem:s21], [sflag:$0x4], $0x80, v27, vm0, $0xb8;
	[tilespmem:$0x10200] =	vst v63  }
0x21f: {  	_ =	swait.ge [sflag:s0], $0x8000  }
0x220: {  	[sflag:s0] =	ssyncset.done $0x0  }
0x221: {  	[sflag:s0] =	ssyncadd.s32 $0xFFFF8000  }
0x222: {  	s3 =	simm.s32 $0x8200;
	[tilespmem:$0x80] =	vst v14;
	s0 =	rddreg [dreg:$0x0]  }
0x223: {  	[tilespmem:s3], [sflag:$0x2] =	stream.indirect_vreg.gather [hbm4b:s0+s4], $0x80, v25, vm0, $0xb8;
	[tilespmem:$0x10200] =	vst v63  }
0x224: {  	_ = 	snop  }
0x225: {  	[tilespmem:s26], [sflag:$0x2] =	stream.indirect_vreg.gather [hbm4b:s28+s4], $0x80, v25, vm0, $0xb8;
	[tilespmem:$0x10200] =	vst v63  }
0x226: {  	_ = 	snop  }
0x227: {  	[tilespmem:s31], [sflag:$0x2] =	stream.indirect_vreg.gather [hbm4b:s7+s4], $0x80, v25, vm0, $0xb8;
	[tilespmem:$0x10200] =	vst v63  }
0x228: {  	s3 =	simm.s32 $0x9A00  }
0x229: {  	[tilespmem:s3], [sflag:$0x2] =	stream.indirect_vreg.gather [hbm4b:s8+s4], $0x80, v25, vm0, $0xb8;
	[tilespmem:$0x10200] =	vst v63  }
0x22a: {  	s3 =	simm.s32 $0xA200  }
0x22b: {  	[tilespmem:s3], [sflag:$0x2] =	stream.indirect_vreg.gather [hbm4b:s9+s4], $0x80, v25, vm0, $0xb8;
	[tilespmem:$0x10200] =	vst v63  }
0x22c: {  	_ = 	snop  }
0x22d: {  	[tilespmem:s25], [sflag:$0x2] =	stream.indirect_vreg.gather [hbm4b:s10+s4], $0x80, v25, vm0, $0xb8;
	[tilespmem:$0x10200] =	vst v63  }
0x22e: {  	_ = 	snop  }
0x22f: {  	[tilespmem:s2], [sflag:$0x2] =	stream.indirect_vreg.gather [hbm4b:s11+s4], $0x80, v25, vm0, $0xb8;
	[tilespmem:$0x10200] =	vst v63  }
0x230: {  	_ = 	snop  }
0x231: {  	[tilespmem:s29], [sflag:$0x2] =	stream.indirect_vreg.gather [hbm4b:s12+s4], $0x80, v25, vm0, $0xb8;
	[tilespmem:$0x10200] =	vst v63  }
0x232: {  	_ = 	snop  }
0x233: {  	[tilespmem:s30], [sflag:$0x2] =	stream.indirect_vreg.gather [hbm4b:s0+s4], $0x80, v26, vm0, $0xb8;
	[tilespmem:$0x10200] =	vst v63  }
0x234: {  	_ = 	snop  }
0x235: {  	[tilespmem:s22], [sflag:$0x2] =	stream.indirect_vreg.gather [hbm4b:s28+s4], $0x80, v26, vm0, $0xb8;
	[tilespmem:$0x10200] =	vst v63  }
0x236: {  	_ = 	snop  }
0x237: {  	[tilespmem:s23], [sflag:$0x2] =	stream.indirect_vreg.gather [hbm4b:s7+s4], $0x80, v26, vm0, $0xb8;
	[tilespmem:$0x10200] =	vst v63  }
0x238: {  	_ = 	snop  }
0x239: {  	[tilespmem:s24], [sflag:$0x2] =	stream.indirect_vreg.gather [hbm4b:s8+s4], $0x80, v26, vm0, $0xb8;
	[tilespmem:$0x10200] =	vst v63  }
0x23a: {  	_ = 	snop  }
0x23b: {  	[tilespmem:s5], [sflag:$0x2] =	stream.indirect_vreg.gather [hbm4b:s9+s4], $0x80, v26, vm0, $0xb8;
	[tilespmem:$0x10200] =	vst v63  }
0x23c: {  	_ = 	snop  }
0x23d: {  	[tilespmem:s19], [sflag:$0x2] =	stream.indirect_vreg.gather [hbm4b:s10+s4], $0x80, v26, vm0, $0xb8;
	[tilespmem:$0x10200] =	vst v63  }
0x23e: {  	_ = 	snop  }
0x23f: {  	[tilespmem:s20], [sflag:$0x2] =	stream.indirect_vreg.gather [hbm4b:s11+s4], $0x80, v26, vm0, $0xb8;
	[tilespmem:$0x10200] =	vst v63  }
0x240: {  	_ = 	snop  }
0x241: {  	[tilespmem:s21], [sflag:$0x2] =	stream.indirect_vreg.gather [hbm4b:s12+s4], $0x80, v26, vm0, $0xb8;
	[tilespmem:$0x10200] =	vst v63  }
0x242: {  	s21 =	simm.s32 $0x1  }
0x243: {  	_ =	swait.ge [sflag:s21], $0x8000  }
0x244: {  	[sflag:s21] =	ssyncset.done $0x0  }
0x245: {  	s24 =	simm.s32 $0x100;
	s23 =	rddreg [dreg:$0xa];
	[sflag:s21] =	ssyncadd.s32 $0xFFFF8000  }
0x246: {  	[tilespmem:s24], [sflag:$0x5] =	stream.linear.gather [hbm4b:s23+s4], $0x10, $0x38;
	[tilespmem:$0x10200] =	vst v63  }
0x247: {  	_ =	swait.ge [sflag:s6], $0x10  }
0x248: {  	[sflag:s6] =	ssyncset.done $0x0  }
0x249: {  	[sflag:s6] =	ssyncadd.s32 $0xFFFFFFF0  }
0x24a: {  	v27 =	vld [tilespmem:$0x100];
	_ =	sdelay $0x4  }
0x24b: {  	v62 =	vshll.u32 v27, $0x4  }
0x24c: {  	v27 =	vand.u32 $0x7, v27;
	v28 =	vand.u32 $0xFFFFFF80, v62  }
0x24d: {  	v27 =	vor.u32 v27, v28  }
0x24e: {  	v28 =	vperm.xlane v27, v1;
	_ =	sdelay $0x1  }
0x24f: {  	v28 =	vadd.s32 v4, v28;
	_ =	sdelay $0x3  }
0x250: {  	s2 =	simm.s32 $0x200;
	s7 =	rddreg [dreg:$0x2]  }
0x251: {  	[hbm4b:s7+s4] =	stream.indirect_vreg.scatter [tilespmem:s2], [sflag:$0x3], $0x80, v28, vm0, $0xb8;
	[tilespmem:$0x10200] =	vst v63  }
0x252: {  	s12 =	simm.s32 $0xA00  }
0x253: {  	[hbm4b:s13+s4] =	stream.indirect_vreg.scatter [tilespmem:s12], [sflag:$0x3], $0x80, v28, vm0, $0xb8;
	[tilespmem:$0x10200] =	vst v63  }
0x254: {  	s19 =	simm.s32 $0x1200  }
0x255: {  	[hbm4b:s14+s4] =	stream.indirect_vreg.scatter [tilespmem:s19], [sflag:$0x3], $0x80, v28, vm0, $0xb8;
	[tilespmem:$0x10200] =	vst v63  }
0x256: {  	s20 =	simm.s32 $0x1A00  }
0x257: {  	[hbm4b:s15+s4] =	stream.indirect_vreg.scatter [tilespmem:s20], [sflag:$0x3], $0x80, v28, vm0, $0xb8;
	[tilespmem:$0x10200] =	vst v63  }
0x258: {  	s21 =	simm.s32 $0x2200  }
0x259: {  	[hbm4b:s16+s4] =	stream.indirect_vreg.scatter [tilespmem:s21], [sflag:$0x3], $0x80, v28, vm0, $0xb8;
	[tilespmem:$0x10200] =	vst v63  }
0x25a: {  	s23 =	simm.s32 $0x2A00;
	v27 =	vperm.xlane v27, v3  }
0x25b: {  	[hbm4b:s17+s4] =	stream.indirect_vreg.scatter [tilespmem:s23], [sflag:$0x3], $0x80, v28, vm0, $0xb8;
	[tilespmem:$0x10200] =	vst v63  }
0x25c: {  	s24 =	simm.s32 $0x3200;
	v27 =	vadd.s32 v4, v27  }
0x25d: {  	[hbm4b:s18+s4] =	stream.indirect_vreg.scatter [tilespmem:s24], [sflag:$0x3], $0x80, v28, vm0, $0xb8;
	[tilespmem:$0x10200] =	vst v63  }
0x25e: {  	s2 =	simm.s32 $0x3A00  }
0x25f: {  	[hbm4b:s1+s4] =	stream.indirect_vreg.scatter [tilespmem:s2], [sflag:$0x3], $0x80, v28, vm0, $0xb8;
	[tilespmem:$0x10200] =	vst v63  }
0x260: {  	s12 =	simm.s32 $0x4200  }
0x261: {  	[hbm4b:s7+s4] =	stream.indirect_vreg.scatter [tilespmem:s12], [sflag:$0x3], $0x80, v27, vm0, $0xb8;
	[tilespmem:$0x10200] =	vst v63  }
0x262: {  	s19 =	simm.s32 $0x4A00  }
0x263: {  	[hbm4b:s13+s4] =	stream.indirect_vreg.scatter [tilespmem:s19], [sflag:$0x3], $0x80, v27, vm0, $0xb8;
	[tilespmem:$0x10200] =	vst v63  }
0x264: {  	s20 =	simm.s32 $0x5200  }
0x265: {  	[hbm4b:s14+s4] =	stream.indirect_vreg.scatter [tilespmem:s20], [sflag:$0x3], $0x80, v27, vm0, $0xb8;
	[tilespmem:$0x10200] =	vst v63  }
0x266: {  	s21 =	simm.s32 $0x5A00  }
0x267: {  	[hbm4b:s15+s4] =	stream.indirect_vreg.scatter [tilespmem:s21], [sflag:$0x3], $0x80, v27, vm0, $0xb8;
	[tilespmem:$0x10200] =	vst v63  }
0x268: {  	s23 =	simm.s32 $0x6200  }
0x269: {  	[hbm4b:s16+s4] =	stream.indirect_vreg.scatter [tilespmem:s23], [sflag:$0x3], $0x80, v27, vm0, $0xb8;
	[tilespmem:$0x10200] =	vst v63  }
0x26a: {  	s24 =	simm.s32 $0x6A00  }
0x26b: {  	[hbm4b:s17+s4] =	stream.indirect_vreg.scatter [tilespmem:s24], [sflag:$0x3], $0x80, v27, vm0, $0xb8;
	[tilespmem:$0x10200] =	vst v63  }
0x26c: {  	s2 =	simm.s32 $0x7200  }
0x26d: {  	[hbm4b:s18+s4] =	stream.indirect_vreg.scatter [tilespmem:s2], [sflag:$0x3], $0x80, v27, vm0, $0xb8;
	[tilespmem:$0x10200] =	vst v63  }
0x26e: {  	s12 =	simm.s32 $0x7A00;
	s19 =	simm.s32 $0x2  }
0x26f: {  	[hbm4b:s1+s4] =	stream.indirect_vreg.scatter [tilespmem:s12], [sflag:$0x3], $0x80, v27, vm0, $0xb8;
	[tilespmem:$0x10200] =	vst v63  }
0x270: {  	_ =	swait.ge [sflag:s19], $0x8000  }
0x271: {  	[sflag:s19] =	ssyncset.done $0x0  }
0x272: {  	s21 =	simm.s32 $0x180;
	s20 =	rddreg [dreg:$0xb];
	[sflag:s19] =	ssyncadd.s32 $0xFFFF8000  }
0x273: {  	[tilespmem:s21], [sflag:$0x5] =	stream.linear.gather [hbm4b:s20+s4], $0x10, $0x38;
	[tilespmem:$0x10200] =	vst v63  }
0x274: {  	_ =	swait.ge [sflag:s6], $0x10  }
0x275: {  	[sflag:s6] =	ssyncset.done $0x0  }
0x276: {  	[sflag:s6] =	ssyncadd.s32 $0xFFFFFFF0  }
0x277: {  	v27 =	vld [tilespmem:$0x180];
	_ =	sdelay $0x4  }
0x278: {  	v63 =	vshll.u32 v27, $0x4  }
0x279: {  	v27 =	vand.u32 $0x7, v27;
	v28 =	vand.u32 $0xFFFFFF80, v63  }
0x27a: {  	v27 =	vor.u32 v27, v28  }
0x27b: {  	v28 =	vperm.xlane v27, v1;
	_ =	sdelay $0x1  }
0x27c: {  	v28 =	vadd.s32 v4, v28;
	_ =	sdelay $0x3  }
0x27d: {  	s23 =	simm.s32 $0x8200  }
0x27e: {  	[hbm4b:s7+s4] =	stream.indirect_vreg.scatter [tilespmem:s23], [sflag:$0x4], $0x80, v28, vm0, $0xb8;
	[tilespmem:$0x10200] =	vst v63  }
0x27f: {  	s26 =	simm.s32 $0x8A00  }
0x280: {  	[hbm4b:s13+s4] =	stream.indirect_vreg.scatter [tilespmem:s26], [sflag:$0x4], $0x80, v28, vm0, $0xb8;
	[tilespmem:$0x10200] =	vst v63  }
0x281: {  	s31 =	simm.s32 $0x9200  }
0x282: {  	[hbm4b:s14+s4] =	stream.indirect_vreg.scatter [tilespmem:s31], [sflag:$0x4], $0x80, v28, vm0, $0xb8;
	[tilespmem:$0x10200] =	vst v63  }
0x283: {  	s24 =	simm.s32 $0x9A00  }
0x284: {  	[hbm4b:s15+s4] =	stream.indirect_vreg.scatter [tilespmem:s24], [sflag:$0x4], $0x80, v28, vm0, $0xb8;
	[tilespmem:$0x10200] =	vst v63  }
0x285: {  	s26 =	simm.s32 $0xA200  }
0x286: {  	[hbm4b:s16+s4] =	stream.indirect_vreg.scatter [tilespmem:s26], [sflag:$0x4], $0x80, v28, vm0, $0xb8;
	[tilespmem:$0x10200] =	vst v63  }
0x287: {  	s3 =	simm.s32 $0xAA00;
	v27 =	vperm.xlane v27, v3  }
0x288: {  	[hbm4b:s17+s4] =	stream.indirect_vreg.scatter [tilespmem:s3], [sflag:$0x4], $0x80, v28, vm0, $0xb8;
	[tilespmem:$0x10200] =	vst v63  }
0x289: {  	s25 =	simm.s32 $0xB200;
	v27 =	vadd.s32 v4, v27  }
0x28a: {  	[hbm4b:s18+s4] =	stream.indirect_vreg.scatter [tilespmem:s25], [sflag:$0x4], $0x80, v28, vm0, $0xb8;
	[tilespmem:$0x10200] =	vst v63  }
0x28b: {  	s29 =	simm.s32 $0xBA00  }
0x28c: {  	[hbm4b:s1+s4] =	stream.indirect_vreg.scatter [tilespmem:s29], [sflag:$0x4], $0x80, v28, vm0, $0xb8;
	[tilespmem:$0x10200] =	vst v63  }
0x28d: {  	s30 =	simm.s32 $0xC200  }
0x28e: {  	[hbm4b:s7+s4] =	stream.indirect_vreg.scatter [tilespmem:s30], [sflag:$0x4], $0x80, v27, vm0, $0xb8;
	[tilespmem:$0x10200] =	vst v63  }
0x28f: {  	s28 =	simm.s32 $0xCA00  }
0x290: {  	[hbm4b:s13+s4] =	stream.indirect_vreg.scatter [tilespmem:s28], [sflag:$0x4], $0x80, v27, vm0, $0xb8;
	[tilespmem:$0x10200] =	vst v63  }
0x291: {  	s22 =	simm.s32 $0xD200  }
0x292: {  	[hbm4b:s14+s4] =	stream.indirect_vreg.scatter [tilespmem:s22], [sflag:$0x4], $0x80, v27, vm0, $0xb8;
	[tilespmem:$0x10200] =	vst v63  }
0x293: {  	s8 =	simm.s32 $0xDA00  }
0x294: {  	[hbm4b:s15+s4] =	stream.indirect_vreg.scatter [tilespmem:s8], [sflag:$0x4], $0x80, v27, vm0, $0xb8;
	[tilespmem:$0x10200] =	vst v63  }
0x295: {  	s9 =	simm.s32 $0xE200  }
0x296: {  	[hbm4b:s16+s4] =	stream.indirect_vreg.scatter [tilespmem:s9], [sflag:$0x4], $0x80, v27, vm0, $0xb8;
	[tilespmem:$0x10200] =	vst v63  }
0x297: {  	s5 =	simm.s32 $0xEA00  }
0x298: {  	[hbm4b:s17+s4] =	stream.indirect_vreg.scatter [tilespmem:s5], [sflag:$0x4], $0x80, v27, vm0, $0xb8;
	[tilespmem:$0x10200] =	vst v63  }
0x299: {  	s10 =	simm.s32 $0xF200  }
0x29a: {  	[hbm4b:s18+s4] =	stream.indirect_vreg.scatter [tilespmem:s10], [sflag:$0x4], $0x80, v27, vm0, $0xb8;
	[tilespmem:$0x10200] =	vst v63  }
0x29b: {  	s11 =	simm.s32 $0xFA00;
	s29 =	simm.s32 $0x3;
	s28 =	rddreg [dreg:$0xc]  }
0x29c: {  	[hbm4b:s1+s4] =	stream.indirect_vreg.scatter [tilespmem:s11], [sflag:$0x4], $0x80, v27, vm0, $0xb8;
	[tilespmem:$0x10200] =	vst v63  }
0x29d: {  	p0 =	sne.s32 s28, $0x1;
	_ =	swait.ge [sflag:s29], $0x8000  }
.Ltmp0:
0x29e: {  	[sflag:s29] =	ssyncset.done $0x0;
	(pc) =	sbr.rel @p0 .LBB2_1-.Ltmp0, $4  }
0x29f: {  	s30 =	simm.s32 $0x4;
	[sflag:s29] =	ssyncadd.s32 $0xFFFF8000  }
0x2a0: {  	_ =	swait.ge [sflag:s30], $0x8000  }
0x2a1: {  	s31 =	simm.s32 $0x4;
	[sflag:s30] =	ssyncset.done $0x0  }
0x2a2: {  	s0 =	sadd.s32 $0xFFFFFFFF, s28;
	[sflag:s31] =	ssyncadd.s32 $0xFFFF8000  }
0x2a3: {  	_ =	sfence.sel $0x180000  }
0x2a4: {  	[bflag:$0x0] =	sbarrier.arrive $0xFFFF  }
0x2a5: {  	_ =	strace $0x90000047  }
0x2a6: {  	s0 =	stileid.u32;
	[bflag:$0x2] =	sbarrier.arrive $0xFFFF  }
0x2a7: {  	p0 =	sne.s32 s0, $0x0;
	s0 =	rddreg [dreg:$0x3]  }
0x2a8: {  	s0 =	sadd.s32 @!p0 $0x100000, s0  }
0x2a9: {  	[sflag:s0] =	ssyncadd.tile.s32 @!p0 $0x1;
	_ =	shalt  }
.Lfunc_end2:
_tile_overlayer_lowered:
.L_overlay_start_2:
0x2aa: {  	(tag) =	ssettag $0x2  }
0x2ab: {  	s0 =	rddreg [dreg:$0x0];
	s2 =	stileid.u32  }
0x2ac: {  	s1 =	rddreg [dreg:$0x1];
	p0 =	sne.s32 s2, $0x0  }
0x2ad: {  	s3 =	rddreg [dreg:$0x2];
	[bflag:$0x3] =	sbarrier.arrive $0xFFFF;
	s2 =	simm.s32 @!p0 $0x1C05  }
0x2ae: {  	[timem:s3], [sflag:s2] =	dma.local @!p0 [hbm:s0], s1  }
0x2af: {  	s0 =	simm.s32 @!p0 $0x5  }
0x2b0: {  	_ =	swait.ge @!p0 [sflag:s0], s1  }
0x2b1: {  	s1 =	ssub.s32 @!p0 $0x0, s1;
	[sflag:s0] =	ssyncset.done @!p0 $0x0  }
0x2b2: {  	[sflag:s0] =	ssyncadd.s32 @!p0 s1  }
0x2b3: {  	[bflag:$0x3] =	sbarrier.arrive $0xFFFF  }
0x2b4: {  	_ =	shalt  }

</sc_bundles>
